<compile_context>
chip_gen: v7x
topology: tpu7x:2x2x1
jax: 0.10.2.dev20260603
libtpu: 0.0.44.dev20260713+nightly
codegen_flags: <defaults>
</compile_context>

<pallas_src>
import functools

import jax
import jax.numpy as jnp
from jax import lax
from jax.experimental import pallas as pl
from jax.experimental.pallas import tpu as pltpu
from jax.experimental.pallas import tpu_sc as plsc

N = 100000
K_NB = 10
K_CTRL = 80
EPS = 1e-8
LANES = 16
GROUPS_PER_WORKER = 196
ROWS_PER_WORKER = GROUPS_PER_WORKER * LANES
NUM_WORKERS = 32
LAST_START = N - ROWS_PER_WORKER


def _rsqrt(x):
    x = jnp.maximum(x, jnp.float32(1e-30))
    i = plsc.bitcast(x, jnp.int32)
    i = jnp.int32(0x5F3759DF) - (i >> 1)
    y = plsc.bitcast(i, jnp.float32)
    for _ in range(3):
        y = y * (jnp.float32(1.5) - jnp.float32(0.5) * x * y * y)
    return y


def _sc_body(means_h, quats_h, w_h, idx_h, crot_h, cpos_h, ctr_h,
             outm_h, outq_h,
             idx_v, w_v, means_v, quats_v, outm_v, outq_v,
             pay_v, crot_v, cpos_v, ctr_v):
    wid = lax.axis_index("s") * 2 + lax.axis_index("c")
    s_row = jnp.minimum(wid * ROWS_PER_WORKER, LAST_START)

    pltpu.sync_copy(idx_h.at[pl.ds(s_row * K_NB, ROWS_PER_WORKER * K_NB)], idx_v)
    pltpu.sync_copy(w_h.at[pl.ds(s_row * K_NB, ROWS_PER_WORKER * K_NB)], w_v)
    pltpu.sync_copy(means_h.at[pl.ds(s_row * 3, ROWS_PER_WORKER * 3)], means_v)
    pltpu.sync_copy(quats_h.at[pl.ds(s_row * 4, ROWS_PER_WORKER * 4)], quats_v)
    pltpu.sync_copy(crot_h, crot_v)
    pltpu.sync_copy(cpos_h, cpos_v)
    pltpu.sync_copy(ctr_h, ctr_v)

    lane = lax.iota(jnp.int32, LANES)

    for cg in range(K_CTRL // LANES):
        c = cg * LANES + lane
        c4 = c * 4
        c3 = c * 3
        qw = plsc.load_gather(crot_v, [c4])
        qx = plsc.load_gather(crot_v, [c4 + 1])
        qy = plsc.load_gather(crot_v, [c4 + 2])
        qz = plsc.load_gather(crot_v, [c4 + 3])
        n2 = qw * qw + qx * qx + qy * qy + qz * qz
        inv = jnp.float32(1.0) / (n2 * _rsqrt(n2) + jnp.float32(EPS))
        nw, nx, ny, nz = qw * inv, qx * inv, qy * inv, qz * inv
        two = jnp.float32(2.0)
        one = jnp.float32(1.0)
        r00 = one - two * (ny * ny + nz * nz)
        r01 = two * (nx * ny - nw * nz)
        r02 = two * (nx * nz + nw * ny)
        r10 = two * (nx * ny + nw * nz)
        r11 = one - two * (nx * nx + nz * nz)
        r12 = two * (ny * nz - nw * nx)
        r20 = two * (nx * nz - nw * ny)
        r21 = two * (ny * nz + nw * nx)
        r22 = one - two * (nx * nx + ny * ny)
        px = plsc.load_gather(cpos_v, [c3])
        py = plsc.load_gather(cpos_v, [c3 + 1])
        pz = plsc.load_gather(cpos_v, [c3 + 2])
        tx = plsc.load_gather(ctr_v, [c3])
        ty = plsc.load_gather(ctr_v, [c3 + 1])
        tz = plsc.load_gather(ctr_v, [c3 + 2])
        b0 = px + tx - (r00 * px + r01 * py + r02 * pz)
        b1 = py + ty - (r10 * px + r11 * py + r12 * pz)
        b2 = pz + tz - (r20 * px + r21 * py + r22 * pz)
        p16 = c * 16
        payload = (r00, r01, r02, r10, r11, r12, r20, r21, r22,
                   b0, b1, b2, qw, qx, qy, qz)
        for j, val in enumerate(payload):
            plsc.store_scatter(pay_v, [p16 + j], val)

    def group(g, carry):
        r = g * LANES + lane
        riw = r * K_NB
        acc = [None] * 16
        for k in range(K_NB):
            ik = plsc.load_gather(idx_v, [riw + k])
            wk = plsc.load_gather(w_v, [riw + k])
            p = ik * 16
            for j in range(16):
                v = plsc.load_gather(pay_v, [p + j])
                t = wk * v
                acc[j] = t if k == 0 else acc[j] + t
        r3 = r * 3
        r4 = r * 4
        mx = plsc.load_gather(means_v, [r3])
        my = plsc.load_gather(means_v, [r3 + 1])
        mz = plsc.load_gather(means_v, [r3 + 2])
        ox = acc[0] * mx + acc[1] * my + acc[2] * mz + acc[9]
        oy = acc[3] * mx + acc[4] * my + acc[5] * mz + acc[10]
        oz = acc[6] * mx + acc[7] * my + acc[8] * mz + acc[11]
        plsc.store_scatter(outm_v, [r3], ox)
        plsc.store_scatter(outm_v, [r3 + 1], oy)
        plsc.store_scatter(outm_v, [r3 + 2], oz)
        bw, bx, by, bz = acc[12], acc[13], acc[14], acc[15]
        n2 = bw * bw + bx * bx + by * by + bz * bz
        inv = jnp.float32(1.0) / (n2 * _rsqrt(n2) + jnp.float32(EPS))
        bw, bx, by, bz = bw * inv, bx * inv, by * inv, bz * inv
        qw = plsc.load_gather(quats_v, [r4])
        qx = plsc.load_gather(quats_v, [r4 + 1])
        qy = plsc.load_gather(quats_v, [r4 + 2])
        qz = plsc.load_gather(quats_v, [r4 + 3])
        ow = bw * qw - bx * qx - by * qy - bz * qz
        oxq = bw * qx + bx * qw + by * qz - bz * qy
        oyq = bw * qy - bx * qz + by * qw + bz * qx
        ozq = bw * qz + bx * qy - by * qx + bz * qw
        plsc.store_scatter(outq_v, [r4], ow)
        plsc.store_scatter(outq_v, [r4 + 1], oxq)
        plsc.store_scatter(outq_v, [r4 + 2], oyq)
        plsc.store_scatter(outq_v, [r4 + 3], ozq)
        return carry

    lax.fori_loop(0, GROUPS_PER_WORKER, group, 0)

    pltpu.sync_copy(outm_v, outm_h.at[pl.ds(s_row * 3, ROWS_PER_WORKER * 3)])
    pltpu.sync_copy(outq_v, outq_h.at[pl.ds(s_row * 4, ROWS_PER_WORKER * 4)])


@functools.partial(
    pl.kernel,
    out_type=[
        jax.ShapeDtypeStruct((N * 3,), jnp.float32),
        jax.ShapeDtypeStruct((N * 4,), jnp.float32),
    ],
    mesh=plsc.VectorSubcoreMesh(core_axis_name="c", subcore_axis_name="s"),
    compiler_params=pltpu.CompilerParams(needs_layout_passes=False),
    scratch_types=[
        pltpu.VMEM((ROWS_PER_WORKER * K_NB,), jnp.int32),
        pltpu.VMEM((ROWS_PER_WORKER * K_NB,), jnp.float32),
        pltpu.VMEM((ROWS_PER_WORKER * 3,), jnp.float32),
        pltpu.VMEM((ROWS_PER_WORKER * 4,), jnp.float32),
        pltpu.VMEM((ROWS_PER_WORKER * 3,), jnp.float32),
        pltpu.VMEM((ROWS_PER_WORKER * 4,), jnp.float32),
        pltpu.VMEM((K_CTRL * 16,), jnp.float32),
        pltpu.VMEM((K_CTRL * 4,), jnp.float32),
        pltpu.VMEM((K_CTRL * 3,), jnp.float32),
        pltpu.VMEM((K_CTRL * 3,), jnp.float32),
    ],
)
def _lbs_sc(means_h, quats_h, w_h, idx_h, crot_h, cpos_h, ctr_h,
            outm_h, outq_h, *scratch):
    _sc_body(means_h, quats_h, w_h, idx_h, crot_h, cpos_h, ctr_h,
             outm_h, outq_h, *scratch)


def kernel(means, quaternions, weights, indices,
           ctrl_translations, ctrl_rotations, ctrl_positions):
    outm, outq = _lbs_sc(
        means.reshape(-1).astype(jnp.float32),
        quaternions.reshape(-1).astype(jnp.float32),
        weights.reshape(-1).astype(jnp.float32),
        indices.reshape(-1).astype(jnp.int32),
        ctrl_rotations.reshape(-1).astype(jnp.float32),
        ctrl_positions.reshape(-1).astype(jnp.float32),
        ctrl_translations.reshape(-1).astype(jnp.float32),
    )
    return outm.reshape(N, 3), outq.reshape(N, 4)

# --- scband reference (transcript-rebuilt; emitter-appended) ---
"""Pipeline reference for scband-deformation4-d-7687991460415 (READ-ONLY COPY).

The authoritative reference and input builder live on the scoring server;
editing this copy changes nothing except your own understanding.
"""

import jax, jax.numpy as jnp
import numpy as np

EPS = 1e-8

def normalize_quaternion(q):
    return q / (jnp.linalg.norm(q, axis=-1, keepdims=True) + EPS)

def quaternion_to_rotation_matrix(q):
    q = normalize_quaternion(q)
    w, x, y, z = q[..., 0], q[..., 1], q[..., 2], q[..., 3]
    r0 = jnp.stack([1 - 2 * (y * y + z * z), 2 * (x * y - w * z), 2 * (x * z + w * y)], axis=-1)
    r1 = jnp.stack([2 * (x * y + w * z), 1 - 2 * (x * x + z * z), 2 * (y * z - w * x)], axis=-1)
    r2 = jnp.stack([2 * (x * z - w * y), 2 * (y * z + w * x), 1 - 2 * (x * x + y * y)], axis=-1)
    return jnp.stack([r0, r1, r2], axis=-2)

def quaternion_multiply(a, b):
    aw, ax, ay, az = a[..., 0], a[..., 1], a[..., 2], a[..., 3]
    bw, bx, by, bz = b[..., 0], b[..., 1], b[..., 2], b[..., 3]
    return jnp.stack([
        aw * bw - ax * bx - ay * by - az * bz,
        aw * bx + ax * bw + ay * bz - az * by,
        aw * by - ax * bz + ay * bw + az * bx,
        aw * bz + ax * by - ay * bx + az * bw,
    ], axis=-1)

def setup_inputs(seed: int = 0) -> dict:
    key = jax.random.key(seed)
    ks = jax.random.split(key, 8)
    N, K_nb, K_total = 100000, 10, 80
    means = jax.random.normal(ks[0], (N, 3), dtype=jnp.float32)
    quaternions = jax.random.normal(ks[1], (N, 4), dtype=jnp.float32)
    w = jax.random.uniform(ks[2], (N, K_nb), dtype=jnp.float32)
    weights = w / (jnp.sum(w, axis=-1, keepdims=True) + EPS)
    indices = jax.random.randint(ks[3], (N, K_nb), 0, K_total, dtype=jnp.int64 if jax.config.jax_enable_x64 else jnp.int32)
    ctrl_translations = jax.random.normal(ks[4], (K_total, 3), dtype=jnp.float32) * 0.1
    ctrl_rotations = jax.random.normal(ks[5], (K_total, 4), dtype=jnp.float32)
    ctrl_positions = jax.random.normal(ks[6], (K_total, 3), dtype=jnp.float32)
    return {
        'means': means,
        'quaternions': quaternions,
        'weights': weights,
        'indices': indices,
        'ctrl_translations': ctrl_translations,
        'ctrl_rotations': ctrl_rotations,
        'ctrl_positions': ctrl_positions,
    }

def reference(means, quaternions, weights, indices, ctrl_translations, ctrl_rotations, ctrl_positions):
    # LBS deformation (Deformation4D._lbs_deform), gather-heavy core of deform_frame
    nb_trans = jnp.take(ctrl_translations, indices, axis=0)   # [N, K_nb, 3]
    nb_rots = jnp.take(ctrl_rotations, indices, axis=0)        # [N, K_nb, 4]
    nb_pos = jnp.take(ctrl_positions, indices, axis=0)         # [N, K_nb, 3]
    diff = means[:, None, :] - nb_pos                          # [N, K_nb, 3]
    R_ctrl = quaternion_to_rotation_matrix(nb_rots)            # [N, K_nb, 3, 3]
    rotated_diff = jnp.einsum('nkij,nkj->nki', R_ctrl, diff)
    deformed_per_cp = rotated_diff + nb_pos + nb_trans
    w = weights[..., None]
    deformed_means = jnp.sum(w * deformed_per_cp, axis=1)
    blended_rot = jnp.sum(w * nb_rots, axis=1)
    blended_rot = normalize_quaternion(blended_rot)
    deformed_quats = quaternion_multiply(blended_rot, quaternions)
    return (deformed_means, deformed_quats)

if __name__ == "__main__":
    import jax
    _d = setup_inputs()
    print(jax.jit(kernel)(*tuple(_d.values())))

</pallas_src>

<mosaic_0001>
#map = affine_map<(d0, d1) -> (0)>
module attributes {stable_mosaic.version = 14 : i64} {
  func.func @_lbs_sc(%arg0: i32, %arg1: i32, %arg2: memref<300000xf32, #tpu.memory_space<hbm>>, %arg3: memref<400000xf32, #tpu.memory_space<hbm>>, %arg4: memref<1000000xf32, #tpu.memory_space<hbm>>, %arg5: memref<1000000xi32, #tpu.memory_space<hbm>>, %arg6: memref<320xf32, #tpu.memory_space<hbm>>, %arg7: memref<240xf32, #tpu.memory_space<hbm>>, %arg8: memref<240xf32, #tpu.memory_space<hbm>>, %arg9: memref<300000xf32, #tpu.memory_space<hbm>>, %arg10: memref<400000xf32, #tpu.memory_space<hbm>>, %arg11: memref<31360xi32, #tpu.memory_space<vmem>>, %arg12: memref<31360xf32, #tpu.memory_space<vmem>>, %arg13: memref<9408xf32, #tpu.memory_space<vmem>>, %arg14: memref<12544xf32, #tpu.memory_space<vmem>>, %arg15: memref<9408xf32, #tpu.memory_space<vmem>>, %arg16: memref<12544xf32, #tpu.memory_space<vmem>>, %arg17: memref<1280xf32, #tpu.memory_space<vmem>>, %arg18: memref<320xf32, #tpu.memory_space<vmem>>, %arg19: memref<240xf32, #tpu.memory_space<vmem>>, %arg20: memref<240xf32, #tpu.memory_space<vmem>>) attributes {dimension_semantics = [#tpu.dimension_semantics<core_parallel>, #tpu.dimension_semantics<subcore_parallel>], iteration_bounds = array<i64: 2, 16>, scalar_prefetch = 0 : i64, scratch_operands = 10 : i64, tpu.core_type = #tpu.core_type<sc_vector_subcore>, window_params = [{transform_indices = #map}, {transform_indices = #map}, {transform_indices = #map}, {transform_indices = #map}, {transform_indices = #map}, {transform_indices = #map}, {transform_indices = #map}, {transform_indices = #map}, {transform_indices = #map}]} {
    %mul3A = arith.constant 2 : i32
    %mul3A_0 = arith.muli %arg1, %mul3A : i32
    %add3A = arith.addi %mul3A_0, %arg0 : i32
    %mul3A_1 = arith.constant 3136 : i32
    %mul3A_2 = arith.muli %add3A, %mul3A_1 : i32
    %min3A = arith.constant 96864 : i32
    %min3A_3 = arith.minsi %mul3A_2, %min3A : i32
    %mul3A_4 = arith.constant 10 : i32
    %mul3A_5 = arith.muli %min3A_3, %mul3A_4 : i32
    "tpu.region"() ({
      %run_scoped3A = tpu.sem_alloc : memref<!tpu.dma_semaphore, #tpu.memory_space<semaphore_mem>>
      %dma_start3A = tpu.memref_slice %arg5[%mul3A_5] : memref<1000000xi32, #tpu.memory_space<hbm>> -> memref<31360xi32, #tpu.memory_space<hbm>>
      %dma_start3A_1170 = tpu.memref_slice %arg5[%mul3A_5] : memref<1000000xi32, #tpu.memory_space<hbm>> -> memref<31360xi32, #tpu.memory_space<hbm>>
      tpu.enqueue_dma source(%dma_start3A_1170 : memref<31360xi32, #tpu.memory_space<hbm>>) target(%arg11 : memref<31360xi32, #tpu.memory_space<vmem>>) target_semaphore(%run_scoped3A : memref<!tpu.dma_semaphore, #tpu.memory_space<semaphore_mem>>)
      %dma_wait3A = tpu.memref_slice %arg5[%mul3A_5] : memref<1000000xi32, #tpu.memory_space<hbm>> -> memref<31360xi32, #tpu.memory_space<hbm>>
      %dma_wait3A_1171 = tpu.memref_slice %arg5[%mul3A_5] : memref<1000000xi32, #tpu.memory_space<hbm>> -> memref<31360xi32, #tpu.memory_space<hbm>>
      tpu.wait_dma2 semaphore(%run_scoped3A : memref<!tpu.dma_semaphore, #tpu.memory_space<semaphore_mem>>) src(%dma_wait3A_1171 : memref<31360xi32, #tpu.memory_space<hbm>>) dst(%arg11 : memref<31360xi32, #tpu.memory_space<vmem>>)
      tpu.yield
    }) : () -> ()
    %mul3A_6 = arith.constant 10 : i32
    %mul3A_7 = arith.muli %min3A_3, %mul3A_6 : i32
    "tpu.region"() ({
      %run_scoped3A = tpu.sem_alloc : memref<!tpu.dma_semaphore, #tpu.memory_space<semaphore_mem>>
      %dma_start3A = tpu.memref_slice %arg4[%mul3A_7] : memref<1000000xf32, #tpu.memory_space<hbm>> -> memref<31360xf32, #tpu.memory_space<hbm>>
      %dma_start3A_1170 = tpu.memref_slice %arg4[%mul3A_7] : memref<1000000xf32, #tpu.memory_space<hbm>> -> memref<31360xf32, #tpu.memory_space<hbm>>
      tpu.enqueue_dma source(%dma_start3A_1170 : memref<31360xf32, #tpu.memory_space<hbm>>) target(%arg12 : memref<31360xf32, #tpu.memory_space<vmem>>) target_semaphore(%run_scoped3A : memref<!tpu.dma_semaphore, #tpu.memory_space<semaphore_mem>>)
      %dma_wait3A = tpu.memref_slice %arg4[%mul3A_7] : memref<1000000xf32, #tpu.memory_space<hbm>> -> memref<31360xf32, #tpu.memory_space<hbm>>
      %dma_wait3A_1171 = tpu.memref_slice %arg4[%mul3A_7] : memref<1000000xf32, #tpu.memory_space<hbm>> -> memref<31360xf32, #tpu.memory_space<hbm>>
      tpu.wait_dma2 semaphore(%run_scoped3A : memref<!tpu.dma_semaphore, #tpu.memory_space<semaphore_mem>>) src(%dma_wait3A_1171 : memref<31360xf32, #tpu.memory_space<hbm>>) dst(%arg12 : memref<31360xf32, #tpu.memory_space<vmem>>)
      tpu.yield
    }) : () -> ()
    %mul3A_8 = arith.constant 3 : i32
    %mul3A_9 = arith.muli %min3A_3, %mul3A_8 : i32
    "tpu.region"() ({
      %run_scoped3A = tpu.sem_alloc : memref<!tpu.dma_semaphore, #tpu.memory_space<semaphore_mem>>
      %dma_start3A = tpu.memref_slice %arg2[%mul3A_9] : memref<300000xf32, #tpu.memory_space<hbm>> -> memref<9408xf32, #tpu.memory_space<hbm>>
      %dma_start3A_1170 = tpu.memref_slice %arg2[%mul3A_9] : memref<300000xf32, #tpu.memory_space<hbm>> -> memref<9408xf32, #tpu.memory_space<hbm>>
      tpu.enqueue_dma source(%dma_start3A_1170 : memref<9408xf32, #tpu.memory_space<hbm>>) target(%arg13 : memref<9408xf32, #tpu.memory_space<vmem>>) target_semaphore(%run_scoped3A : memref<!tpu.dma_semaphore, #tpu.memory_space<semaphore_mem>>)
      %dma_wait3A = tpu.memref_slice %arg2[%mul3A_9] : memref<300000xf32, #tpu.memory_space<hbm>> -> memref<9408xf32, #tpu.memory_space<hbm>>
      %dma_wait3A_1171 = tpu.memref_slice %arg2[%mul3A_9] : memref<300000xf32, #tpu.memory_space<hbm>> -> memref<9408xf32, #tpu.memory_space<hbm>>
      tpu.wait_dma2 semaphore(%run_scoped3A : memref<!tpu.dma_semaphore, #tpu.memory_space<semaphore_mem>>) src(%dma_wait3A_1171 : memref<9408xf32, #tpu.memory_space<hbm>>) dst(%arg13 : memref<9408xf32, #tpu.memory_space<vmem>>)
      tpu.yield
    }) : () -> ()
    %mul3A_10 = arith.constant 4 : i32
    %mul3A_11 = arith.muli %min3A_3, %mul3A_10 : i32
    "tpu.region"() ({
      %run_scoped3A = tpu.sem_alloc : memref<!tpu.dma_semaphore, #tpu.memory_space<semaphore_mem>>
      %dma_start3A = tpu.memref_slice %arg3[%mul3A_11] : memref<400000xf32, #tpu.memory_space<hbm>> -> memref<12544xf32, #tpu.memory_space<hbm>>
      %dma_start3A_1170 = tpu.memref_slice %arg3[%mul3A_11] : memref<400000xf32, #tpu.memory_space<hbm>> -> memref<12544xf32, #tpu.memory_space<hbm>>
      tpu.enqueue_dma source(%dma_start3A_1170 : memref<12544xf32, #tpu.memory_space<hbm>>) target(%arg14 : memref<12544xf32, #tpu.memory_space<vmem>>) target_semaphore(%run_scoped3A : memref<!tpu.dma_semaphore, #tpu.memory_space<semaphore_mem>>)
      %dma_wait3A = tpu.memref_slice %arg3[%mul3A_11] : memref<400000xf32, #tpu.memory_space<hbm>> -> memref<12544xf32, #tpu.memory_space<hbm>>
      %dma_wait3A_1171 = tpu.memref_slice %arg3[%mul3A_11] : memref<400000xf32, #tpu.memory_space<hbm>> -> memref<12544xf32, #tpu.memory_space<hbm>>
      tpu.wait_dma2 semaphore(%run_scoped3A : memref<!tpu.dma_semaphore, #tpu.memory_space<semaphore_mem>>) src(%dma_wait3A_1171 : memref<12544xf32, #tpu.memory_space<hbm>>) dst(%arg14 : memref<12544xf32, #tpu.memory_space<vmem>>)
      tpu.yield
    }) : () -> ()
    "tpu.region"() ({
      %run_scoped3A = tpu.sem_alloc : memref<!tpu.dma_semaphore, #tpu.memory_space<semaphore_mem>>
      tpu.enqueue_dma source(%arg6 : memref<320xf32, #tpu.memory_space<hbm>>) target(%arg18 : memref<320xf32, #tpu.memory_space<vmem>>) target_semaphore(%run_scoped3A : memref<!tpu.dma_semaphore, #tpu.memory_space<semaphore_mem>>)
      tpu.wait_dma2 semaphore(%run_scoped3A : memref<!tpu.dma_semaphore, #tpu.memory_space<semaphore_mem>>) src(%arg6 : memref<320xf32, #tpu.memory_space<hbm>>) dst(%arg18 : memref<320xf32, #tpu.memory_space<vmem>>)
      tpu.yield
    }) : () -> ()
    "tpu.region"() ({
      %run_scoped3A = tpu.sem_alloc : memref<!tpu.dma_semaphore, #tpu.memory_space<semaphore_mem>>
      tpu.enqueue_dma source(%arg7 : memref<240xf32, #tpu.memory_space<hbm>>) target(%arg19 : memref<240xf32, #tpu.memory_space<vmem>>) target_semaphore(%run_scoped3A : memref<!tpu.dma_semaphore, #tpu.memory_space<semaphore_mem>>)
      tpu.wait_dma2 semaphore(%run_scoped3A : memref<!tpu.dma_semaphore, #tpu.memory_space<semaphore_mem>>) src(%arg7 : memref<240xf32, #tpu.memory_space<hbm>>) dst(%arg19 : memref<240xf32, #tpu.memory_space<vmem>>)
      tpu.yield
    }) : () -> ()
    "tpu.region"() ({
      %run_scoped3A = tpu.sem_alloc : memref<!tpu.dma_semaphore, #tpu.memory_space<semaphore_mem>>
      tpu.enqueue_dma source(%arg8 : memref<240xf32, #tpu.memory_space<hbm>>) target(%arg20 : memref<240xf32, #tpu.memory_space<vmem>>) target_semaphore(%run_scoped3A : memref<!tpu.dma_semaphore, #tpu.memory_space<semaphore_mem>>)
      tpu.wait_dma2 semaphore(%run_scoped3A : memref<!tpu.dma_semaphore, #tpu.memory_space<semaphore_mem>>) src(%arg8 : memref<240xf32, #tpu.memory_space<hbm>>) dst(%arg20 : memref<240xf32, #tpu.memory_space<vmem>>)
      tpu.yield
    }) : () -> ()
    %iota3A = tpu.iota {dimensions = array<i32: 0>} : vector<16xi32>
    %add3A_12 = arith.constant 0 : i32
    %add3A_13 = vector.broadcast %add3A_12 : i32 to vector<16xi32>
    %add3A_14 = arith.addi %add3A_13, %iota3A : vector<16xi32>
    %mul3A_15 = arith.constant 4 : i32
    %mul3A_16 = vector.broadcast %mul3A_15 : i32 to vector<16xi32>
    %mul3A_17 = arith.muli %add3A_14, %mul3A_16 : vector<16xi32>
    %mul3A_18 = arith.constant 3 : i32
    %mul3A_19 = vector.broadcast %mul3A_18 : i32 to vector<16xi32>
    %mul3A_20 = arith.muli %add3A_14, %mul3A_19 : vector<16xi32>
    %gather3A = tpu.vector_load_idx %arg18[%mul3A_17] : memref<320xf32, #tpu.memory_space<vmem>>[vector<16xi32>], vector<16xf32>,
    %add3A_21 = arith.constant 1 : i32
    %add3A_22 = vector.broadcast %add3A_21 : i32 to vector<16xi32>
    %add3A_23 = arith.addi %mul3A_17, %add3A_22 : vector<16xi32>
    %gather3A_24 = tpu.vector_load_idx %arg18[%add3A_23] : memref<320xf32, #tpu.memory_space<vmem>>[vector<16xi32>], vector<16xf32>,
    %add3A_25 = arith.constant 2 : i32
    %add3A_26 = vector.broadcast %add3A_25 : i32 to vector<16xi32>
    %add3A_27 = arith.addi %mul3A_17, %add3A_26 : vector<16xi32>
    %gather3A_28 = tpu.vector_load_idx %arg18[%add3A_27] : memref<320xf32, #tpu.memory_space<vmem>>[vector<16xi32>], vector<16xf32>,
    %add3A_29 = arith.constant 3 : i32
    %add3A_30 = vector.broadcast %add3A_29 : i32 to vector<16xi32>
    %add3A_31 = arith.addi %mul3A_17, %add3A_30 : vector<16xi32>
    %gather3A_32 = tpu.vector_load_idx %arg18[%add3A_31] : memref<320xf32, #tpu.memory_space<vmem>>[vector<16xi32>], vector<16xf32>,
    %mul3A_33 = arith.mulf %gather3A, %gather3A : vector<16xf32>
    %mul3A_34 = arith.mulf %gather3A_24, %gather3A_24 : vector<16xf32>
    %add3A_35 = arith.addf %mul3A_33, %mul3A_34 : vector<16xf32>
    %mul3A_36 = arith.mulf %gather3A_28, %gather3A_28 : vector<16xf32>
    %add3A_37 = arith.addf %add3A_35, %mul3A_36 : vector<16xf32>
    %mul3A_38 = arith.mulf %gather3A_32, %gather3A_32 : vector<16xf32>
    %add3A_39 = arith.addf %add3A_37, %mul3A_38 : vector<16xf32>
    %max3A = arith.constant 1.000000e-30 : f32
    %max3A_40 = vector.broadcast %max3A : f32 to vector<16xf32>
    %max3A_41 = arith.maximumf %add3A_39, %max3A_40 : vector<16xf32>
    %bitcast3A = vector.bitcast %max3A_41 : vector<16xf32> to vector<16xi32>
    %shift_right_arithmetic3A = arith.constant 1 : i32
    %shift_right_arithmetic3A_42 = vector.broadcast %shift_right_arithmetic3A : i32 to vector<16xi32>
    %shift_right_arithmetic3A_43 = arith.shrsi %bitcast3A, %shift_right_arithmetic3A_42 : vector<16xi32>
    %sub3A = arith.constant 1597463007 : i32
    %sub3A_44 = vector.broadcast %sub3A : i32 to vector<16xi32>
    %sub3A_45 = arith.subi %sub3A_44, %shift_right_arithmetic3A_43 : vector<16xi32>
    %bitcast3A_46 = vector.bitcast %sub3A_45 : vector<16xi32> to vector<16xf32>
    %mul3A_47 = arith.constant 5.000000e-01 : f32
    %mul3A_48 = vector.broadcast %mul3A_47 : f32 to vector<16xf32>
    %mul3A_49 = arith.mulf %mul3A_48, %max3A_41 : vector<16xf32>
    %mul3A_50 = arith.mulf %mul3A_49, %bitcast3A_46 : vector<16xf32>
    %mul3A_51 = arith.mulf %mul3A_50, %bitcast3A_46 : vector<16xf32>
    %sub3A_52 = arith.constant 1.500000e+00 : f32
    %sub3A_53 = vector.broadcast %sub3A_52 : f32 to vector<16xf32>
    %sub3A_54 = arith.subf %sub3A_53, %mul3A_51 : vector<16xf32>
    %mul3A_55 = arith.mulf %bitcast3A_46, %sub3A_54 : vector<16xf32>
    %mul3A_56 = arith.constant 5.000000e-01 : f32
    %mul3A_57 = vector.broadcast %mul3A_56 : f32 to vector<16xf32>
    %mul3A_58 = arith.mulf %mul3A_57, %max3A_41 : vector<16xf32>
    %mul3A_59 = arith.mulf %mul3A_58, %mul3A_55 : vector<16xf32>
    %mul3A_60 = arith.mulf %mul3A_59, %mul3A_55 : vector<16xf32>
    %sub3A_61 = arith.constant 1.500000e+00 : f32
    %sub3A_62 = vector.broadcast %sub3A_61 : f32 to vector<16xf32>
    %sub3A_63 = arith.subf %sub3A_62, %mul3A_60 : vector<16xf32>
    %mul3A_64 = arith.mulf %mul3A_55, %sub3A_63 : vector<16xf32>
    %mul3A_65 = arith.constant 5.000000e-01 : f32
    %mul3A_66 = vector.broadcast %mul3A_65 : f32 to vector<16xf32>
    %mul3A_67 = arith.mulf %mul3A_66, %max3A_41 : vector<16xf32>
    %mul3A_68 = arith.mulf %mul3A_67, %mul3A_64 : vector<16xf32>
    %mul3A_69 = arith.mulf %mul3A_68, %mul3A_64 : vector<16xf32>
    %sub3A_70 = arith.constant 1.500000e+00 : f32
    %sub3A_71 = vector.broadcast %sub3A_70 : f32 to vector<16xf32>
    %sub3A_72 = arith.subf %sub3A_71, %mul3A_69 : vector<16xf32>
    %mul3A_73 = arith.mulf %mul3A_64, %sub3A_72 : vector<16xf32>
    %mul3A_74 = arith.mulf %add3A_39, %mul3A_73 : vector<16xf32>
    %add3A_75 = arith.constant 9.99999993E-9 : f32
    %add3A_76 = vector.broadcast %add3A_75 : f32 to vector<16xf32>
    %add3A_77 = arith.addf %mul3A_74, %add3A_76 : vector<16xf32>
    %div3A = arith.constant 1.000000e+00 : f32
    %div3A_78 = vector.broadcast %div3A : f32 to vector<16xf32>
    %div3A_79 = arith.divf %div3A_78, %add3A_77 : vector<16xf32>
    %mul3A_80 = arith.mulf %gather3A, %div3A_79 : vector<16xf32>
    %mul3A_81 = arith.mulf %gather3A_24, %div3A_79 : vector<16xf32>
    %mul3A_82 = arith.mulf %gather3A_28, %div3A_79 : vector<16xf32>
    %mul3A_83 = arith.mulf %gather3A_32, %div3A_79 : vector<16xf32>
    %mul3A_84 = arith.mulf %mul3A_82, %mul3A_82 : vector<16xf32>
    %mul3A_85 = arith.mulf %mul3A_83, %mul3A_83 : vector<16xf32>
    %add3A_86 = arith.addf %mul3A_84, %mul3A_85 : vector<16xf32>
    %mul3A_87 = arith.constant 2.000000e+00 : f32
    %mul3A_88 = vector.broadcast %mul3A_87 : f32 to vector<16xf32>
    %mul3A_89 = arith.mulf %mul3A_88, %add3A_86 : vector<16xf32>
    %sub3A_90 = arith.constant 1.000000e+00 : f32
    %sub3A_91 = vector.broadcast %sub3A_90 : f32 to vector<16xf32>
    %sub3A_92 = arith.subf %sub3A_91, %mul3A_89 : vector<16xf32>
    %mul3A_93 = arith.mulf %mul3A_81, %mul3A_82 : vector<16xf32>
    %mul3A_94 = arith.mulf %mul3A_80, %mul3A_83 : vector<16xf32>
    %sub3A_95 = arith.subf %mul3A_93, %mul3A_94 : vector<16xf32>
    %mul3A_96 = arith.constant 2.000000e+00 : f32
    %mul3A_97 = vector.broadcast %mul3A_96 : f32 to vector<16xf32>
    %mul3A_98 = arith.mulf %mul3A_97, %sub3A_95 : vector<16xf32>
    %mul3A_99 = arith.mulf %mul3A_81, %mul3A_83 : vector<16xf32>
    %mul3A_100 = arith.mulf %mul3A_80, %mul3A_82 : vector<16xf32>
    %add3A_101 = arith.addf %mul3A_99, %mul3A_100 : vector<16xf32>
    %mul3A_102 = arith.constant 2.000000e+00 : f32
    %mul3A_103 = vector.broadcast %mul3A_102 : f32 to vector<16xf32>
    %mul3A_104 = arith.mulf %mul3A_103, %add3A_101 : vector<16xf32>
    %mul3A_105 = arith.mulf %mul3A_81, %mul3A_82 : vector<16xf32>
    %mul3A_106 = arith.mulf %mul3A_80, %mul3A_83 : vector<16xf32>
    %add3A_107 = arith.addf %mul3A_105, %mul3A_106 : vector<16xf32>
    %mul3A_108 = arith.constant 2.000000e+00 : f32
    %mul3A_109 = vector.broadcast %mul3A_108 : f32 to vector<16xf32>
    %mul3A_110 = arith.mulf %mul3A_109, %add3A_107 : vector<16xf32>
    %mul3A_111 = arith.mulf %mul3A_81, %mul3A_81 : vector<16xf32>
    %mul3A_112 = arith.mulf %mul3A_83, %mul3A_83 : vector<16xf32>
    %add3A_113 = arith.addf %mul3A_111, %mul3A_112 : vector<16xf32>
    %mul3A_114 = arith.constant 2.000000e+00 : f32
    %mul3A_115 = vector.broadcast %mul3A_114 : f32 to vector<16xf32>
    %mul3A_116 = arith.mulf %mul3A_115, %add3A_113 : vector<16xf32>
    %sub3A_117 = arith.constant 1.000000e+00 : f32
    %sub3A_118 = vector.broadcast %sub3A_117 : f32 to vector<16xf32>
    %sub3A_119 = arith.subf %sub3A_118, %mul3A_116 : vector<16xf32>
    %mul3A_120 = arith.mulf %mul3A_82, %mul3A_83 : vector<16xf32>
    %mul3A_121 = arith.mulf %mul3A_80, %mul3A_81 : vector<16xf32>
    %sub3A_122 = arith.subf %mul3A_120, %mul3A_121 : vector<16xf32>
    %mul3A_123 = arith.constant 2.000000e+00 : f32
    %mul3A_124 = vector.broadcast %mul3A_123 : f32 to vector<16xf32>
    %mul3A_125 = arith.mulf %mul3A_124, %sub3A_122 : vector<16xf32>
    %mul3A_126 = arith.mulf %mul3A_81, %mul3A_83 : vector<16xf32>
    %mul3A_127 = arith.mulf %mul3A_80, %mul3A_82 : vector<16xf32>
    %sub3A_128 = arith.subf %mul3A_126, %mul3A_127 : vector<16xf32>
    %mul3A_129 = arith.constant 2.000000e+00 : f32
    %mul3A_130 = vector.broadcast %mul3A_129 : f32 to vector<16xf32>
    %mul3A_131 = arith.mulf %mul3A_130, %sub3A_128 : vector<16xf32>
    %mul3A_132 = arith.mulf %mul3A_82, %mul3A_83 : vector<16xf32>
    %mul3A_133 = arith.mulf %mul3A_80, %mul3A_81 : vector<16xf32>
    %add3A_134 = arith.addf %mul3A_132, %mul3A_133 : vector<16xf32>
    %mul3A_135 = arith.constant 2.000000e+00 : f32
    %mul3A_136 = vector.broadcast %mul3A_135 : f32 to vector<16xf32>
    %mul3A_137 = arith.mulf %mul3A_136, %add3A_134 : vector<16xf32>
    %mul3A_138 = arith.mulf %mul3A_81, %mul3A_81 : vector<16xf32>
    %mul3A_139 = arith.mulf %mul3A_82, %mul3A_82 : vector<16xf32>
    %add3A_140 = arith.addf %mul3A_138, %mul3A_139 : vector<16xf32>
    %mul3A_141 = arith.constant 2.000000e+00 : f32
    %mul3A_142 = vector.broadcast %mul3A_141 : f32 to vector<16xf32>
    %mul3A_143 = arith.mulf %mul3A_142, %add3A_140 : vector<16xf32>
    %sub3A_144 = arith.constant 1.000000e+00 : f32
    %sub3A_145 = vector.broadcast %sub3A_144 : f32 to vector<16xf32>
    %sub3A_146 = arith.subf %sub3A_145, %mul3A_143 : vector<16xf32>
    %gather3A_147 = tpu.vector_load_idx %arg19[%mul3A_20] : memref<240xf32, #tpu.memory_space<vmem>>[vector<16xi32>], vector<16xf32>,
    %add3A_148 = arith.constant 1 : i32
    %add3A_149 = vector.broadcast %add3A_148 : i32 to vector<16xi32>
    %add3A_150 = arith.addi %mul3A_20, %add3A_149 : vector<16xi32>
    %gather3A_151 = tpu.vector_load_idx %arg19[%add3A_150] : memref<240xf32, #tpu.memory_space<vmem>>[vector<16xi32>], vector<16xf32>,
    %add3A_152 = arith.constant 2 : i32
    %add3A_153 = vector.broadcast %add3A_152 : i32 to vector<16xi32>
    %add3A_154 = arith.addi %mul3A_20, %add3A_153 : vector<16xi32>
    %gather3A_155 = tpu.vector_load_idx %arg19[%add3A_154] : memref<240xf32, #tpu.memory_space<vmem>>[vector<16xi32>], vector<16xf32>,
    %gather3A_156 = tpu.vector_load_idx %arg20[%mul3A_20] : memref<240xf32, #tpu.memory_space<vmem>>[vector<16xi32>], vector<16xf32>,
    %add3A_157 = arith.constant 1 : i32
    %add3A_158 = vector.broadcast %add3A_157 : i32 to vector<16xi32>
    %add3A_159 = arith.addi %mul3A_20, %add3A_158 : vector<16xi32>
    %gather3A_160 = tpu.vector_load_idx %arg20[%add3A_159] : memref<240xf32, #tpu.memory_space<vmem>>[vector<16xi32>], vector<16xf32>,
    %add3A_161 = arith.constant 2 : i32
    %add3A_162 = vector.broadcast %add3A_161 : i32 to vector<16xi32>
    %add3A_163 = arith.addi %mul3A_20, %add3A_162 : vector<16xi32>
    %gather3A_164 = tpu.vector_load_idx %arg20[%add3A_163] : memref<240xf32, #tpu.memory_space<vmem>>[vector<16xi32>], vector<16xf32>,
    %add3A_165 = arith.addf %gather3A_147, %gather3A_156 : vector<16xf32>
    %mul3A_166 = arith.mulf %sub3A_92, %gather3A_147 : vector<16xf32>
    %mul3A_167 = arith.mulf %mul3A_98, %gather3A_151 : vector<16xf32>
    %add3A_168 = arith.addf %mul3A_166, %mul3A_167 : vector<16xf32>
    %mul3A_169 = arith.mulf %mul3A_104, %gather3A_155 : vector<16xf32>
    %add3A_170 = arith.addf %add3A_168, %mul3A_169 : vector<16xf32>
    %sub3A_171 = arith.subf %add3A_165, %add3A_170 : vector<16xf32>
    %add3A_172 = arith.addf %gather3A_151, %gather3A_160 : vector<16xf32>
    %mul3A_173 = arith.mulf %mul3A_110, %gather3A_147 : vector<16xf32>
    %mul3A_174 = arith.mulf %sub3A_119, %gather3A_151 : vector<16xf32>
    %add3A_175 = arith.addf %mul3A_173, %mul3A_174 : vector<16xf32>
    %mul3A_176 = arith.mulf %mul3A_125, %gather3A_155 : vector<16xf32>
    %add3A_177 = arith.addf %add3A_175, %mul3A_176 : vector<16xf32>
    %sub3A_178 = arith.subf %add3A_172, %add3A_177 : vector<16xf32>
    %add3A_179 = arith.addf %gather3A_155, %gather3A_164 : vector<16xf32>
    %mul3A_180 = arith.mulf %mul3A_131, %gather3A_147 : vector<16xf32>
    %mul3A_181 = arith.mulf %mul3A_137, %gather3A_151 : vector<16xf32>
    %add3A_182 = arith.addf %mul3A_180, %mul3A_181 : vector<16xf32>
    %mul3A_183 = arith.mulf %sub3A_146, %gather3A_155 : vector<16xf32>
    %add3A_184 = arith.addf %add3A_182, %mul3A_183 : vector<16xf32>
    %sub3A_185 = arith.subf %add3A_179, %add3A_184 : vector<16xf32>
    %mul3A_186 = arith.constant 16 : i32
    %mul3A_187 = vector.broadcast %mul3A_186 : i32 to vector<16xi32>
    %mul3A_188 = arith.muli %add3A_14, %mul3A_187 : vector<16xi32>
    %add3A_189 = arith.constant 0 : i32
    %add3A_190 = vector.broadcast %add3A_189 : i32 to vector<16xi32>
    %add3A_191 = arith.addi %mul3A_188, %add3A_190 : vector<16xi32>
    tpu.vector_store_idx %arg17[%add3A_191], %sub3A_92 : memref<1280xf32, #tpu.memory_space<vmem>>[vector<16xi32>], vector<16xf32>,
    %add3A_192 = arith.constant 1 : i32
    %add3A_193 = vector.broadcast %add3A_192 : i32 to vector<16xi32>
    %add3A_194 = arith.addi %mul3A_188, %add3A_193 : vector<16xi32>
    tpu.vector_store_idx %arg17[%add3A_194], %mul3A_98 : memref<1280xf32, #tpu.memory_space<vmem>>[vector<16xi32>], vector<16xf32>,
    %add3A_195 = arith.constant 2 : i32
    %add3A_196 = vector.broadcast %add3A_195 : i32 to vector<16xi32>
    %add3A_197 = arith.addi %mul3A_188, %add3A_196 : vector<16xi32>
    tpu.vector_store_idx %arg17[%add3A_197], %mul3A_104 : memref<1280xf32, #tpu.memory_space<vmem>>[vector<16xi32>], vector<16xf32>,
    %add3A_198 = arith.constant 3 : i32
    %add3A_199 = vector.broadcast %add3A_198 : i32 to vector<16xi32>
    %add3A_200 = arith.addi %mul3A_188, %add3A_199 : vector<16xi32>
    tpu.vector_store_idx %arg17[%add3A_200], %mul3A_110 : memref<1280xf32, #tpu.memory_space<vmem>>[vector<16xi32>], vector<16xf32>,
    %add3A_201 = arith.constant 4 : i32
    %add3A_202 = vector.broadcast %add3A_201 : i32 to vector<16xi32>
    %add3A_203 = arith.addi %mul3A_188, %add3A_202 : vector<16xi32>
    tpu.vector_store_idx %arg17[%add3A_203], %sub3A_119 : memref<1280xf32, #tpu.memory_space<vmem>>[vector<16xi32>], vector<16xf32>,
    %add3A_204 = arith.constant 5 : i32
    %add3A_205 = vector.broadcast %add3A_204 : i32 to vector<16xi32>
    %add3A_206 = arith.addi %mul3A_188, %add3A_205 : vector<16xi32>
    tpu.vector_store_idx %arg17[%add3A_206], %mul3A_125 : memref<1280xf32, #tpu.memory_space<vmem>>[vector<16xi32>], vector<16xf32>,
    %add3A_207 = arith.constant 6 : i32
    %add3A_208 = vector.broadcast %add3A_207 : i32 to vector<16xi32>
    %add3A_209 = arith.addi %mul3A_188, %add3A_208 : vector<16xi32>
    tpu.vector_store_idx %arg17[%add3A_209], %mul3A_131 : memref<1280xf32, #tpu.memory_space<vmem>>[vector<16xi32>], vector<16xf32>,
    %add3A_210 = arith.constant 7 : i32
    %add3A_211 = vector.broadcast %add3A_210 : i32 to vector<16xi32>
    %add3A_212 = arith.addi %mul3A_188, %add3A_211 : vector<16xi32>
    tpu.vector_store_idx %arg17[%add3A_212], %mul3A_137 : memref<1280xf32, #tpu.memory_space<vmem>>[vector<16xi32>], vector<16xf32>,
    %add3A_213 = arith.constant 8 : i32
    %add3A_214 = vector.broadcast %add3A_213 : i32 to vector<16xi32>
    %add3A_215 = arith.addi %mul3A_188, %add3A_214 : vector<16xi32>
    tpu.vector_store_idx %arg17[%add3A_215], %sub3A_146 : memref<1280xf32, #tpu.memory_space<vmem>>[vector<16xi32>], vector<16xf32>,
    %add3A_216 = arith.constant 9 : i32
    %add3A_217 = vector.broadcast %add3A_216 : i32 to vector<16xi32>
    %add3A_218 = arith.addi %mul3A_188, %add3A_217 : vector<16xi32>
    tpu.vector_store_idx %arg17[%add3A_218], %sub3A_171 : memref<1280xf32, #tpu.memory_space<vmem>>[vector<16xi32>], vector<16xf32>,
    %add3A_219 = arith.constant 10 : i32
    %add3A_220 = vector.broadcast %add3A_219 : i32 to vector<16xi32>
    %add3A_221 = arith.addi %mul3A_188, %add3A_220 : vector<16xi32>
    tpu.vector_store_idx %arg17[%add3A_221], %sub3A_178 : memref<1280xf32, #tpu.memory_space<vmem>>[vector<16xi32>], vector<16xf32>,
    %add3A_222 = arith.constant 11 : i32
    %add3A_223 = vector.broadcast %add3A_222 : i32 to vector<16xi32>
    %add3A_224 = arith.addi %mul3A_188, %add3A_223 : vector<16xi32>
    tpu.vector_store_idx %arg17[%add3A_224], %sub3A_185 : memref<1280xf32, #tpu.memory_space<vmem>>[vector<16xi32>], vector<16xf32>,
    %add3A_225 = arith.constant 12 : i32
    %add3A_226 = vector.broadcast %add3A_225 : i32 to vector<16xi32>
    %add3A_227 = arith.addi %mul3A_188, %add3A_226 : vector<16xi32>
    tpu.vector_store_idx %arg17[%add3A_227], %gather3A : memref<1280xf32, #tpu.memory_space<vmem>>[vector<16xi32>], vector<16xf32>,
    %add3A_228 = arith.constant 13 : i32
    %add3A_229 = vector.broadcast %add3A_228 : i32 to vector<16xi32>
    %add3A_230 = arith.addi %mul3A_188, %add3A_229 : vector<16xi32>
    tpu.vector_store_idx %arg17[%add3A_230], %gather3A_24 : memref<1280xf32, #tpu.memory_space<vmem>>[vector<16xi32>], vector<16xf32>,
    %add3A_231 = arith.constant 14 : i32
    %add3A_232 = vector.broadcast %add3A_231 : i32 to vector<16xi32>
    %add3A_233 = arith.addi %mul3A_188, %add3A_232 : vector<16xi32>
    tpu.vector_store_idx %arg17[%add3A_233], %gather3A_28 : memref<1280xf32, #tpu.memory_space<vmem>>[vector<16xi32>], vector<16xf32>,
    %add3A_234 = arith.constant 15 : i32
    %add3A_235 = vector.broadcast %add3A_234 : i32 to vector<16xi32>
    %add3A_236 = arith.addi %mul3A_188, %add3A_235 : vector<16xi32>
    tpu.vector_store_idx %arg17[%add3A_236], %gather3A_32 : memref<1280xf32, #tpu.memory_space<vmem>>[vector<16xi32>], vector<16xf32>,
    %add3A_237 = arith.constant 16 : i32
    %add3A_238 = vector.broadcast %add3A_237 : i32 to vector<16xi32>
    %add3A_239 = arith.addi %add3A_238, %iota3A : vector<16xi32>
    %mul3A_240 = arith.constant 4 : i32
    %mul3A_241 = vector.broadcast %mul3A_240 : i32 to vector<16xi32>
    %mul3A_242 = arith.muli %add3A_239, %mul3A_241 : vector<16xi32>
    %mul3A_243 = arith.constant 3 : i32
    %mul3A_244 = vector.broadcast %mul3A_243 : i32 to vector<16xi32>
    %mul3A_245 = arith.muli %add3A_239, %mul3A_244 : vector<16xi32>
    %gather3A_246 = tpu.vector_load_idx %arg18[%mul3A_242] : memref<320xf32, #tpu.memory_space<vmem>>[vector<16xi32>], vector<16xf32>,
    %add3A_247 = arith.constant 1 : i32
    %add3A_248 = vector.broadcast %add3A_247 : i32 to vector<16xi32>
    %add3A_249 = arith.addi %mul3A_242, %add3A_248 : vector<16xi32>
    %gather3A_250 = tpu.vector_load_idx %arg18[%add3A_249] : memref<320xf32, #tpu.memory_space<vmem>>[vector<16xi32>], vector<16xf32>,
    %add3A_251 = arith.constant 2 : i32
    %add3A_252 = vector.broadcast %add3A_251 : i32 to vector<16xi32>
    %add3A_253 = arith.addi %mul3A_242, %add3A_252 : vector<16xi32>
    %gather3A_254 = tpu.vector_load_idx %arg18[%add3A_253] : memref<320xf32, #tpu.memory_space<vmem>>[vector<16xi32>], vector<16xf32>,
    %add3A_255 = arith.constant 3 : i32
    %add3A_256 = vector.broadcast %add3A_255 : i32 to vector<16xi32>
    %add3A_257 = arith.addi %mul3A_242, %add3A_256 : vector<16xi32>
    %gather3A_258 = tpu.vector_load_idx %arg18[%add3A_257] : memref<320xf32, #tpu.memory_space<vmem>>[vector<16xi32>], vector<16xf32>,
    %mul3A_259 = arith.mulf %gather3A_246, %gather3A_246 : vector<16xf32>
    %mul3A_260 = arith.mulf %gather3A_250, %gather3A_250 : vector<16xf32>
    %add3A_261 = arith.addf %mul3A_259, %mul3A_260 : vector<16xf32>
    %mul3A_262 = arith.mulf %gather3A_254, %gather3A_254 : vector<16xf32>
    %add3A_263 = arith.addf %add3A_261, %mul3A_262 : vector<16xf32>
    %mul3A_264 = arith.mulf %gather3A_258, %gather3A_258 : vector<16xf32>
    %add3A_265 = arith.addf %add3A_263, %mul3A_264 : vector<16xf32>
    %max3A_266 = arith.constant 1.000000e-30 : f32
    %max3A_267 = vector.broadcast %max3A_266 : f32 to vector<16xf32>
    %max3A_268 = arith.maximumf %add3A_265, %max3A_267 : vector<16xf32>
    %bitcast3A_269 = vector.bitcast %max3A_268 : vector<16xf32> to vector<16xi32>
    %shift_right_arithmetic3A_270 = arith.constant 1 : i32
    %shift_right_arithmetic3A_271 = vector.broadcast %shift_right_arithmetic3A_270 : i32 to vector<16xi32>
    %shift_right_arithmetic3A_272 = arith.shrsi %bitcast3A_269, %shift_right_arithmetic3A_271 : vector<16xi32>
    %sub3A_273 = arith.constant 1597463007 : i32
    %sub3A_274 = vector.broadcast %sub3A_273 : i32 to vector<16xi32>
    %sub3A_275 = arith.subi %sub3A_274, %shift_right_arithmetic3A_272 : vector<16xi32>
    %bitcast3A_276 = vector.bitcast %sub3A_275 : vector<16xi32> to vector<16xf32>
    %mul3A_277 = arith.constant 5.000000e-01 : f32
    %mul3A_278 = vector.broadcast %mul3A_277 : f32 to vector<16xf32>
    %mul3A_279 = arith.mulf %mul3A_278, %max3A_268 : vector<16xf32>
    %mul3A_280 = arith.mulf %mul3A_279, %bitcast3A_276 : vector<16xf32>
    %mul3A_281 = arith.mulf %mul3A_280, %bitcast3A_276 : vector<16xf32>
    %sub3A_282 = arith.constant 1.500000e+00 : f32
    %sub3A_283 = vector.broadcast %sub3A_282 : f32 to vector<16xf32>
    %sub3A_284 = arith.subf %sub3A_283, %mul3A_281 : vector<16xf32>
    %mul3A_285 = arith.mulf %bitcast3A_276, %sub3A_284 : vector<16xf32>
    %mul3A_286 = arith.constant 5.000000e-01 : f32
    %mul3A_287 = vector.broadcast %mul3A_286 : f32 to vector<16xf32>
    %mul3A_288 = arith.mulf %mul3A_287, %max3A_268 : vector<16xf32>
    %mul3A_289 = arith.mulf %mul3A_288, %mul3A_285 : vector<16xf32>
    %mul3A_290 = arith.mulf %mul3A_289, %mul3A_285 : vector<16xf32>
    %sub3A_291 = arith.constant 1.500000e+00 : f32
    %sub3A_292 = vector.broadcast %sub3A_291 : f32 to vector<16xf32>
    %sub3A_293 = arith.subf %sub3A_292, %mul3A_290 : vector<16xf32>
    %mul3A_294 = arith.mulf %mul3A_285, %sub3A_293 : vector<16xf32>
    %mul3A_295 = arith.constant 5.000000e-01 : f32
    %mul3A_296 = vector.broadcast %mul3A_295 : f32 to vector<16xf32>
    %mul3A_297 = arith.mulf %mul3A_296, %max3A_268 : vector<16xf32>
    %mul3A_298 = arith.mulf %mul3A_297, %mul3A_294 : vector<16xf32>
    %mul3A_299 = arith.mulf %mul3A_298, %mul3A_294 : vector<16xf32>
    %sub3A_300 = arith.constant 1.500000e+00 : f32
    %sub3A_301 = vector.broadcast %sub3A_300 : f32 to vector<16xf32>
    %sub3A_302 = arith.subf %sub3A_301, %mul3A_299 : vector<16xf32>
    %mul3A_303 = arith.mulf %mul3A_294, %sub3A_302 : vector<16xf32>
    %mul3A_304 = arith.mulf %add3A_265, %mul3A_303 : vector<16xf32>
    %add3A_305 = arith.constant 9.99999993E-9 : f32
    %add3A_306 = vector.broadcast %add3A_305 : f32 to vector<16xf32>
    %add3A_307 = arith.addf %mul3A_304, %add3A_306 : vector<16xf32>
    %div3A_308 = arith.constant 1.000000e+00 : f32
    %div3A_309 = vector.broadcast %div3A_308 : f32 to vector<16xf32>
    %div3A_310 = arith.divf %div3A_309, %add3A_307 : vector<16xf32>
    %mul3A_311 = arith.mulf %gather3A_246, %div3A_310 : vector<16xf32>
    %mul3A_312 = arith.mulf %gather3A_250, %div3A_310 : vector<16xf32>
    %mul3A_313 = arith.mulf %gather3A_254, %div3A_310 : vector<16xf32>
    %mul3A_314 = arith.mulf %gather3A_258, %div3A_310 : vector<16xf32>
    %mul3A_315 = arith.mulf %mul3A_313, %mul3A_313 : vector<16xf32>
    %mul3A_316 = arith.mulf %mul3A_314, %mul3A_314 : vector<16xf32>
    %add3A_317 = arith.addf %mul3A_315, %mul3A_316 : vector<16xf32>
    %mul3A_318 = arith.constant 2.000000e+00 : f32
    %mul3A_319 = vector.broadcast %mul3A_318 : f32 to vector<16xf32>
    %mul3A_320 = arith.mulf %mul3A_319, %add3A_317 : vector<16xf32>
    %sub3A_321 = arith.constant 1.000000e+00 : f32
    %sub3A_322 = vector.broadcast %sub3A_321 : f32 to vector<16xf32>
    %sub3A_323 = arith.subf %sub3A_322, %mul3A_320 : vector<16xf32>
    %mul3A_324 = arith.mulf %mul3A_312, %mul3A_313 : vector<16xf32>
    %mul3A_325 = arith.mulf %mul3A_311, %mul3A_314 : vector<16xf32>
    %sub3A_326 = arith.subf %mul3A_324, %mul3A_325 : vector<16xf32>
    %mul3A_327 = arith.constant 2.000000e+00 : f32
    %mul3A_328 = vector.broadcast %mul3A_327 : f32 to vector<16xf32>
    %mul3A_329 = arith.mulf %mul3A_328, %sub3A_326 : vector<16xf32>
    %mul3A_330 = arith.mulf %mul3A_312, %mul3A_314 : vector<16xf32>
    %mul3A_331 = arith.mulf %mul3A_311, %mul3A_313 : vector<16xf32>
    %add3A_332 = arith.addf %mul3A_330, %mul3A_331 : vector<16xf32>
    %mul3A_333 = arith.constant 2.000000e+00 : f32
    %mul3A_334 = vector.broadcast %mul3A_333 : f32 to vector<16xf32>
    %mul3A_335 = arith.mulf %mul3A_334, %add3A_332 : vector<16xf32>
    %mul3A_336 = arith.mulf %mul3A_312, %mul3A_313 : vector<16xf32>
    %mul3A_337 = arith.mulf %mul3A_311, %mul3A_314 : vector<16xf32>
    %add3A_338 = arith.addf %mul3A_336, %mul3A_337 : vector<16xf32>
    %mul3A_339 = arith.constant 2.000000e+00 : f32
    %mul3A_340 = vector.broadcast %mul3A_339 : f32 to vector<16xf32>
    %mul3A_341 = arith.mulf %mul3A_340, %add3A_338 : vector<16xf32>
    %mul3A_342 = arith.mulf %mul3A_312, %mul3A_312 : vector<16xf32>
    %mul3A_343 = arith.mulf %mul3A_314, %mul3A_314 : vector<16xf32>
    %add3A_344 = arith.addf %mul3A_342, %mul3A_343 : vector<16xf32>
    %mul3A_345 = arith.constant 2.000000e+00 : f32
    %mul3A_346 = vector.broadcast %mul3A_345 : f32 to vector<16xf32>
    %mul3A_347 = arith.mulf %mul3A_346, %add3A_344 : vector<16xf32>
    %sub3A_348 = arith.constant 1.000000e+00 : f32
    %sub3A_349 = vector.broadcast %sub3A_348 : f32 to vector<16xf32>
    %sub3A_350 = arith.subf %sub3A_349, %mul3A_347 : vector<16xf32>
    %mul3A_351 = arith.mulf %mul3A_313, %mul3A_314 : vector<16xf32>
    %mul3A_352 = arith.mulf %mul3A_311, %mul3A_312 : vector<16xf32>
    %sub3A_353 = arith.subf %mul3A_351, %mul3A_352 : vector<16xf32>
    %mul3A_354 = arith.constant 2.000000e+00 : f32
    %mul3A_355 = vector.broadcast %mul3A_354 : f32 to vector<16xf32>
    %mul3A_356 = arith.mulf %mul3A_355, %sub3A_353 : vector<16xf32>
    %mul3A_357 = arith.mulf %mul3A_312, %mul3A_314 : vector<16xf32>
    %mul3A_358 = arith.mulf %mul3A_311, %mul3A_313 : vector<16xf32>
    %sub3A_359 = arith.subf %mul3A_357, %mul3A_358 : vector<16xf32>
    %mul3A_360 = arith.constant 2.000000e+00 : f32
    %mul3A_361 = vector.broadcast %mul3A_360 : f32 to vector<16xf32>
    %mul3A_362 = arith.mulf %mul3A_361, %sub3A_359 : vector<16xf32>
    %mul3A_363 = arith.mulf %mul3A_313, %mul3A_314 : vector<16xf32>
    %mul3A_364 = arith.mulf %mul3A_311, %mul3A_312 : vector<16xf32>
    %add3A_365 = arith.addf %mul3A_363, %mul3A_364 : vector<16xf32>
    %mul3A_366 = arith.constant 2.000000e+00 : f32
    %mul3A_367 = vector.broadcast %mul3A_366 : f32 to vector<16xf32>
    %mul3A_368 = arith.mulf %mul3A_367, %add3A_365 : vector<16xf32>
    %mul3A_369 = arith.mulf %mul3A_312, %mul3A_312 : vector<16xf32>
    %mul3A_370 = arith.mulf %mul3A_313, %mul3A_313 : vector<16xf32>
    %add3A_371 = arith.addf %mul3A_369, %mul3A_370 : vector<16xf32>
    %mul3A_372 = arith.constant 2.000000e+00 : f32
    %mul3A_373 = vector.broadcast %mul3A_372 : f32 to vector<16xf32>
    %mul3A_374 = arith.mulf %mul3A_373, %add3A_371 : vector<16xf32>
    %sub3A_375 = arith.constant 1.000000e+00 : f32
    %sub3A_376 = vector.broadcast %sub3A_375 : f32 to vector<16xf32>
    %sub3A_377 = arith.subf %sub3A_376, %mul3A_374 : vector<16xf32>
    %gather3A_378 = tpu.vector_load_idx %arg19[%mul3A_245] : memref<240xf32, #tpu.memory_space<vmem>>[vector<16xi32>], vector<16xf32>,
    %add3A_379 = arith.constant 1 : i32
    %add3A_380 = vector.broadcast %add3A_379 : i32 to vector<16xi32>
    %add3A_381 = arith.addi %mul3A_245, %add3A_380 : vector<16xi32>
    %gather3A_382 = tpu.vector_load_idx %arg19[%add3A_381] : memref<240xf32, #tpu.memory_space<vmem>>[vector<16xi32>], vector<16xf32>,
    %add3A_383 = arith.constant 2 : i32
    %add3A_384 = vector.broadcast %add3A_383 : i32 to vector<16xi32>
    %add3A_385 = arith.addi %mul3A_245, %add3A_384 : vector<16xi32>
    %gather3A_386 = tpu.vector_load_idx %arg19[%add3A_385] : memref<240xf32, #tpu.memory_space<vmem>>[vector<16xi32>], vector<16xf32>,
    %gather3A_387 = tpu.vector_load_idx %arg20[%mul3A_245] : memref<240xf32, #tpu.memory_space<vmem>>[vector<16xi32>], vector<16xf32>,
    %add3A_388 = arith.constant 1 : i32
    %add3A_389 = vector.broadcast %add3A_388 : i32 to vector<16xi32>
    %add3A_390 = arith.addi %mul3A_245, %add3A_389 : vector<16xi32>
    %gather3A_391 = tpu.vector_load_idx %arg20[%add3A_390] : memref<240xf32, #tpu.memory_space<vmem>>[vector<16xi32>], vector<16xf32>,
    %add3A_392 = arith.constant 2 : i32
    %add3A_393 = vector.broadcast %add3A_392 : i32 to vector<16xi32>
    %add3A_394 = arith.addi %mul3A_245, %add3A_393 : vector<16xi32>
    %gather3A_395 = tpu.vector_load_idx %arg20[%add3A_394] : memref<240xf32, #tpu.memory_space<vmem>>[vector<16xi32>], vector<16xf32>,
    %add3A_396 = arith.addf %gather3A_378, %gather3A_387 : vector<16xf32>
    %mul3A_397 = arith.mulf %sub3A_323, %gather3A_378 : vector<16xf32>
    %mul3A_398 = arith.mulf %mul3A_329, %gather3A_382 : vector<16xf32>
    %add3A_399 = arith.addf %mul3A_397, %mul3A_398 : vector<16xf32>
    %mul3A_400 = arith.mulf %mul3A_335, %gather3A_386 : vector<16xf32>
    %add3A_401 = arith.addf %add3A_399, %mul3A_400 : vector<16xf32>
    %sub3A_402 = arith.subf %add3A_396, %add3A_401 : vector<16xf32>
    %add3A_403 = arith.addf %gather3A_382, %gather3A_391 : vector<16xf32>
    %mul3A_404 = arith.mulf %mul3A_341, %gather3A_378 : vector<16xf32>
    %mul3A_405 = arith.mulf %sub3A_350, %gather3A_382 : vector<16xf32>
    %add3A_406 = arith.addf %mul3A_404, %mul3A_405 : vector<16xf32>
    %mul3A_407 = arith.mulf %mul3A_356, %gather3A_386 : vector<16xf32>
    %add3A_408 = arith.addf %add3A_406, %mul3A_407 : vector<16xf32>
    %sub3A_409 = arith.subf %add3A_403, %add3A_408 : vector<16xf32>
    %add3A_410 = arith.addf %gather3A_386, %gather3A_395 : vector<16xf32>
    %mul3A_411 = arith.mulf %mul3A_362, %gather3A_378 : vector<16xf32>
    %mul3A_412 = arith.mulf %mul3A_368, %gather3A_382 : vector<16xf32>
    %add3A_413 = arith.addf %mul3A_411, %mul3A_412 : vector<16xf32>
    %mul3A_414 = arith.mulf %sub3A_377, %gather3A_386 : vector<16xf32>
    %add3A_415 = arith.addf %add3A_413, %mul3A_414 : vector<16xf32>
    %sub3A_416 = arith.subf %add3A_410, %add3A_415 : vector<16xf32>
    %mul3A_417 = arith.constant 16 : i32
    %mul3A_418 = vector.broadcast %mul3A_417 : i32 to vector<16xi32>
    %mul3A_419 = arith.muli %add3A_239, %mul3A_418 : vector<16xi32>
    %add3A_420 = arith.constant 0 : i32
    %add3A_421 = vector.broadcast %add3A_420 : i32 to vector<16xi32>
    %add3A_422 = arith.addi %mul3A_419, %add3A_421 : vector<16xi32>
    tpu.vector_store_idx %arg17[%add3A_422], %sub3A_323 : memref<1280xf32, #tpu.memory_space<vmem>>[vector<16xi32>], vector<16xf32>,
    %add3A_423 = arith.constant 1 : i32
    %add3A_424 = vector.broadcast %add3A_423 : i32 to vector<16xi32>
    %add3A_425 = arith.addi %mul3A_419, %add3A_424 : vector<16xi32>
    tpu.vector_store_idx %arg17[%add3A_425], %mul3A_329 : memref<1280xf32, #tpu.memory_space<vmem>>[vector<16xi32>], vector<16xf32>,
    %add3A_426 = arith.constant 2 : i32
    %add3A_427 = vector.broadcast %add3A_426 : i32 to vector<16xi32>
    %add3A_428 = arith.addi %mul3A_419, %add3A_427 : vector<16xi32>
    tpu.vector_store_idx %arg17[%add3A_428], %mul3A_335 : memref<1280xf32, #tpu.memory_space<vmem>>[vector<16xi32>], vector<16xf32>,
    %add3A_429 = arith.constant 3 : i32
    %add3A_430 = vector.broadcast %add3A_429 : i32 to vector<16xi32>
    %add3A_431 = arith.addi %mul3A_419, %add3A_430 : vector<16xi32>
    tpu.vector_store_idx %arg17[%add3A_431], %mul3A_341 : memref<1280xf32, #tpu.memory_space<vmem>>[vector<16xi32>], vector<16xf32>,
    %add3A_432 = arith.constant 4 : i32
    %add3A_433 = vector.broadcast %add3A_432 : i32 to vector<16xi32>
    %add3A_434 = arith.addi %mul3A_419, %add3A_433 : vector<16xi32>
    tpu.vector_store_idx %arg17[%add3A_434], %sub3A_350 : memref<1280xf32, #tpu.memory_space<vmem>>[vector<16xi32>], vector<16xf32>,
    %add3A_435 = arith.constant 5 : i32
    %add3A_436 = vector.broadcast %add3A_435 : i32 to vector<16xi32>
    %add3A_437 = arith.addi %mul3A_419, %add3A_436 : vector<16xi32>
    tpu.vector_store_idx %arg17[%add3A_437], %mul3A_356 : memref<1280xf32, #tpu.memory_space<vmem>>[vector<16xi32>], vector<16xf32>,
    %add3A_438 = arith.constant 6 : i32
    %add3A_439 = vector.broadcast %add3A_438 : i32 to vector<16xi32>
    %add3A_440 = arith.addi %mul3A_419, %add3A_439 : vector<16xi32>
    tpu.vector_store_idx %arg17[%add3A_440], %mul3A_362 : memref<1280xf32, #tpu.memory_space<vmem>>[vector<16xi32>], vector<16xf32>,
    %add3A_441 = arith.constant 7 : i32
    %add3A_442 = vector.broadcast %add3A_441 : i32 to vector<16xi32>
    %add3A_443 = arith.addi %mul3A_419, %add3A_442 : vector<16xi32>
    tpu.vector_store_idx %arg17[%add3A_443], %mul3A_368 : memref<1280xf32, #tpu.memory_space<vmem>>[vector<16xi32>], vector<16xf32>,
    %add3A_444 = arith.constant 8 : i32
    %add3A_445 = vector.broadcast %add3A_444 : i32 to vector<16xi32>
    %add3A_446 = arith.addi %mul3A_419, %add3A_445 : vector<16xi32>
    tpu.vector_store_idx %arg17[%add3A_446], %sub3A_377 : memref<1280xf32, #tpu.memory_space<vmem>>[vector<16xi32>], vector<16xf32>,
    %add3A_447 = arith.constant 9 : i32
    %add3A_448 = vector.broadcast %add3A_447 : i32 to vector<16xi32>
    %add3A_449 = arith.addi %mul3A_419, %add3A_448 : vector<16xi32>
    tpu.vector_store_idx %arg17[%add3A_449], %sub3A_402 : memref<1280xf32, #tpu.memory_space<vmem>>[vector<16xi32>], vector<16xf32>,
    %add3A_450 = arith.constant 10 : i32
    %add3A_451 = vector.broadcast %add3A_450 : i32 to vector<16xi32>
    %add3A_452 = arith.addi %mul3A_419, %add3A_451 : vector<16xi32>
    tpu.vector_store_idx %arg17[%add3A_452], %sub3A_409 : memref<1280xf32, #tpu.memory_space<vmem>>[vector<16xi32>], vector<16xf32>,
    %add3A_453 = arith.constant 11 : i32
    %add3A_454 = vector.broadcast %add3A_453 : i32 to vector<16xi32>
    %add3A_455 = arith.addi %mul3A_419, %add3A_454 : vector<16xi32>
    tpu.vector_store_idx %arg17[%add3A_455], %sub3A_416 : memref<1280xf32, #tpu.memory_space<vmem>>[vector<16xi32>], vector<16xf32>,
    %add3A_456 = arith.constant 12 : i32
    %add3A_457 = vector.broadcast %add3A_456 : i32 to vector<16xi32>
    %add3A_458 = arith.addi %mul3A_419, %add3A_457 : vector<16xi32>
    tpu.vector_store_idx %arg17[%add3A_458], %gather3A_246 : memref<1280xf32, #tpu.memory_space<vmem>>[vector<16xi32>], vector<16xf32>,
    %add3A_459 = arith.constant 13 : i32
    %add3A_460 = vector.broadcast %add3A_459 : i32 to vector<16xi32>
    %add3A_461 = arith.addi %mul3A_419, %add3A_460 : vector<16xi32>
    tpu.vector_store_idx %arg17[%add3A_461], %gather3A_250 : memref<1280xf32, #tpu.memory_space<vmem>>[vector<16xi32>], vector<16xf32>,
    %add3A_462 = arith.constant 14 : i32
    %add3A_463 = vector.broadcast %add3A_462 : i32 to vector<16xi32>
    %add3A_464 = arith.addi %mul3A_419, %add3A_463 : vector<16xi32>
    tpu.vector_store_idx %arg17[%add3A_464], %gather3A_254 : memref<1280xf32, #tpu.memory_space<vmem>>[vector<16xi32>], vector<16xf32>,
    %add3A_465 = arith.constant 15 : i32
    %add3A_466 = vector.broadcast %add3A_465 : i32 to vector<16xi32>
    %add3A_467 = arith.addi %mul3A_419, %add3A_466 : vector<16xi32>
    tpu.vector_store_idx %arg17[%add3A_467], %gather3A_258 : memref<1280xf32, #tpu.memory_space<vmem>>[vector<16xi32>], vector<16xf32>,
    %add3A_468 = arith.constant 32 : i32
    %add3A_469 = vector.broadcast %add3A_468 : i32 to vector<16xi32>
    %add3A_470 = arith.addi %add3A_469, %iota3A : vector<16xi32>
    %mul3A_471 = arith.constant 4 : i32
    %mul3A_472 = vector.broadcast %mul3A_471 : i32 to vector<16xi32>
    %mul3A_473 = arith.muli %add3A_470, %mul3A_472 : vector<16xi32>
    %mul3A_474 = arith.constant 3 : i32
    %mul3A_475 = vector.broadcast %mul3A_474 : i32 to vector<16xi32>
    %mul3A_476 = arith.muli %add3A_470, %mul3A_475 : vector<16xi32>
    %gather3A_477 = tpu.vector_load_idx %arg18[%mul3A_473] : memref<320xf32, #tpu.memory_space<vmem>>[vector<16xi32>], vector<16xf32>,
    %add3A_478 = arith.constant 1 : i32
    %add3A_479 = vector.broadcast %add3A_478 : i32 to vector<16xi32>
    %add3A_480 = arith.addi %mul3A_473, %add3A_479 : vector<16xi32>
    %gather3A_481 = tpu.vector_load_idx %arg18[%add3A_480] : memref<320xf32, #tpu.memory_space<vmem>>[vector<16xi32>], vector<16xf32>,
    %add3A_482 = arith.constant 2 : i32
    %add3A_483 = vector.broadcast %add3A_482 : i32 to vector<16xi32>
    %add3A_484 = arith.addi %mul3A_473, %add3A_483 : vector<16xi32>
    %gather3A_485 = tpu.vector_load_idx %arg18[%add3A_484] : memref<320xf32, #tpu.memory_space<vmem>>[vector<16xi32>], vector<16xf32>,
    %add3A_486 = arith.constant 3 : i32
    %add3A_487 = vector.broadcast %add3A_486 : i32 to vector<16xi32>
    %add3A_488 = arith.addi %mul3A_473, %add3A_487 : vector<16xi32>
    %gather3A_489 = tpu.vector_load_idx %arg18[%add3A_488] : memref<320xf32, #tpu.memory_space<vmem>>[vector<16xi32>], vector<16xf32>,
    %mul3A_490 = arith.mulf %gather3A_477, %gather3A_477 : vector<16xf32>
    %mul3A_491 = arith.mulf %gather3A_481, %gather3A_481 : vector<16xf32>
    %add3A_492 = arith.addf %mul3A_490, %mul3A_491 : vector<16xf32>
    %mul3A_493 = arith.mulf %gather3A_485, %gather3A_485 : vector<16xf32>
    %add3A_494 = arith.addf %add3A_492, %mul3A_493 : vector<16xf32>
    %mul3A_495 = arith.mulf %gather3A_489, %gather3A_489 : vector<16xf32>
    %add3A_496 = arith.addf %add3A_494, %mul3A_495 : vector<16xf32>
    %max3A_497 = arith.constant 1.000000e-30 : f32
    %max3A_498 = vector.broadcast %max3A_497 : f32 to vector<16xf32>
    %max3A_499 = arith.maximumf %add3A_496, %max3A_498 : vector<16xf32>
    %bitcast3A_500 = vector.bitcast %max3A_499 : vector<16xf32> to vector<16xi32>
    %shift_right_arithmetic3A_501 = arith.constant 1 : i32
    %shift_right_arithmetic3A_502 = vector.broadcast %shift_right_arithmetic3A_501 : i32 to vector<16xi32>
    %shift_right_arithmetic3A_503 = arith.shrsi %bitcast3A_500, %shift_right_arithmetic3A_502 : vector<16xi32>
    %sub3A_504 = arith.constant 1597463007 : i32
    %sub3A_505 = vector.broadcast %sub3A_504 : i32 to vector<16xi32>
    %sub3A_506 = arith.subi %sub3A_505, %shift_right_arithmetic3A_503 : vector<16xi32>
    %bitcast3A_507 = vector.bitcast %sub3A_506 : vector<16xi32> to vector<16xf32>
    %mul3A_508 = arith.constant 5.000000e-01 : f32
    %mul3A_509 = vector.broadcast %mul3A_508 : f32 to vector<16xf32>
    %mul3A_510 = arith.mulf %mul3A_509, %max3A_499 : vector<16xf32>
    %mul3A_511 = arith.mulf %mul3A_510, %bitcast3A_507 : vector<16xf32>
    %mul3A_512 = arith.mulf %mul3A_511, %bitcast3A_507 : vector<16xf32>
    %sub3A_513 = arith.constant 1.500000e+00 : f32
    %sub3A_514 = vector.broadcast %sub3A_513 : f32 to vector<16xf32>
    %sub3A_515 = arith.subf %sub3A_514, %mul3A_512 : vector<16xf32>
    %mul3A_516 = arith.mulf %bitcast3A_507, %sub3A_515 : vector<16xf32>
    %mul3A_517 = arith.constant 5.000000e-01 : f32
    %mul3A_518 = vector.broadcast %mul3A_517 : f32 to vector<16xf32>
    %mul3A_519 = arith.mulf %mul3A_518, %max3A_499 : vector<16xf32>
    %mul3A_520 = arith.mulf %mul3A_519, %mul3A_516 : vector<16xf32>
    %mul3A_521 = arith.mulf %mul3A_520, %mul3A_516 : vector<16xf32>
    %sub3A_522 = arith.constant 1.500000e+00 : f32
    %sub3A_523 = vector.broadcast %sub3A_522 : f32 to vector<16xf32>
    %sub3A_524 = arith.subf %sub3A_523, %mul3A_521 : vector<16xf32>
    %mul3A_525 = arith.mulf %mul3A_516, %sub3A_524 : vector<16xf32>
    %mul3A_526 = arith.constant 5.000000e-01 : f32
    %mul3A_527 = vector.broadcast %mul3A_526 : f32 to vector<16xf32>
    %mul3A_528 = arith.mulf %mul3A_527, %max3A_499 : vector<16xf32>
    %mul3A_529 = arith.mulf %mul3A_528, %mul3A_525 : vector<16xf32>
    %mul3A_530 = arith.mulf %mul3A_529, %mul3A_525 : vector<16xf32>
    %sub3A_531 = arith.constant 1.500000e+00 : f32
    %sub3A_532 = vector.broadcast %sub3A_531 : f32 to vector<16xf32>
    %sub3A_533 = arith.subf %sub3A_532, %mul3A_530 : vector<16xf32>
    %mul3A_534 = arith.mulf %mul3A_525, %sub3A_533 : vector<16xf32>
    %mul3A_535 = arith.mulf %add3A_496, %mul3A_534 : vector<16xf32>
    %add3A_536 = arith.constant 9.99999993E-9 : f32
    %add3A_537 = vector.broadcast %add3A_536 : f32 to vector<16xf32>
    %add3A_538 = arith.addf %mul3A_535, %add3A_537 : vector<16xf32>
    %div3A_539 = arith.constant 1.000000e+00 : f32
    %div3A_540 = vector.broadcast %div3A_539 : f32 to vector<16xf32>
    %div3A_541 = arith.divf %div3A_540, %add3A_538 : vector<16xf32>
    %mul3A_542 = arith.mulf %gather3A_477, %div3A_541 : vector<16xf32>
    %mul3A_543 = arith.mulf %gather3A_481, %div3A_541 : vector<16xf32>
    %mul3A_544 = arith.mulf %gather3A_485, %div3A_541 : vector<16xf32>
    %mul3A_545 = arith.mulf %gather3A_489, %div3A_541 : vector<16xf32>
    %mul3A_546 = arith.mulf %mul3A_544, %mul3A_544 : vector<16xf32>
    %mul3A_547 = arith.mulf %mul3A_545, %mul3A_545 : vector<16xf32>
    %add3A_548 = arith.addf %mul3A_546, %mul3A_547 : vector<16xf32>
    %mul3A_549 = arith.constant 2.000000e+00 : f32
    %mul3A_550 = vector.broadcast %mul3A_549 : f32 to vector<16xf32>
    %mul3A_551 = arith.mulf %mul3A_550, %add3A_548 : vector<16xf32>
    %sub3A_552 = arith.constant 1.000000e+00 : f32
    %sub3A_553 = vector.broadcast %sub3A_552 : f32 to vector<16xf32>
    %sub3A_554 = arith.subf %sub3A_553, %mul3A_551 : vector<16xf32>
    %mul3A_555 = arith.mulf %mul3A_543, %mul3A_544 : vector<16xf32>
    %mul3A_556 = arith.mulf %mul3A_542, %mul3A_545 : vector<16xf32>
    %sub3A_557 = arith.subf %mul3A_555, %mul3A_556 : vector<16xf32>
    %mul3A_558 = arith.constant 2.000000e+00 : f32
    %mul3A_559 = vector.broadcast %mul3A_558 : f32 to vector<16xf32>
    %mul3A_560 = arith.mulf %mul3A_559, %sub3A_557 : vector<16xf32>
    %mul3A_561 = arith.mulf %mul3A_543, %mul3A_545 : vector<16xf32>
    %mul3A_562 = arith.mulf %mul3A_542, %mul3A_544 : vector<16xf32>
    %add3A_563 = arith.addf %mul3A_561, %mul3A_562 : vector<16xf32>
    %mul3A_564 = arith.constant 2.000000e+00 : f32
    %mul3A_565 = vector.broadcast %mul3A_564 : f32 to vector<16xf32>
    %mul3A_566 = arith.mulf %mul3A_565, %add3A_563 : vector<16xf32>
    %mul3A_567 = arith.mulf %mul3A_543, %mul3A_544 : vector<16xf32>
    %mul3A_568 = arith.mulf %mul3A_542, %mul3A_545 : vector<16xf32>
    %add3A_569 = arith.addf %mul3A_567, %mul3A_568 : vector<16xf32>
    %mul3A_570 = arith.constant 2.000000e+00 : f32
    %mul3A_571 = vector.broadcast %mul3A_570 : f32 to vector<16xf32>
    %mul3A_572 = arith.mulf %mul3A_571, %add3A_569 : vector<16xf32>
    %mul3A_573 = arith.mulf %mul3A_543, %mul3A_543 : vector<16xf32>
    %mul3A_574 = arith.mulf %mul3A_545, %mul3A_545 : vector<16xf32>
    %add3A_575 = arith.addf %mul3A_573, %mul3A_574 : vector<16xf32>
    %mul3A_576 = arith.constant 2.000000e+00 : f32
    %mul3A_577 = vector.broadcast %mul3A_576 : f32 to vector<16xf32>
    %mul3A_578 = arith.mulf %mul3A_577, %add3A_575 : vector<16xf32>
    %sub3A_579 = arith.constant 1.000000e+00 : f32
    %sub3A_580 = vector.broadcast %sub3A_579 : f32 to vector<16xf32>
    %sub3A_581 = arith.subf %sub3A_580, %mul3A_578 : vector<16xf32>
    %mul3A_582 = arith.mulf %mul3A_544, %mul3A_545 : vector<16xf32>
    %mul3A_583 = arith.mulf %mul3A_542, %mul3A_543 : vector<16xf32>
    %sub3A_584 = arith.subf %mul3A_582, %mul3A_583 : vector<16xf32>
    %mul3A_585 = arith.constant 2.000000e+00 : f32
    %mul3A_586 = vector.broadcast %mul3A_585 : f32 to vector<16xf32>
    %mul3A_587 = arith.mulf %mul3A_586, %sub3A_584 : vector<16xf32>
    %mul3A_588 = arith.mulf %mul3A_543, %mul3A_545 : vector<16xf32>
    %mul3A_589 = arith.mulf %mul3A_542, %mul3A_544 : vector<16xf32>
    %sub3A_590 = arith.subf %mul3A_588, %mul3A_589 : vector<16xf32>
    %mul3A_591 = arith.constant 2.000000e+00 : f32
    %mul3A_592 = vector.broadcast %mul3A_591 : f32 to vector<16xf32>
    %mul3A_593 = arith.mulf %mul3A_592, %sub3A_590 : vector<16xf32>
    %mul3A_594 = arith.mulf %mul3A_544, %mul3A_545 : vector<16xf32>
    %mul3A_595 = arith.mulf %mul3A_542, %mul3A_543 : vector<16xf32>
    %add3A_596 = arith.addf %mul3A_594, %mul3A_595 : vector<16xf32>
    %mul3A_597 = arith.constant 2.000000e+00 : f32
    %mul3A_598 = vector.broadcast %mul3A_597 : f32 to vector<16xf32>
    %mul3A_599 = arith.mulf %mul3A_598, %add3A_596 : vector<16xf32>
    %mul3A_600 = arith.mulf %mul3A_543, %mul3A_543 : vector<16xf32>
    %mul3A_601 = arith.mulf %mul3A_544, %mul3A_544 : vector<16xf32>
    %add3A_602 = arith.addf %mul3A_600, %mul3A_601 : vector<16xf32>
    %mul3A_603 = arith.constant 2.000000e+00 : f32
    %mul3A_604 = vector.broadcast %mul3A_603 : f32 to vector<16xf32>
    %mul3A_605 = arith.mulf %mul3A_604, %add3A_602 : vector<16xf32>
    %sub3A_606 = arith.constant 1.000000e+00 : f32
    %sub3A_607 = vector.broadcast %sub3A_606 : f32 to vector<16xf32>
    %sub3A_608 = arith.subf %sub3A_607, %mul3A_605 : vector<16xf32>
    %gather3A_609 = tpu.vector_load_idx %arg19[%mul3A_476] : memref<240xf32, #tpu.memory_space<vmem>>[vector<16xi32>], vector<16xf32>,
    %add3A_610 = arith.constant 1 : i32
    %add3A_611 = vector.broadcast %add3A_610 : i32 to vector<16xi32>
    %add3A_612 = arith.addi %mul3A_476, %add3A_611 : vector<16xi32>
    %gather3A_613 = tpu.vector_load_idx %arg19[%add3A_612] : memref<240xf32, #tpu.memory_space<vmem>>[vector<16xi32>], vector<16xf32>,
    %add3A_614 = arith.constant 2 : i32
    %add3A_615 = vector.broadcast %add3A_614 : i32 to vector<16xi32>
    %add3A_616 = arith.addi %mul3A_476, %add3A_615 : vector<16xi32>
    %gather3A_617 = tpu.vector_load_idx %arg19[%add3A_616] : memref<240xf32, #tpu.memory_space<vmem>>[vector<16xi32>], vector<16xf32>,
    %gather3A_618 = tpu.vector_load_idx %arg20[%mul3A_476] : memref<240xf32, #tpu.memory_space<vmem>>[vector<16xi32>], vector<16xf32>,
    %add3A_619 = arith.constant 1 : i32
    %add3A_620 = vector.broadcast %add3A_619 : i32 to vector<16xi32>
    %add3A_621 = arith.addi %mul3A_476, %add3A_620 : vector<16xi32>
    %gather3A_622 = tpu.vector_load_idx %arg20[%add3A_621] : memref<240xf32, #tpu.memory_space<vmem>>[vector<16xi32>], vector<16xf32>,
    %add3A_623 = arith.constant 2 : i32
    %add3A_624 = vector.broadcast %add3A_623 : i32 to vector<16xi32>
    %add3A_625 = arith.addi %mul3A_476, %add3A_624 : vector<16xi32>
    %gather3A_626 = tpu.vector_load_idx %arg20[%add3A_625] : memref<240xf32, #tpu.memory_space<vmem>>[vector<16xi32>], vector<16xf32>,
    %add3A_627 = arith.addf %gather3A_609, %gather3A_618 : vector<16xf32>
    %mul3A_628 = arith.mulf %sub3A_554, %gather3A_609 : vector<16xf32>
    %mul3A_629 = arith.mulf %mul3A_560, %gather3A_613 : vector<16xf32>
    %add3A_630 = arith.addf %mul3A_628, %mul3A_629 : vector<16xf32>
    %mul3A_631 = arith.mulf %mul3A_566, %gather3A_617 : vector<16xf32>
    %add3A_632 = arith.addf %add3A_630, %mul3A_631 : vector<16xf32>
    %sub3A_633 = arith.subf %add3A_627, %add3A_632 : vector<16xf32>
    %add3A_634 = arith.addf %gather3A_613, %gather3A_622 : vector<16xf32>
    %mul3A_635 = arith.mulf %mul3A_572, %gather3A_609 : vector<16xf32>
    %mul3A_636 = arith.mulf %sub3A_581, %gather3A_613 : vector<16xf32>
    %add3A_637 = arith.addf %mul3A_635, %mul3A_636 : vector<16xf32>
    %mul3A_638 = arith.mulf %mul3A_587, %gather3A_617 : vector<16xf32>
    %add3A_639 = arith.addf %add3A_637, %mul3A_638 : vector<16xf32>
    %sub3A_640 = arith.subf %add3A_634, %add3A_639 : vector<16xf32>
    %add3A_641 = arith.addf %gather3A_617, %gather3A_626 : vector<16xf32>
    %mul3A_642 = arith.mulf %mul3A_593, %gather3A_609 : vector<16xf32>
    %mul3A_643 = arith.mulf %mul3A_599, %gather3A_613 : vector<16xf32>
    %add3A_644 = arith.addf %mul3A_642, %mul3A_643 : vector<16xf32>
    %mul3A_645 = arith.mulf %sub3A_608, %gather3A_617 : vector<16xf32>
    %add3A_646 = arith.addf %add3A_644, %mul3A_645 : vector<16xf32>
    %sub3A_647 = arith.subf %add3A_641, %add3A_646 : vector<16xf32>
    %mul3A_648 = arith.constant 16 : i32
    %mul3A_649 = vector.broadcast %mul3A_648 : i32 to vector<16xi32>
    %mul3A_650 = arith.muli %add3A_470, %mul3A_649 : vector<16xi32>
    %add3A_651 = arith.constant 0 : i32
    %add3A_652 = vector.broadcast %add3A_651 : i32 to vector<16xi32>
    %add3A_653 = arith.addi %mul3A_650, %add3A_652 : vector<16xi32>
    tpu.vector_store_idx %arg17[%add3A_653], %sub3A_554 : memref<1280xf32, #tpu.memory_space<vmem>>[vector<16xi32>], vector<16xf32>,
    %add3A_654 = arith.constant 1 : i32
    %add3A_655 = vector.broadcast %add3A_654 : i32 to vector<16xi32>
    %add3A_656 = arith.addi %mul3A_650, %add3A_655 : vector<16xi32>
    tpu.vector_store_idx %arg17[%add3A_656], %mul3A_560 : memref<1280xf32, #tpu.memory_space<vmem>>[vector<16xi32>], vector<16xf32>,
    %add3A_657 = arith.constant 2 : i32
    %add3A_658 = vector.broadcast %add3A_657 : i32 to vector<16xi32>
    %add3A_659 = arith.addi %mul3A_650, %add3A_658 : vector<16xi32>
    tpu.vector_store_idx %arg17[%add3A_659], %mul3A_566 : memref<1280xf32, #tpu.memory_space<vmem>>[vector<16xi32>], vector<16xf32>,
    %add3A_660 = arith.constant 3 : i32
    %add3A_661 = vector.broadcast %add3A_660 : i32 to vector<16xi32>
    %add3A_662 = arith.addi %mul3A_650, %add3A_661 : vector<16xi32>
    tpu.vector_store_idx %arg17[%add3A_662], %mul3A_572 : memref<1280xf32, #tpu.memory_space<vmem>>[vector<16xi32>], vector<16xf32>,
    %add3A_663 = arith.constant 4 : i32
    %add3A_664 = vector.broadcast %add3A_663 : i32 to vector<16xi32>
    %add3A_665 = arith.addi %mul3A_650, %add3A_664 : vector<16xi32>
    tpu.vector_store_idx %arg17[%add3A_665], %sub3A_581 : memref<1280xf32, #tpu.memory_space<vmem>>[vector<16xi32>], vector<16xf32>,
    %add3A_666 = arith.constant 5 : i32
    %add3A_667 = vector.broadcast %add3A_666 : i32 to vector<16xi32>
    %add3A_668 = arith.addi %mul3A_650, %add3A_667 : vector<16xi32>
    tpu.vector_store_idx %arg17[%add3A_668], %mul3A_587 : memref<1280xf32, #tpu.memory_space<vmem>>[vector<16xi32>], vector<16xf32>,
    %add3A_669 = arith.constant 6 : i32
    %add3A_670 = vector.broadcast %add3A_669 : i32 to vector<16xi32>
    %add3A_671 = arith.addi %mul3A_650, %add3A_670 : vector<16xi32>
    tpu.vector_store_idx %arg17[%add3A_671], %mul3A_593 : memref<1280xf32, #tpu.memory_space<vmem>>[vector<16xi32>], vector<16xf32>,
    %add3A_672 = arith.constant 7 : i32
    %add3A_673 = vector.broadcast %add3A_672 : i32 to vector<16xi32>
    %add3A_674 = arith.addi %mul3A_650, %add3A_673 : vector<16xi32>
    tpu.vector_store_idx %arg17[%add3A_674], %mul3A_599 : memref<1280xf32, #tpu.memory_space<vmem>>[vector<16xi32>], vector<16xf32>,
    %add3A_675 = arith.constant 8 : i32
    %add3A_676 = vector.broadcast %add3A_675 : i32 to vector<16xi32>
    %add3A_677 = arith.addi %mul3A_650, %add3A_676 : vector<16xi32>
    tpu.vector_store_idx %arg17[%add3A_677], %sub3A_608 : memref<1280xf32, #tpu.memory_space<vmem>>[vector<16xi32>], vector<16xf32>,
    %add3A_678 = arith.constant 9 : i32
    %add3A_679 = vector.broadcast %add3A_678 : i32 to vector<16xi32>
    %add3A_680 = arith.addi %mul3A_650, %add3A_679 : vector<16xi32>
    tpu.vector_store_idx %arg17[%add3A_680], %sub3A_633 : memref<1280xf32, #tpu.memory_space<vmem>>[vector<16xi32>], vector<16xf32>,
    %add3A_681 = arith.constant 10 : i32
    %add3A_682 = vector.broadcast %add3A_681 : i32 to vector<16xi32>
    %add3A_683 = arith.addi %mul3A_650, %add3A_682 : vector<16xi32>
    tpu.vector_store_idx %arg17[%add3A_683], %sub3A_640 : memref<1280xf32, #tpu.memory_space<vmem>>[vector<16xi32>], vector<16xf32>,
    %add3A_684 = arith.constant 11 : i32
    %add3A_685 = vector.broadcast %add3A_684 : i32 to vector<16xi32>
    %add3A_686 = arith.addi %mul3A_650, %add3A_685 : vector<16xi32>
    tpu.vector_store_idx %arg17[%add3A_686], %sub3A_647 : memref<1280xf32, #tpu.memory_space<vmem>>[vector<16xi32>], vector<16xf32>,
    %add3A_687 = arith.constant 12 : i32
    %add3A_688 = vector.broadcast %add3A_687 : i32 to vector<16xi32>
    %add3A_689 = arith.addi %mul3A_650, %add3A_688 : vector<16xi32>
    tpu.vector_store_idx %arg17[%add3A_689], %gather3A_477 : memref<1280xf32, #tpu.memory_space<vmem>>[vector<16xi32>], vector<16xf32>,
    %add3A_690 = arith.constant 13 : i32
    %add3A_691 = vector.broadcast %add3A_690 : i32 to vector<16xi32>
    %add3A_692 = arith.addi %mul3A_650, %add3A_691 : vector<16xi32>
    tpu.vector_store_idx %arg17[%add3A_692], %gather3A_481 : memref<1280xf32, #tpu.memory_space<vmem>>[vector<16xi32>], vector<16xf32>,
    %add3A_693 = arith.constant 14 : i32
    %add3A_694 = vector.broadcast %add3A_693 : i32 to vector<16xi32>
    %add3A_695 = arith.addi %mul3A_650, %add3A_694 : vector<16xi32>
    tpu.vector_store_idx %arg17[%add3A_695], %gather3A_485 : memref<1280xf32, #tpu.memory_space<vmem>>[vector<16xi32>], vector<16xf32>,
    %add3A_696 = arith.constant 15 : i32
    %add3A_697 = vector.broadcast %add3A_696 : i32 to vector<16xi32>
    %add3A_698 = arith.addi %mul3A_650, %add3A_697 : vector<16xi32>
    tpu.vector_store_idx %arg17[%add3A_698], %gather3A_489 : memref<1280xf32, #tpu.memory_space<vmem>>[vector<16xi32>], vector<16xf32>,
    %add3A_699 = arith.constant 48 : i32
    %add3A_700 = vector.broadcast %add3A_699 : i32 to vector<16xi32>
    %add3A_701 = arith.addi %add3A_700, %iota3A : vector<16xi32>
    %mul3A_702 = arith.constant 4 : i32
    %mul3A_703 = vector.broadcast %mul3A_702 : i32 to vector<16xi32>
    %mul3A_704 = arith.muli %add3A_701, %mul3A_703 : vector<16xi32>
    %mul3A_705 = arith.constant 3 : i32
    %mul3A_706 = vector.broadcast %mul3A_705 : i32 to vector<16xi32>
    %mul3A_707 = arith.muli %add3A_701, %mul3A_706 : vector<16xi32>
    %gather3A_708 = tpu.vector_load_idx %arg18[%mul3A_704] : memref<320xf32, #tpu.memory_space<vmem>>[vector<16xi32>], vector<16xf32>,
    %add3A_709 = arith.constant 1 : i32
    %add3A_710 = vector.broadcast %add3A_709 : i32 to vector<16xi32>
    %add3A_711 = arith.addi %mul3A_704, %add3A_710 : vector<16xi32>
    %gather3A_712 = tpu.vector_load_idx %arg18[%add3A_711] : memref<320xf32, #tpu.memory_space<vmem>>[vector<16xi32>], vector<16xf32>,
    %add3A_713 = arith.constant 2 : i32
    %add3A_714 = vector.broadcast %add3A_713 : i32 to vector<16xi32>
    %add3A_715 = arith.addi %mul3A_704, %add3A_714 : vector<16xi32>
    %gather3A_716 = tpu.vector_load_idx %arg18[%add3A_715] : memref<320xf32, #tpu.memory_space<vmem>>[vector<16xi32>], vector<16xf32>,
    %add3A_717 = arith.constant 3 : i32
    %add3A_718 = vector.broadcast %add3A_717 : i32 to vector<16xi32>
    %add3A_719 = arith.addi %mul3A_704, %add3A_718 : vector<16xi32>
    %gather3A_720 = tpu.vector_load_idx %arg18[%add3A_719] : memref<320xf32, #tpu.memory_space<vmem>>[vector<16xi32>], vector<16xf32>,
    %mul3A_721 = arith.mulf %gather3A_708, %gather3A_708 : vector<16xf32>
    %mul3A_722 = arith.mulf %gather3A_712, %gather3A_712 : vector<16xf32>
    %add3A_723 = arith.addf %mul3A_721, %mul3A_722 : vector<16xf32>
    %mul3A_724 = arith.mulf %gather3A_716, %gather3A_716 : vector<16xf32>
    %add3A_725 = arith.addf %add3A_723, %mul3A_724 : vector<16xf32>
    %mul3A_726 = arith.mulf %gather3A_720, %gather3A_720 : vector<16xf32>
    %add3A_727 = arith.addf %add3A_725, %mul3A_726 : vector<16xf32>
    %max3A_728 = arith.constant 1.000000e-30 : f32
    %max3A_729 = vector.broadcast %max3A_728 : f32 to vector<16xf32>
    %max3A_730 = arith.maximumf %add3A_727, %max3A_729 : vector<16xf32>
    %bitcast3A_731 = vector.bitcast %max3A_730 : vector<16xf32> to vector<16xi32>
    %shift_right_arithmetic3A_732 = arith.constant 1 : i32
    %shift_right_arithmetic3A_733 = vector.broadcast %shift_right_arithmetic3A_732 : i32 to vector<16xi32>
    %shift_right_arithmetic3A_734 = arith.shrsi %bitcast3A_731, %shift_right_arithmetic3A_733 : vector<16xi32>
    %sub3A_735 = arith.constant 1597463007 : i32
    %sub3A_736 = vector.broadcast %sub3A_735 : i32 to vector<16xi32>
    %sub3A_737 = arith.subi %sub3A_736, %shift_right_arithmetic3A_734 : vector<16xi32>
    %bitcast3A_738 = vector.bitcast %sub3A_737 : vector<16xi32> to vector<16xf32>
    %mul3A_739 = arith.constant 5.000000e-01 : f32
    %mul3A_740 = vector.broadcast %mul3A_739 : f32 to vector<16xf32>
    %mul3A_741 = arith.mulf %mul3A_740, %max3A_730 : vector<16xf32>
    %mul3A_742 = arith.mulf %mul3A_741, %bitcast3A_738 : vector<16xf32>
    %mul3A_743 = arith.mulf %mul3A_742, %bitcast3A_738 : vector<16xf32>
    %sub3A_744 = arith.constant 1.500000e+00 : f32
    %sub3A_745 = vector.broadcast %sub3A_744 : f32 to vector<16xf32>
    %sub3A_746 = arith.subf %sub3A_745, %mul3A_743 : vector<16xf32>
    %mul3A_747 = arith.mulf %bitcast3A_738, %sub3A_746 : vector<16xf32>
    %mul3A_748 = arith.constant 5.000000e-01 : f32
    %mul3A_749 = vector.broadcast %mul3A_748 : f32 to vector<16xf32>
    %mul3A_750 = arith.mulf %mul3A_749, %max3A_730 : vector<16xf32>
    %mul3A_751 = arith.mulf %mul3A_750, %mul3A_747 : vector<16xf32>
    %mul3A_752 = arith.mulf %mul3A_751, %mul3A_747 : vector<16xf32>
    %sub3A_753 = arith.constant 1.500000e+00 : f32
    %sub3A_754 = vector.broadcast %sub3A_753 : f32 to vector<16xf32>
    %sub3A_755 = arith.subf %sub3A_754, %mul3A_752 : vector<16xf32>
    %mul3A_756 = arith.mulf %mul3A_747, %sub3A_755 : vector<16xf32>
    %mul3A_757 = arith.constant 5.000000e-01 : f32
    %mul3A_758 = vector.broadcast %mul3A_757 : f32 to vector<16xf32>
    %mul3A_759 = arith.mulf %mul3A_758, %max3A_730 : vector<16xf32>
    %mul3A_760 = arith.mulf %mul3A_759, %mul3A_756 : vector<16xf32>
    %mul3A_761 = arith.mulf %mul3A_760, %mul3A_756 : vector<16xf32>
    %sub3A_762 = arith.constant 1.500000e+00 : f32
    %sub3A_763 = vector.broadcast %sub3A_762 : f32 to vector<16xf32>
    %sub3A_764 = arith.subf %sub3A_763, %mul3A_761 : vector<16xf32>
    %mul3A_765 = arith.mulf %mul3A_756, %sub3A_764 : vector<16xf32>
    %mul3A_766 = arith.mulf %add3A_727, %mul3A_765 : vector<16xf32>
    %add3A_767 = arith.constant 9.99999993E-9 : f32
    %add3A_768 = vector.broadcast %add3A_767 : f32 to vector<16xf32>
    %add3A_769 = arith.addf %mul3A_766, %add3A_768 : vector<16xf32>
    %div3A_770 = arith.constant 1.000000e+00 : f32
    %div3A_771 = vector.broadcast %div3A_770 : f32 to vector<16xf32>
    %div3A_772 = arith.divf %div3A_771, %add3A_769 : vector<16xf32>
    %mul3A_773 = arith.mulf %gather3A_708, %div3A_772 : vector<16xf32>
    %mul3A_774 = arith.mulf %gather3A_712, %div3A_772 : vector<16xf32>
    %mul3A_775 = arith.mulf %gather3A_716, %div3A_772 : vector<16xf32>
    %mul3A_776 = arith.mulf %gather3A_720, %div3A_772 : vector<16xf32>
    %mul3A_777 = arith.mulf %mul3A_775, %mul3A_775 : vector<16xf32>
    %mul3A_778 = arith.mulf %mul3A_776, %mul3A_776 : vector<16xf32>
    %add3A_779 = arith.addf %mul3A_777, %mul3A_778 : vector<16xf32>
    %mul3A_780 = arith.constant 2.000000e+00 : f32
    %mul3A_781 = vector.broadcast %mul3A_780 : f32 to vector<16xf32>
    %mul3A_782 = arith.mulf %mul3A_781, %add3A_779 : vector<16xf32>
    %sub3A_783 = arith.constant 1.000000e+00 : f32
    %sub3A_784 = vector.broadcast %sub3A_783 : f32 to vector<16xf32>
    %sub3A_785 = arith.subf %sub3A_784, %mul3A_782 : vector<16xf32>
    %mul3A_786 = arith.mulf %mul3A_774, %mul3A_775 : vector<16xf32>
    %mul3A_787 = arith.mulf %mul3A_773, %mul3A_776 : vector<16xf32>
    %sub3A_788 = arith.subf %mul3A_786, %mul3A_787 : vector<16xf32>
    %mul3A_789 = arith.constant 2.000000e+00 : f32
    %mul3A_790 = vector.broadcast %mul3A_789 : f32 to vector<16xf32>
    %mul3A_791 = arith.mulf %mul3A_790, %sub3A_788 : vector<16xf32>
    %mul3A_792 = arith.mulf %mul3A_774, %mul3A_776 : vector<16xf32>
    %mul3A_793 = arith.mulf %mul3A_773, %mul3A_775 : vector<16xf32>
    %add3A_794 = arith.addf %mul3A_792, %mul3A_793 : vector<16xf32>
    %mul3A_795 = arith.constant 2.000000e+00 : f32
    %mul3A_796 = vector.broadcast %mul3A_795 : f32 to vector<16xf32>
    %mul3A_797 = arith.mulf %mul3A_796, %add3A_794 : vector<16xf32>
    %mul3A_798 = arith.mulf %mul3A_774, %mul3A_775 : vector<16xf32>
    %mul3A_799 = arith.mulf %mul3A_773, %mul3A_776 : vector<16xf32>
    %add3A_800 = arith.addf %mul3A_798, %mul3A_799 : vector<16xf32>
    %mul3A_801 = arith.constant 2.000000e+00 : f32
    %mul3A_802 = vector.broadcast %mul3A_801 : f32 to vector<16xf32>
    %mul3A_803 = arith.mulf %mul3A_802, %add3A_800 : vector<16xf32>
    %mul3A_804 = arith.mulf %mul3A_774, %mul3A_774 : vector<16xf32>
    %mul3A_805 = arith.mulf %mul3A_776, %mul3A_776 : vector<16xf32>
    %add3A_806 = arith.addf %mul3A_804, %mul3A_805 : vector<16xf32>
    %mul3A_807 = arith.constant 2.000000e+00 : f32
    %mul3A_808 = vector.broadcast %mul3A_807 : f32 to vector<16xf32>
    %mul3A_809 = arith.mulf %mul3A_808, %add3A_806 : vector<16xf32>
    %sub3A_810 = arith.constant 1.000000e+00 : f32
    %sub3A_811 = vector.broadcast %sub3A_810 : f32 to vector<16xf32>
    %sub3A_812 = arith.subf %sub3A_811, %mul3A_809 : vector<16xf32>
    %mul3A_813 = arith.mulf %mul3A_775, %mul3A_776 : vector<16xf32>
    %mul3A_814 = arith.mulf %mul3A_773, %mul3A_774 : vector<16xf32>
    %sub3A_815 = arith.subf %mul3A_813, %mul3A_814 : vector<16xf32>
    %mul3A_816 = arith.constant 2.000000e+00 : f32
    %mul3A_817 = vector.broadcast %mul3A_816 : f32 to vector<16xf32>
    %mul3A_818 = arith.mulf %mul3A_817, %sub3A_815 : vector<16xf32>
    %mul3A_819 = arith.mulf %mul3A_774, %mul3A_776 : vector<16xf32>
    %mul3A_820 = arith.mulf %mul3A_773, %mul3A_775 : vector<16xf32>
    %sub3A_821 = arith.subf %mul3A_819, %mul3A_820 : vector<16xf32>
    %mul3A_822 = arith.constant 2.000000e+00 : f32
    %mul3A_823 = vector.broadcast %mul3A_822 : f32 to vector<16xf32>
    %mul3A_824 = arith.mulf %mul3A_823, %sub3A_821 : vector<16xf32>
    %mul3A_825 = arith.mulf %mul3A_775, %mul3A_776 : vector<16xf32>
    %mul3A_826 = arith.mulf %mul3A_773, %mul3A_774 : vector<16xf32>
    %add3A_827 = arith.addf %mul3A_825, %mul3A_826 : vector<16xf32>
    %mul3A_828 = arith.constant 2.000000e+00 : f32
    %mul3A_829 = vector.broadcast %mul3A_828 : f32 to vector<16xf32>
    %mul3A_830 = arith.mulf %mul3A_829, %add3A_827 : vector<16xf32>
    %mul3A_831 = arith.mulf %mul3A_774, %mul3A_774 : vector<16xf32>
    %mul3A_832 = arith.mulf %mul3A_775, %mul3A_775 : vector<16xf32>
    %add3A_833 = arith.addf %mul3A_831, %mul3A_832 : vector<16xf32>
    %mul3A_834 = arith.constant 2.000000e+00 : f32
    %mul3A_835 = vector.broadcast %mul3A_834 : f32 to vector<16xf32>
    %mul3A_836 = arith.mulf %mul3A_835, %add3A_833 : vector<16xf32>
    %sub3A_837 = arith.constant 1.000000e+00 : f32
    %sub3A_838 = vector.broadcast %sub3A_837 : f32 to vector<16xf32>
    %sub3A_839 = arith.subf %sub3A_838, %mul3A_836 : vector<16xf32>
    %gather3A_840 = tpu.vector_load_idx %arg19[%mul3A_707] : memref<240xf32, #tpu.memory_space<vmem>>[vector<16xi32>], vector<16xf32>,
    %add3A_841 = arith.constant 1 : i32
    %add3A_842 = vector.broadcast %add3A_841 : i32 to vector<16xi32>
    %add3A_843 = arith.addi %mul3A_707, %add3A_842 : vector<16xi32>
    %gather3A_844 = tpu.vector_load_idx %arg19[%add3A_843] : memref<240xf32, #tpu.memory_space<vmem>>[vector<16xi32>], vector<16xf32>,
    %add3A_845 = arith.constant 2 : i32
    %add3A_846 = vector.broadcast %add3A_845 : i32 to vector<16xi32>
    %add3A_847 = arith.addi %mul3A_707, %add3A_846 : vector<16xi32>
    %gather3A_848 = tpu.vector_load_idx %arg19[%add3A_847] : memref<240xf32, #tpu.memory_space<vmem>>[vector<16xi32>], vector<16xf32>,
    %gather3A_849 = tpu.vector_load_idx %arg20[%mul3A_707] : memref<240xf32, #tpu.memory_space<vmem>>[vector<16xi32>], vector<16xf32>,
    %add3A_850 = arith.constant 1 : i32
    %add3A_851 = vector.broadcast %add3A_850 : i32 to vector<16xi32>
    %add3A_852 = arith.addi %mul3A_707, %add3A_851 : vector<16xi32>
    %gather3A_853 = tpu.vector_load_idx %arg20[%add3A_852] : memref<240xf32, #tpu.memory_space<vmem>>[vector<16xi32>], vector<16xf32>,
    %add3A_854 = arith.constant 2 : i32
    %add3A_855 = vector.broadcast %add3A_854 : i32 to vector<16xi32>
    %add3A_856 = arith.addi %mul3A_707, %add3A_855 : vector<16xi32>
    %gather3A_857 = tpu.vector_load_idx %arg20[%add3A_856] : memref<240xf32, #tpu.memory_space<vmem>>[vector<16xi32>], vector<16xf32>,
    %add3A_858 = arith.addf %gather3A_840, %gather3A_849 : vector<16xf32>
    %mul3A_859 = arith.mulf %sub3A_785, %gather3A_840 : vector<16xf32>
    %mul3A_860 = arith.mulf %mul3A_791, %gather3A_844 : vector<16xf32>
    %add3A_861 = arith.addf %mul3A_859, %mul3A_860 : vector<16xf32>
    %mul3A_862 = arith.mulf %mul3A_797, %gather3A_848 : vector<16xf32>
    %add3A_863 = arith.addf %add3A_861, %mul3A_862 : vector<16xf32>
    %sub3A_864 = arith.subf %add3A_858, %add3A_863 : vector<16xf32>
    %add3A_865 = arith.addf %gather3A_844, %gather3A_853 : vector<16xf32>
    %mul3A_866 = arith.mulf %mul3A_803, %gather3A_840 : vector<16xf32>
    %mul3A_867 = arith.mulf %sub3A_812, %gather3A_844 : vector<16xf32>
    %add3A_868 = arith.addf %mul3A_866, %mul3A_867 : vector<16xf32>
    %mul3A_869 = arith.mulf %mul3A_818, %gather3A_848 : vector<16xf32>
    %add3A_870 = arith.addf %add3A_868, %mul3A_869 : vector<16xf32>
    %sub3A_871 = arith.subf %add3A_865, %add3A_870 : vector<16xf32>
    %add3A_872 = arith.addf %gather3A_848, %gather3A_857 : vector<16xf32>
    %mul3A_873 = arith.mulf %mul3A_824, %gather3A_840 : vector<16xf32>
    %mul3A_874 = arith.mulf %mul3A_830, %gather3A_844 : vector<16xf32>
    %add3A_875 = arith.addf %mul3A_873, %mul3A_874 : vector<16xf32>
    %mul3A_876 = arith.mulf %sub3A_839, %gather3A_848 : vector<16xf32>
    %add3A_877 = arith.addf %add3A_875, %mul3A_876 : vector<16xf32>
    %sub3A_878 = arith.subf %add3A_872, %add3A_877 : vector<16xf32>
    %mul3A_879 = arith.constant 16 : i32
    %mul3A_880 = vector.broadcast %mul3A_879 : i32 to vector<16xi32>
    %mul3A_881 = arith.muli %add3A_701, %mul3A_880 : vector<16xi32>
    %add3A_882 = arith.constant 0 : i32
    %add3A_883 = vector.broadcast %add3A_882 : i32 to vector<16xi32>
    %add3A_884 = arith.addi %mul3A_881, %add3A_883 : vector<16xi32>
    tpu.vector_store_idx %arg17[%add3A_884], %sub3A_785 : memref<1280xf32, #tpu.memory_space<vmem>>[vector<16xi32>], vector<16xf32>,
    %add3A_885 = arith.constant 1 : i32
    %add3A_886 = vector.broadcast %add3A_885 : i32 to vector<16xi32>
    %add3A_887 = arith.addi %mul3A_881, %add3A_886 : vector<16xi32>
    tpu.vector_store_idx %arg17[%add3A_887], %mul3A_791 : memref<1280xf32, #tpu.memory_space<vmem>>[vector<16xi32>], vector<16xf32>,
    %add3A_888 = arith.constant 2 : i32
    %add3A_889 = vector.broadcast %add3A_888 : i32 to vector<16xi32>
    %add3A_890 = arith.addi %mul3A_881, %add3A_889 : vector<16xi32>
    tpu.vector_store_idx %arg17[%add3A_890], %mul3A_797 : memref<1280xf32, #tpu.memory_space<vmem>>[vector<16xi32>], vector<16xf32>,
    %add3A_891 = arith.constant 3 : i32
    %add3A_892 = vector.broadcast %add3A_891 : i32 to vector<16xi32>
    %add3A_893 = arith.addi %mul3A_881, %add3A_892 : vector<16xi32>
    tpu.vector_store_idx %arg17[%add3A_893], %mul3A_803 : memref<1280xf32, #tpu.memory_space<vmem>>[vector<16xi32>], vector<16xf32>,
    %add3A_894 = arith.constant 4 : i32
    %add3A_895 = vector.broadcast %add3A_894 : i32 to vector<16xi32>
    %add3A_896 = arith.addi %mul3A_881, %add3A_895 : vector<16xi32>
    tpu.vector_store_idx %arg17[%add3A_896], %sub3A_812 : memref<1280xf32, #tpu.memory_space<vmem>>[vector<16xi32>], vector<16xf32>,
    %add3A_897 = arith.constant 5 : i32
    %add3A_898 = vector.broadcast %add3A_897 : i32 to vector<16xi32>
    %add3A_899 = arith.addi %mul3A_881, %add3A_898 : vector<16xi32>
    tpu.vector_store_idx %arg17[%add3A_899], %mul3A_818 : memref<1280xf32, #tpu.memory_space<vmem>>[vector<16xi32>], vector<16xf32>,
    %add3A_900 = arith.constant 6 : i32
    %add3A_901 = vector.broadcast %add3A_900 : i32 to vector<16xi32>
    %add3A_902 = arith.addi %mul3A_881, %add3A_901 : vector<16xi32>
    tpu.vector_store_idx %arg17[%add3A_902], %mul3A_824 : memref<1280xf32, #tpu.memory_space<vmem>>[vector<16xi32>], vector<16xf32>,
    %add3A_903 = arith.constant 7 : i32
    %add3A_904 = vector.broadcast %add3A_903 : i32 to vector<16xi32>
    %add3A_905 = arith.addi %mul3A_881, %add3A_904 : vector<16xi32>
    tpu.vector_store_idx %arg17[%add3A_905], %mul3A_830 : memref<1280xf32, #tpu.memory_space<vmem>>[vector<16xi32>], vector<16xf32>,
    %add3A_906 = arith.constant 8 : i32
    %add3A_907 = vector.broadcast %add3A_906 : i32 to vector<16xi32>
    %add3A_908 = arith.addi %mul3A_881, %add3A_907 : vector<16xi32>
    tpu.vector_store_idx %arg17[%add3A_908], %sub3A_839 : memref<1280xf32, #tpu.memory_space<vmem>>[vector<16xi32>], vector<16xf32>,
    %add3A_909 = arith.constant 9 : i32
    %add3A_910 = vector.broadcast %add3A_909 : i32 to vector<16xi32>
    %add3A_911 = arith.addi %mul3A_881, %add3A_910 : vector<16xi32>
    tpu.vector_store_idx %arg17[%add3A_911], %sub3A_864 : memref<1280xf32, #tpu.memory_space<vmem>>[vector<16xi32>], vector<16xf32>,
    %add3A_912 = arith.constant 10 : i32
    %add3A_913 = vector.broadcast %add3A_912 : i32 to vector<16xi32>
    %add3A_914 = arith.addi %mul3A_881, %add3A_913 : vector<16xi32>
    tpu.vector_store_idx %arg17[%add3A_914], %sub3A_871 : memref<1280xf32, #tpu.memory_space<vmem>>[vector<16xi32>], vector<16xf32>,
    %add3A_915 = arith.constant 11 : i32
    %add3A_916 = vector.broadcast %add3A_915 : i32 to vector<16xi32>
    %add3A_917 = arith.addi %mul3A_881, %add3A_916 : vector<16xi32>
    tpu.vector_store_idx %arg17[%add3A_917], %sub3A_878 : memref<1280xf32, #tpu.memory_space<vmem>>[vector<16xi32>], vector<16xf32>,
    %add3A_918 = arith.constant 12 : i32
    %add3A_919 = vector.broadcast %add3A_918 : i32 to vector<16xi32>
    %add3A_920 = arith.addi %mul3A_881, %add3A_919 : vector<16xi32>
    tpu.vector_store_idx %arg17[%add3A_920], %gather3A_708 : memref<1280xf32, #tpu.memory_space<vmem>>[vector<16xi32>], vector<16xf32>,
    %add3A_921 = arith.constant 13 : i32
    %add3A_922 = vector.broadcast %add3A_921 : i32 to vector<16xi32>
    %add3A_923 = arith.addi %mul3A_881, %add3A_922 : vector<16xi32>
    tpu.vector_store_idx %arg17[%add3A_923], %gather3A_712 : memref<1280xf32, #tpu.memory_space<vmem>>[vector<16xi32>], vector<16xf32>,
    %add3A_924 = arith.constant 14 : i32
    %add3A_925 = vector.broadcast %add3A_924 : i32 to vector<16xi32>
    %add3A_926 = arith.addi %mul3A_881, %add3A_925 : vector<16xi32>
    tpu.vector_store_idx %arg17[%add3A_926], %gather3A_716 : memref<1280xf32, #tpu.memory_space<vmem>>[vector<16xi32>], vector<16xf32>,
    %add3A_927 = arith.constant 15 : i32
    %add3A_928 = vector.broadcast %add3A_927 : i32 to vector<16xi32>
    %add3A_929 = arith.addi %mul3A_881, %add3A_928 : vector<16xi32>
    tpu.vector_store_idx %arg17[%add3A_929], %gather3A_720 : memref<1280xf32, #tpu.memory_space<vmem>>[vector<16xi32>], vector<16xf32>,
    %add3A_930 = arith.constant 64 : i32
    %add3A_931 = vector.broadcast %add3A_930 : i32 to vector<16xi32>
    %add3A_932 = arith.addi %add3A_931, %iota3A : vector<16xi32>
    %mul3A_933 = arith.constant 4 : i32
    %mul3A_934 = vector.broadcast %mul3A_933 : i32 to vector<16xi32>
    %mul3A_935 = arith.muli %add3A_932, %mul3A_934 : vector<16xi32>
    %mul3A_936 = arith.constant 3 : i32
    %mul3A_937 = vector.broadcast %mul3A_936 : i32 to vector<16xi32>
    %mul3A_938 = arith.muli %add3A_932, %mul3A_937 : vector<16xi32>
    %gather3A_939 = tpu.vector_load_idx %arg18[%mul3A_935] : memref<320xf32, #tpu.memory_space<vmem>>[vector<16xi32>], vector<16xf32>,
    %add3A_940 = arith.constant 1 : i32
    %add3A_941 = vector.broadcast %add3A_940 : i32 to vector<16xi32>
    %add3A_942 = arith.addi %mul3A_935, %add3A_941 : vector<16xi32>
    %gather3A_943 = tpu.vector_load_idx %arg18[%add3A_942] : memref<320xf32, #tpu.memory_space<vmem>>[vector<16xi32>], vector<16xf32>,
    %add3A_944 = arith.constant 2 : i32
    %add3A_945 = vector.broadcast %add3A_944 : i32 to vector<16xi32>
    %add3A_946 = arith.addi %mul3A_935, %add3A_945 : vector<16xi32>
    %gather3A_947 = tpu.vector_load_idx %arg18[%add3A_946] : memref<320xf32, #tpu.memory_space<vmem>>[vector<16xi32>], vector<16xf32>,
    %add3A_948 = arith.constant 3 : i32
    %add3A_949 = vector.broadcast %add3A_948 : i32 to vector<16xi32>
    %add3A_950 = arith.addi %mul3A_935, %add3A_949 : vector<16xi32>
    %gather3A_951 = tpu.vector_load_idx %arg18[%add3A_950] : memref<320xf32, #tpu.memory_space<vmem>>[vector<16xi32>], vector<16xf32>,
    %mul3A_952 = arith.mulf %gather3A_939, %gather3A_939 : vector<16xf32>
    %mul3A_953 = arith.mulf %gather3A_943, %gather3A_943 : vector<16xf32>
    %add3A_954 = arith.addf %mul3A_952, %mul3A_953 : vector<16xf32>
    %mul3A_955 = arith.mulf %gather3A_947, %gather3A_947 : vector<16xf32>
    %add3A_956 = arith.addf %add3A_954, %mul3A_955 : vector<16xf32>
    %mul3A_957 = arith.mulf %gather3A_951, %gather3A_951 : vector<16xf32>
    %add3A_958 = arith.addf %add3A_956, %mul3A_957 : vector<16xf32>
    %max3A_959 = arith.constant 1.000000e-30 : f32
    %max3A_960 = vector.broadcast %max3A_959 : f32 to vector<16xf32>
    %max3A_961 = arith.maximumf %add3A_958, %max3A_960 : vector<16xf32>
    %bitcast3A_962 = vector.bitcast %max3A_961 : vector<16xf32> to vector<16xi32>
    %shift_right_arithmetic3A_963 = arith.constant 1 : i32
    %shift_right_arithmetic3A_964 = vector.broadcast %shift_right_arithmetic3A_963 : i32 to vector<16xi32>
    %shift_right_arithmetic3A_965 = arith.shrsi %bitcast3A_962, %shift_right_arithmetic3A_964 : vector<16xi32>
    %sub3A_966 = arith.constant 1597463007 : i32
    %sub3A_967 = vector.broadcast %sub3A_966 : i32 to vector<16xi32>
    %sub3A_968 = arith.subi %sub3A_967, %shift_right_arithmetic3A_965 : vector<16xi32>
    %bitcast3A_969 = vector.bitcast %sub3A_968 : vector<16xi32> to vector<16xf32>
    %mul3A_970 = arith.constant 5.000000e-01 : f32
    %mul3A_971 = vector.broadcast %mul3A_970 : f32 to vector<16xf32>
    %mul3A_972 = arith.mulf %mul3A_971, %max3A_961 : vector<16xf32>
    %mul3A_973 = arith.mulf %mul3A_972, %bitcast3A_969 : vector<16xf32>
    %mul3A_974 = arith.mulf %mul3A_973, %bitcast3A_969 : vector<16xf32>
    %sub3A_975 = arith.constant 1.500000e+00 : f32
    %sub3A_976 = vector.broadcast %sub3A_975 : f32 to vector<16xf32>
    %sub3A_977 = arith.subf %sub3A_976, %mul3A_974 : vector<16xf32>
    %mul3A_978 = arith.mulf %bitcast3A_969, %sub3A_977 : vector<16xf32>
    %mul3A_979 = arith.constant 5.000000e-01 : f32
    %mul3A_980 = vector.broadcast %mul3A_979 : f32 to vector<16xf32>
    %mul3A_981 = arith.mulf %mul3A_980, %max3A_961 : vector<16xf32>
    %mul3A_982 = arith.mulf %mul3A_981, %mul3A_978 : vector<16xf32>
    %mul3A_983 = arith.mulf %mul3A_982, %mul3A_978 : vector<16xf32>
    %sub3A_984 = arith.constant 1.500000e+00 : f32
    %sub3A_985 = vector.broadcast %sub3A_984 : f32 to vector<16xf32>
    %sub3A_986 = arith.subf %sub3A_985, %mul3A_983 : vector<16xf32>
    %mul3A_987 = arith.mulf %mul3A_978, %sub3A_986 : vector<16xf32>
    %mul3A_988 = arith.constant 5.000000e-01 : f32
    %mul3A_989 = vector.broadcast %mul3A_988 : f32 to vector<16xf32>
    %mul3A_990 = arith.mulf %mul3A_989, %max3A_961 : vector<16xf32>
    %mul3A_991 = arith.mulf %mul3A_990, %mul3A_987 : vector<16xf32>
    %mul3A_992 = arith.mulf %mul3A_991, %mul3A_987 : vector<16xf32>
    %sub3A_993 = arith.constant 1.500000e+00 : f32
    %sub3A_994 = vector.broadcast %sub3A_993 : f32 to vector<16xf32>
    %sub3A_995 = arith.subf %sub3A_994, %mul3A_992 : vector<16xf32>
    %mul3A_996 = arith.mulf %mul3A_987, %sub3A_995 : vector<16xf32>
    %mul3A_997 = arith.mulf %add3A_958, %mul3A_996 : vector<16xf32>
    %add3A_998 = arith.constant 9.99999993E-9 : f32
    %add3A_999 = vector.broadcast %add3A_998 : f32 to vector<16xf32>
    %add3A_1000 = arith.addf %mul3A_997, %add3A_999 : vector<16xf32>
    %div3A_1001 = arith.constant 1.000000e+00 : f32
    %div3A_1002 = vector.broadcast %div3A_1001 : f32 to vector<16xf32>
    %div3A_1003 = arith.divf %div3A_1002, %add3A_1000 : vector<16xf32>
    %mul3A_1004 = arith.mulf %gather3A_939, %div3A_1003 : vector<16xf32>
    %mul3A_1005 = arith.mulf %gather3A_943, %div3A_1003 : vector<16xf32>
    %mul3A_1006 = arith.mulf %gather3A_947, %div3A_1003 : vector<16xf32>
    %mul3A_1007 = arith.mulf %gather3A_951, %div3A_1003 : vector<16xf32>
    %mul3A_1008 = arith.mulf %mul3A_1006, %mul3A_1006 : vector<16xf32>
    %mul3A_1009 = arith.mulf %mul3A_1007, %mul3A_1007 : vector<16xf32>
    %add3A_1010 = arith.addf %mul3A_1008, %mul3A_1009 : vector<16xf32>
    %mul3A_1011 = arith.constant 2.000000e+00 : f32
    %mul3A_1012 = vector.broadcast %mul3A_1011 : f32 to vector<16xf32>
    %mul3A_1013 = arith.mulf %mul3A_1012, %add3A_1010 : vector<16xf32>
    %sub3A_1014 = arith.constant 1.000000e+00 : f32
    %sub3A_1015 = vector.broadcast %sub3A_1014 : f32 to vector<16xf32>
    %sub3A_1016 = arith.subf %sub3A_1015, %mul3A_1013 : vector<16xf32>
    %mul3A_1017 = arith.mulf %mul3A_1005, %mul3A_1006 : vector<16xf32>
    %mul3A_1018 = arith.mulf %mul3A_1004, %mul3A_1007 : vector<16xf32>
    %sub3A_1019 = arith.subf %mul3A_1017, %mul3A_1018 : vector<16xf32>
    %mul3A_1020 = arith.constant 2.000000e+00 : f32
    %mul3A_1021 = vector.broadcast %mul3A_1020 : f32 to vector<16xf32>
    %mul3A_1022 = arith.mulf %mul3A_1021, %sub3A_1019 : vector<16xf32>
    %mul3A_1023 = arith.mulf %mul3A_1005, %mul3A_1007 : vector<16xf32>
    %mul3A_1024 = arith.mulf %mul3A_1004, %mul3A_1006 : vector<16xf32>
    %add3A_1025 = arith.addf %mul3A_1023, %mul3A_1024 : vector<16xf32>
    %mul3A_1026 = arith.constant 2.000000e+00 : f32
    %mul3A_1027 = vector.broadcast %mul3A_1026 : f32 to vector<16xf32>
    %mul3A_1028 = arith.mulf %mul3A_1027, %add3A_1025 : vector<16xf32>
    %mul3A_1029 = arith.mulf %mul3A_1005, %mul3A_1006 : vector<16xf32>
    %mul3A_1030 = arith.mulf %mul3A_1004, %mul3A_1007 : vector<16xf32>
    %add3A_1031 = arith.addf %mul3A_1029, %mul3A_1030 : vector<16xf32>
    %mul3A_1032 = arith.constant 2.000000e+00 : f32
    %mul3A_1033 = vector.broadcast %mul3A_1032 : f32 to vector<16xf32>
    %mul3A_1034 = arith.mulf %mul3A_1033, %add3A_1031 : vector<16xf32>
    %mul3A_1035 = arith.mulf %mul3A_1005, %mul3A_1005 : vector<16xf32>
    %mul3A_1036 = arith.mulf %mul3A_1007, %mul3A_1007 : vector<16xf32>
    %add3A_1037 = arith.addf %mul3A_1035, %mul3A_1036 : vector<16xf32>
    %mul3A_1038 = arith.constant 2.000000e+00 : f32
    %mul3A_1039 = vector.broadcast %mul3A_1038 : f32 to vector<16xf32>
    %mul3A_1040 = arith.mulf %mul3A_1039, %add3A_1037 : vector<16xf32>
    %sub3A_1041 = arith.constant 1.000000e+00 : f32
    %sub3A_1042 = vector.broadcast %sub3A_1041 : f32 to vector<16xf32>
    %sub3A_1043 = arith.subf %sub3A_1042, %mul3A_1040 : vector<16xf32>
    %mul3A_1044 = arith.mulf %mul3A_1006, %mul3A_1007 : vector<16xf32>
    %mul3A_1045 = arith.mulf %mul3A_1004, %mul3A_1005 : vector<16xf32>
    %sub3A_1046 = arith.subf %mul3A_1044, %mul3A_1045 : vector<16xf32>
    %mul3A_1047 = arith.constant 2.000000e+00 : f32
    %mul3A_1048 = vector.broadcast %mul3A_1047 : f32 to vector<16xf32>
    %mul3A_1049 = arith.mulf %mul3A_1048, %sub3A_1046 : vector<16xf32>
    %mul3A_1050 = arith.mulf %mul3A_1005, %mul3A_1007 : vector<16xf32>
    %mul3A_1051 = arith.mulf %mul3A_1004, %mul3A_1006 : vector<16xf32>
    %sub3A_1052 = arith.subf %mul3A_1050, %mul3A_1051 : vector<16xf32>
    %mul3A_1053 = arith.constant 2.000000e+00 : f32
    %mul3A_1054 = vector.broadcast %mul3A_1053 : f32 to vector<16xf32>
    %mul3A_1055 = arith.mulf %mul3A_1054, %sub3A_1052 : vector<16xf32>
    %mul3A_1056 = arith.mulf %mul3A_1006, %mul3A_1007 : vector<16xf32>
    %mul3A_1057 = arith.mulf %mul3A_1004, %mul3A_1005 : vector<16xf32>
    %add3A_1058 = arith.addf %mul3A_1056, %mul3A_1057 : vector<16xf32>
    %mul3A_1059 = arith.constant 2.000000e+00 : f32
    %mul3A_1060 = vector.broadcast %mul3A_1059 : f32 to vector<16xf32>
    %mul3A_1061 = arith.mulf %mul3A_1060, %add3A_1058 : vector<16xf32>
    %mul3A_1062 = arith.mulf %mul3A_1005, %mul3A_1005 : vector<16xf32>
    %mul3A_1063 = arith.mulf %mul3A_1006, %mul3A_1006 : vector<16xf32>
    %add3A_1064 = arith.addf %mul3A_1062, %mul3A_1063 : vector<16xf32>
    %mul3A_1065 = arith.constant 2.000000e+00 : f32
    %mul3A_1066 = vector.broadcast %mul3A_1065 : f32 to vector<16xf32>
    %mul3A_1067 = arith.mulf %mul3A_1066, %add3A_1064 : vector<16xf32>
    %sub3A_1068 = arith.constant 1.000000e+00 : f32
    %sub3A_1069 = vector.broadcast %sub3A_1068 : f32 to vector<16xf32>
    %sub3A_1070 = arith.subf %sub3A_1069, %mul3A_1067 : vector<16xf32>
    %gather3A_1071 = tpu.vector_load_idx %arg19[%mul3A_938] : memref<240xf32, #tpu.memory_space<vmem>>[vector<16xi32>], vector<16xf32>,
    %add3A_1072 = arith.constant 1 : i32
    %add3A_1073 = vector.broadcast %add3A_1072 : i32 to vector<16xi32>
    %add3A_1074 = arith.addi %mul3A_938, %add3A_1073 : vector<16xi32>
    %gather3A_1075 = tpu.vector_load_idx %arg19[%add3A_1074] : memref<240xf32, #tpu.memory_space<vmem>>[vector<16xi32>], vector<16xf32>,
    %add3A_1076 = arith.constant 2 : i32
    %add3A_1077 = vector.broadcast %add3A_1076 : i32 to vector<16xi32>
    %add3A_1078 = arith.addi %mul3A_938, %add3A_1077 : vector<16xi32>
    %gather3A_1079 = tpu.vector_load_idx %arg19[%add3A_1078] : memref<240xf32, #tpu.memory_space<vmem>>[vector<16xi32>], vector<16xf32>,
    %gather3A_1080 = tpu.vector_load_idx %arg20[%mul3A_938] : memref<240xf32, #tpu.memory_space<vmem>>[vector<16xi32>], vector<16xf32>,
    %add3A_1081 = arith.constant 1 : i32
    %add3A_1082 = vector.broadcast %add3A_1081 : i32 to vector<16xi32>
    %add3A_1083 = arith.addi %mul3A_938, %add3A_1082 : vector<16xi32>
    %gather3A_1084 = tpu.vector_load_idx %arg20[%add3A_1083] : memref<240xf32, #tpu.memory_space<vmem>>[vector<16xi32>], vector<16xf32>,
    %add3A_1085 = arith.constant 2 : i32
    %add3A_1086 = vector.broadcast %add3A_1085 : i32 to vector<16xi32>
    %add3A_1087 = arith.addi %mul3A_938, %add3A_1086 : vector<16xi32>
    %gather3A_1088 = tpu.vector_load_idx %arg20[%add3A_1087] : memref<240xf32, #tpu.memory_space<vmem>>[vector<16xi32>], vector<16xf32>,
    %add3A_1089 = arith.addf %gather3A_1071, %gather3A_1080 : vector<16xf32>
    %mul3A_1090 = arith.mulf %sub3A_1016, %gather3A_1071 : vector<16xf32>
    %mul3A_1091 = arith.mulf %mul3A_1022, %gather3A_1075 : vector<16xf32>
    %add3A_1092 = arith.addf %mul3A_1090, %mul3A_1091 : vector<16xf32>
    %mul3A_1093 = arith.mulf %mul3A_1028, %gather3A_1079 : vector<16xf32>
    %add3A_1094 = arith.addf %add3A_1092, %mul3A_1093 : vector<16xf32>
    %sub3A_1095 = arith.subf %add3A_1089, %add3A_1094 : vector<16xf32>
    %add3A_1096 = arith.addf %gather3A_1075, %gather3A_1084 : vector<16xf32>
    %mul3A_1097 = arith.mulf %mul3A_1034, %gather3A_1071 : vector<16xf32>
    %mul3A_1098 = arith.mulf %sub3A_1043, %gather3A_1075 : vector<16xf32>
    %add3A_1099 = arith.addf %mul3A_1097, %mul3A_1098 : vector<16xf32>
    %mul3A_1100 = arith.mulf %mul3A_1049, %gather3A_1079 : vector<16xf32>
    %add3A_1101 = arith.addf %add3A_1099, %mul3A_1100 : vector<16xf32>
    %sub3A_1102 = arith.subf %add3A_1096, %add3A_1101 : vector<16xf32>
    %add3A_1103 = arith.addf %gather3A_1079, %gather3A_1088 : vector<16xf32>
    %mul3A_1104 = arith.mulf %mul3A_1055, %gather3A_1071 : vector<16xf32>
    %mul3A_1105 = arith.mulf %mul3A_1061, %gather3A_1075 : vector<16xf32>
    %add3A_1106 = arith.addf %mul3A_1104, %mul3A_1105 : vector<16xf32>
    %mul3A_1107 = arith.mulf %sub3A_1070, %gather3A_1079 : vector<16xf32>
    %add3A_1108 = arith.addf %add3A_1106, %mul3A_1107 : vector<16xf32>
    %sub3A_1109 = arith.subf %add3A_1103, %add3A_1108 : vector<16xf32>
    %mul3A_1110 = arith.constant 16 : i32
    %mul3A_1111 = vector.broadcast %mul3A_1110 : i32 to vector<16xi32>
    %mul3A_1112 = arith.muli %add3A_932, %mul3A_1111 : vector<16xi32>
    %add3A_1113 = arith.constant 0 : i32
    %add3A_1114 = vector.broadcast %add3A_1113 : i32 to vector<16xi32>
    %add3A_1115 = arith.addi %mul3A_1112, %add3A_1114 : vector<16xi32>
    tpu.vector_store_idx %arg17[%add3A_1115], %sub3A_1016 : memref<1280xf32, #tpu.memory_space<vmem>>[vector<16xi32>], vector<16xf32>,
    %add3A_1116 = arith.constant 1 : i32
    %add3A_1117 = vector.broadcast %add3A_1116 : i32 to vector<16xi32>
    %add3A_1118 = arith.addi %mul3A_1112, %add3A_1117 : vector<16xi32>
    tpu.vector_store_idx %arg17[%add3A_1118], %mul3A_1022 : memref<1280xf32, #tpu.memory_space<vmem>>[vector<16xi32>], vector<16xf32>,
    %add3A_1119 = arith.constant 2 : i32
    %add3A_1120 = vector.broadcast %add3A_1119 : i32 to vector<16xi32>
    %add3A_1121 = arith.addi %mul3A_1112, %add3A_1120 : vector<16xi32>
    tpu.vector_store_idx %arg17[%add3A_1121], %mul3A_1028 : memref<1280xf32, #tpu.memory_space<vmem>>[vector<16xi32>], vector<16xf32>,
    %add3A_1122 = arith.constant 3 : i32
    %add3A_1123 = vector.broadcast %add3A_1122 : i32 to vector<16xi32>
    %add3A_1124 = arith.addi %mul3A_1112, %add3A_1123 : vector<16xi32>
    tpu.vector_store_idx %arg17[%add3A_1124], %mul3A_1034 : memref<1280xf32, #tpu.memory_space<vmem>>[vector<16xi32>], vector<16xf32>,
    %add3A_1125 = arith.constant 4 : i32
    %add3A_1126 = vector.broadcast %add3A_1125 : i32 to vector<16xi32>
    %add3A_1127 = arith.addi %mul3A_1112, %add3A_1126 : vector<16xi32>
    tpu.vector_store_idx %arg17[%add3A_1127], %sub3A_1043 : memref<1280xf32, #tpu.memory_space<vmem>>[vector<16xi32>], vector<16xf32>,
    %add3A_1128 = arith.constant 5 : i32
    %add3A_1129 = vector.broadcast %add3A_1128 : i32 to vector<16xi32>
    %add3A_1130 = arith.addi %mul3A_1112, %add3A_1129 : vector<16xi32>
    tpu.vector_store_idx %arg17[%add3A_1130], %mul3A_1049 : memref<1280xf32, #tpu.memory_space<vmem>>[vector<16xi32>], vector<16xf32>,
    %add3A_1131 = arith.constant 6 : i32
    %add3A_1132 = vector.broadcast %add3A_1131 : i32 to vector<16xi32>
    %add3A_1133 = arith.addi %mul3A_1112, %add3A_1132 : vector<16xi32>
    tpu.vector_store_idx %arg17[%add3A_1133], %mul3A_1055 : memref<1280xf32, #tpu.memory_space<vmem>>[vector<16xi32>], vector<16xf32>,
    %add3A_1134 = arith.constant 7 : i32
    %add3A_1135 = vector.broadcast %add3A_1134 : i32 to vector<16xi32>
    %add3A_1136 = arith.addi %mul3A_1112, %add3A_1135 : vector<16xi32>
    tpu.vector_store_idx %arg17[%add3A_1136], %mul3A_1061 : memref<1280xf32, #tpu.memory_space<vmem>>[vector<16xi32>], vector<16xf32>,
    %add3A_1137 = arith.constant 8 : i32
    %add3A_1138 = vector.broadcast %add3A_1137 : i32 to vector<16xi32>
    %add3A_1139 = arith.addi %mul3A_1112, %add3A_1138 : vector<16xi32>
    tpu.vector_store_idx %arg17[%add3A_1139], %sub3A_1070 : memref<1280xf32, #tpu.memory_space<vmem>>[vector<16xi32>], vector<16xf32>,
    %add3A_1140 = arith.constant 9 : i32
    %add3A_1141 = vector.broadcast %add3A_1140 : i32 to vector<16xi32>
    %add3A_1142 = arith.addi %mul3A_1112, %add3A_1141 : vector<16xi32>
    tpu.vector_store_idx %arg17[%add3A_1142], %sub3A_1095 : memref<1280xf32, #tpu.memory_space<vmem>>[vector<16xi32>], vector<16xf32>,
    %add3A_1143 = arith.constant 10 : i32
    %add3A_1144 = vector.broadcast %add3A_1143 : i32 to vector<16xi32>
    %add3A_1145 = arith.addi %mul3A_1112, %add3A_1144 : vector<16xi32>
    tpu.vector_store_idx %arg17[%add3A_1145], %sub3A_1102 : memref<1280xf32, #tpu.memory_space<vmem>>[vector<16xi32>], vector<16xf32>,
    %add3A_1146 = arith.constant 11 : i32
    %add3A_1147 = vector.broadcast %add3A_1146 : i32 to vector<16xi32>
    %add3A_1148 = arith.addi %mul3A_1112, %add3A_1147 : vector<16xi32>
    tpu.vector_store_idx %arg17[%add3A_1148], %sub3A_1109 : memref<1280xf32, #tpu.memory_space<vmem>>[vector<16xi32>], vector<16xf32>,
    %add3A_1149 = arith.constant 12 : i32
    %add3A_1150 = vector.broadcast %add3A_1149 : i32 to vector<16xi32>
    %add3A_1151 = arith.addi %mul3A_1112, %add3A_1150 : vector<16xi32>
    tpu.vector_store_idx %arg17[%add3A_1151], %gather3A_939 : memref<1280xf32, #tpu.memory_space<vmem>>[vector<16xi32>], vector<16xf32>,
    %add3A_1152 = arith.constant 13 : i32
    %add3A_1153 = vector.broadcast %add3A_1152 : i32 to vector<16xi32>
    %add3A_1154 = arith.addi %mul3A_1112, %add3A_1153 : vector<16xi32>
    tpu.vector_store_idx %arg17[%add3A_1154], %gather3A_943 : memref<1280xf32, #tpu.memory_space<vmem>>[vector<16xi32>], vector<16xf32>,
    %add3A_1155 = arith.constant 14 : i32
    %add3A_1156 = vector.broadcast %add3A_1155 : i32 to vector<16xi32>
    %add3A_1157 = arith.addi %mul3A_1112, %add3A_1156 : vector<16xi32>
    tpu.vector_store_idx %arg17[%add3A_1157], %gather3A_947 : memref<1280xf32, #tpu.memory_space<vmem>>[vector<16xi32>], vector<16xf32>,
    %add3A_1158 = arith.constant 15 : i32
    %add3A_1159 = vector.broadcast %add3A_1158 : i32 to vector<16xi32>
    %add3A_1160 = arith.addi %mul3A_1112, %add3A_1159 : vector<16xi32>
    tpu.vector_store_idx %arg17[%add3A_1160], %gather3A_951 : memref<1280xf32, #tpu.memory_space<vmem>>[vector<16xi32>], vector<16xf32>,
    %scan3A = arith.constant 0 : i32
    %scan3A_1161 = arith.constant 0 : i32
    %scan3A_1162 = arith.constant 196 : i32
    %scan3A_1163 = arith.addi %scan3A_1161, %scan3A_1162 : i32
    %scan3A_1164 = arith.constant 1 : i32
    scf.for %scan3A_1170 = %scan3A_1161 to %scan3A_1163 step %scan3A_1164  : i32 {
      %mul3A_1171 = arith.constant 16 : i32
      %mul3A_1172 = arith.muli %scan3A_1170, %mul3A_1171 : i32
      %add3A_1173 = vector.broadcast %mul3A_1172 : i32 to vector<16xi32>
      %add3A_1174 = arith.addi %add3A_1173, %iota3A : vector<16xi32>
      %mul3A_1175 = arith.constant 10 : i32
      %mul3A_1176 = vector.broadcast %mul3A_1175 : i32 to vector<16xi32>
      %mul3A_1177 = arith.muli %add3A_1174, %mul3A_1176 : vector<16xi32>
      %add3A_1178 = arith.constant 0 : i32
      %add3A_1179 = vector.broadcast %add3A_1178 : i32 to vector<16xi32>
      %add3A_1180 = arith.addi %mul3A_1177, %add3A_1179 : vector<16xi32>
      %gather3A_1181 = tpu.vector_load_idx %arg11[%add3A_1180] : memref<31360xi32, #tpu.memory_space<vmem>>[vector<16xi32>], vector<16xi32>,
      %add3A_1182 = arith.constant 0 : i32
      %add3A_1183 = vector.broadcast %add3A_1182 : i32 to vector<16xi32>
      %add3A_1184 = arith.addi %mul3A_1177, %add3A_1183 : vector<16xi32>
      %gather3A_1185 = tpu.vector_load_idx %arg12[%add3A_1184] : memref<31360xf32, #tpu.memory_space<vmem>>[vector<16xi32>], vector<16xf32>,
      %mul3A_1186 = arith.constant 16 : i32
      %mul3A_1187 = vector.broadcast %mul3A_1186 : i32 to vector<16xi32>
      %mul3A_1188 = arith.muli %gather3A_1181, %mul3A_1187 : vector<16xi32>
      %add3A_1189 = arith.constant 0 : i32
      %add3A_1190 = vector.broadcast %add3A_1189 : i32 to vector<16xi32>
      %add3A_1191 = arith.addi %mul3A_1188, %add3A_1190 : vector<16xi32>
      %gather3A_1192 = tpu.vector_load_idx %arg17[%add3A_1191] : memref<1280xf32, #tpu.memory_space<vmem>>[vector<16xi32>], vector<16xf32>,
      %mul3A_1193 = arith.mulf %gather3A_1185, %gather3A_1192 : vector<16xf32>
      %add3A_1194 = arith.constant 1 : i32
      %add3A_1195 = vector.broadcast %add3A_1194 : i32 to vector<16xi32>
      %add3A_1196 = arith.addi %mul3A_1188, %add3A_1195 : vector<16xi32>
      %gather3A_1197 = tpu.vector_load_idx %arg17[%add3A_1196] : memref<1280xf32, #tpu.memory_space<vmem>>[vector<16xi32>], vector<16xf32>,
      %mul3A_1198 = arith.mulf %gather3A_1185, %gather3A_1197 : vector<16xf32>
      %add3A_1199 = arith.constant 2 : i32
      %add3A_1200 = vector.broadcast %add3A_1199 : i32 to vector<16xi32>
      %add3A_1201 = arith.addi %mul3A_1188, %add3A_1200 : vector<16xi32>
      %gather3A_1202 = tpu.vector_load_idx %arg17[%add3A_1201] : memref<1280xf32, #tpu.memory_space<vmem>>[vector<16xi32>], vector<16xf32>,
      %mul3A_1203 = arith.mulf %gather3A_1185, %gather3A_1202 : vector<16xf32>
      %add3A_1204 = arith.constant 3 : i32
      %add3A_1205 = vector.broadcast %add3A_1204 : i32 to vector<16xi32>
      %add3A_1206 = arith.addi %mul3A_1188, %add3A_1205 : vector<16xi32>
      %gather3A_1207 = tpu.vector_load_idx %arg17[%add3A_1206] : memref<1280xf32, #tpu.memory_space<vmem>>[vector<16xi32>], vector<16xf32>,
      %mul3A_1208 = arith.mulf %gather3A_1185, %gather3A_1207 : vector<16xf32>
      %add3A_1209 = arith.constant 4 : i32
      %add3A_1210 = vector.broadcast %add3A_1209 : i32 to vector<16xi32>
      %add3A_1211 = arith.addi %mul3A_1188, %add3A_1210 : vector<16xi32>
      %gather3A_1212 = tpu.vector_load_idx %arg17[%add3A_1211] : memref<1280xf32, #tpu.memory_space<vmem>>[vector<16xi32>], vector<16xf32>,
      %mul3A_1213 = arith.mulf %gather3A_1185, %gather3A_1212 : vector<16xf32>
      %add3A_1214 = arith.constant 5 : i32
      %add3A_1215 = vector.broadcast %add3A_1214 : i32 to vector<16xi32>
      %add3A_1216 = arith.addi %mul3A_1188, %add3A_1215 : vector<16xi32>
      %gather3A_1217 = tpu.vector_load_idx %arg17[%add3A_1216] : memref<1280xf32, #tpu.memory_space<vmem>>[vector<16xi32>], vector<16xf32>,
      %mul3A_1218 = arith.mulf %gather3A_1185, %gather3A_1217 : vector<16xf32>
      %add3A_1219 = arith.constant 6 : i32
      %add3A_1220 = vector.broadcast %add3A_1219 : i32 to vector<16xi32>
      %add3A_1221 = arith.addi %mul3A_1188, %add3A_1220 : vector<16xi32>
      %gather3A_1222 = tpu.vector_load_idx %arg17[%add3A_1221] : memref<1280xf32, #tpu.memory_space<vmem>>[vector<16xi32>], vector<16xf32>,
      %mul3A_1223 = arith.mulf %gather3A_1185, %gather3A_1222 : vector<16xf32>
      %add3A_1224 = arith.constant 7 : i32
      %add3A_1225 = vector.broadcast %add3A_1224 : i32 to vector<16xi32>
      %add3A_1226 = arith.addi %mul3A_1188, %add3A_1225 : vector<16xi32>
      %gather3A_1227 = tpu.vector_load_idx %arg17[%add3A_1226] : memref<1280xf32, #tpu.memory_space<vmem>>[vector<16xi32>], vector<16xf32>,
      %mul3A_1228 = arith.mulf %gather3A_1185, %gather3A_1227 : vector<16xf32>
      %add3A_1229 = arith.constant 8 : i32
      %add3A_1230 = vector.broadcast %add3A_1229 : i32 to vector<16xi32>
      %add3A_1231 = arith.addi %mul3A_1188, %add3A_1230 : vector<16xi32>
      %gather3A_1232 = tpu.vector_load_idx %arg17[%add3A_1231] : memref<1280xf32, #tpu.memory_space<vmem>>[vector<16xi32>], vector<16xf32>,
      %mul3A_1233 = arith.mulf %gather3A_1185, %gather3A_1232 : vector<16xf32>
      %add3A_1234 = arith.constant 9 : i32
      %add3A_1235 = vector.broadcast %add3A_1234 : i32 to vector<16xi32>
      %add3A_1236 = arith.addi %mul3A_1188, %add3A_1235 : vector<16xi32>
      %gather3A_1237 = tpu.vector_load_idx %arg17[%add3A_1236] : memref<1280xf32, #tpu.memory_space<vmem>>[vector<16xi32>], vector<16xf32>,
      %mul3A_1238 = arith.mulf %gather3A_1185, %gather3A_1237 : vector<16xf32>
      %add3A_1239 = arith.constant 10 : i32
      %add3A_1240 = vector.broadcast %add3A_1239 : i32 to vector<16xi32>
      %add3A_1241 = arith.addi %mul3A_1188, %add3A_1240 : vector<16xi32>
      %gather3A_1242 = tpu.vector_load_idx %arg17[%add3A_1241] : memref<1280xf32, #tpu.memory_space<vmem>>[vector<16xi32>], vector<16xf32>,
      %mul3A_1243 = arith.mulf %gather3A_1185, %gather3A_1242 : vector<16xf32>
      %add3A_1244 = arith.constant 11 : i32
      %add3A_1245 = vector.broadcast %add3A_1244 : i32 to vector<16xi32>
      %add3A_1246 = arith.addi %mul3A_1188, %add3A_1245 : vector<16xi32>
      %gather3A_1247 = tpu.vector_load_idx %arg17[%add3A_1246] : memref<1280xf32, #tpu.memory_space<vmem>>[vector<16xi32>], vector<16xf32>,
      %mul3A_1248 = arith.mulf %gather3A_1185, %gather3A_1247 : vector<16xf32>
      %add3A_1249 = arith.constant 12 : i32
      %add3A_1250 = vector.broadcast %add3A_1249 : i32 to vector<16xi32>
      %add3A_1251 = arith.addi %mul3A_1188, %add3A_1250 : vector<16xi32>
      %gather3A_1252 = tpu.vector_load_idx %arg17[%add3A_1251] : memref<1280xf32, #tpu.memory_space<vmem>>[vector<16xi32>], vector<16xf32>,
      %mul3A_1253 = arith.mulf %gather3A_1185, %gather3A_1252 : vector<16xf32>
      %add3A_1254 = arith.constant 13 : i32
      %add3A_1255 = vector.broadcast %add3A_1254 : i32 to vector<16xi32>
      %add3A_1256 = arith.addi %mul3A_1188, %add3A_1255 : vector<16xi32>
      %gather3A_1257 = tpu.vector_load_idx %arg17[%add3A_1256] : memref<1280xf32, #tpu.memory_space<vmem>>[vector<16xi32>], vector<16xf32>,
      %mul3A_1258 = arith.mulf %gather3A_1185, %gather3A_1257 : vector<16xf32>
      %add3A_1259 = arith.constant 14 : i32
      %add3A_1260 = vector.broadcast %add3A_1259 : i32 to vector<16xi32>
      %add3A_1261 = arith.addi %mul3A_1188, %add3A_1260 : vector<16xi32>
      %gather3A_1262 = tpu.vector_load_idx %arg17[%add3A_1261] : memref<1280xf32, #tpu.memory_space<vmem>>[vector<16xi32>], vector<16xf32>,
      %mul3A_1263 = arith.mulf %gather3A_1185, %gather3A_1262 : vector<16xf32>
      %add3A_1264 = arith.constant 15 : i32
      %add3A_1265 = vector.broadcast %add3A_1264 : i32 to vector<16xi32>
      %add3A_1266 = arith.addi %mul3A_1188, %add3A_1265 : vector<16xi32>
      %gather3A_1267 = tpu.vector_load_idx %arg17[%add3A_1266] : memref<1280xf32, #tpu.memory_space<vmem>>[vector<16xi32>], vector<16xf32>,
      %mul3A_1268 = arith.mulf %gather3A_1185, %gather3A_1267 : vector<16xf32>
      %add3A_1269 = arith.constant 1 : i32
      %add3A_1270 = vector.broadcast %add3A_1269 : i32 to vector<16xi32>
      %add3A_1271 = arith.addi %mul3A_1177, %add3A_1270 : vector<16xi32>
      %gather3A_1272 = tpu.vector_load_idx %arg11[%add3A_1271] : memref<31360xi32, #tpu.memory_space<vmem>>[vector<16xi32>], vector<16xi32>,
      %add3A_1273 = arith.constant 1 : i32
      %add3A_1274 = vector.broadcast %add3A_1273 : i32 to vector<16xi32>
      %add3A_1275 = arith.addi %mul3A_1177, %add3A_1274 : vector<16xi32>
      %gather3A_1276 = tpu.vector_load_idx %arg12[%add3A_1275] : memref<31360xf32, #tpu.memory_space<vmem>>[vector<16xi32>], vector<16xf32>,
      %mul3A_1277 = arith.constant 16 : i32
      %mul3A_1278 = vector.broadcast %mul3A_1277 : i32 to vector<16xi32>
      %mul3A_1279 = arith.muli %gather3A_1272, %mul3A_1278 : vector<16xi32>
      %add3A_1280 = arith.constant 0 : i32
      %add3A_1281 = vector.broadcast %add3A_1280 : i32 to vector<16xi32>
      %add3A_1282 = arith.addi %mul3A_1279, %add3A_1281 : vector<16xi32>
      %gather3A_1283 = tpu.vector_load_idx %arg17[%add3A_1282] : memref<1280xf32, #tpu.memory_space<vmem>>[vector<16xi32>], vector<16xf32>,
      %mul3A_1284 = arith.mulf %gather3A_1276, %gather3A_1283 : vector<16xf32>
      %add3A_1285 = arith.addf %mul3A_1193, %mul3A_1284 : vector<16xf32>
      %add3A_1286 = arith.constant 1 : i32
      %add3A_1287 = vector.broadcast %add3A_1286 : i32 to vector<16xi32>
      %add3A_1288 = arith.addi %mul3A_1279, %add3A_1287 : vector<16xi32>
      %gather3A_1289 = tpu.vector_load_idx %arg17[%add3A_1288] : memref<1280xf32, #tpu.memory_space<vmem>>[vector<16xi32>], vector<16xf32>,
      %mul3A_1290 = arith.mulf %gather3A_1276, %gather3A_1289 : vector<16xf32>
      %add3A_1291 = arith.addf %mul3A_1198, %mul3A_1290 : vector<16xf32>
      %add3A_1292 = arith.constant 2 : i32
      %add3A_1293 = vector.broadcast %add3A_1292 : i32 to vector<16xi32>
      %add3A_1294 = arith.addi %mul3A_1279, %add3A_1293 : vector<16xi32>
      %gather3A_1295 = tpu.vector_load_idx %arg17[%add3A_1294] : memref<1280xf32, #tpu.memory_space<vmem>>[vector<16xi32>], vector<16xf32>,
      %mul3A_1296 = arith.mulf %gather3A_1276, %gather3A_1295 : vector<16xf32>
      %add3A_1297 = arith.addf %mul3A_1203, %mul3A_1296 : vector<16xf32>
      %add3A_1298 = arith.constant 3 : i32
      %add3A_1299 = vector.broadcast %add3A_1298 : i32 to vector<16xi32>
      %add3A_1300 = arith.addi %mul3A_1279, %add3A_1299 : vector<16xi32>
      %gather3A_1301 = tpu.vector_load_idx %arg17[%add3A_1300] : memref<1280xf32, #tpu.memory_space<vmem>>[vector<16xi32>], vector<16xf32>,
      %mul3A_1302 = arith.mulf %gather3A_1276, %gather3A_1301 : vector<16xf32>
      %add3A_1303 = arith.addf %mul3A_1208, %mul3A_1302 : vector<16xf32>
      %add3A_1304 = arith.constant 4 : i32
      %add3A_1305 = vector.broadcast %add3A_1304 : i32 to vector<16xi32>
      %add3A_1306 = arith.addi %mul3A_1279, %add3A_1305 : vector<16xi32>
      %gather3A_1307 = tpu.vector_load_idx %arg17[%add3A_1306] : memref<1280xf32, #tpu.memory_space<vmem>>[vector<16xi32>], vector<16xf32>,
      %mul3A_1308 = arith.mulf %gather3A_1276, %gather3A_1307 : vector<16xf32>
      %add3A_1309 = arith.addf %mul3A_1213, %mul3A_1308 : vector<16xf32>
      %add3A_1310 = arith.constant 5 : i32
      %add3A_1311 = vector.broadcast %add3A_1310 : i32 to vector<16xi32>
      %add3A_1312 = arith.addi %mul3A_1279, %add3A_1311 : vector<16xi32>
      %gather3A_1313 = tpu.vector_load_idx %arg17[%add3A_1312] : memref<1280xf32, #tpu.memory_space<vmem>>[vector<16xi32>], vector<16xf32>,
      %mul3A_1314 = arith.mulf %gather3A_1276, %gather3A_1313 : vector<16xf32>
      %add3A_1315 = arith.addf %mul3A_1218, %mul3A_1314 : vector<16xf32>
      %add3A_1316 = arith.constant 6 : i32
      %add3A_1317 = vector.broadcast %add3A_1316 : i32 to vector<16xi32>
      %add3A_1318 = arith.addi %mul3A_1279, %add3A_1317 : vector<16xi32>
      %gather3A_1319 = tpu.vector_load_idx %arg17[%add3A_1318] : memref<1280xf32, #tpu.memory_space<vmem>>[vector<16xi32>], vector<16xf32>,
      %mul3A_1320 = arith.mulf %gather3A_1276, %gather3A_1319 : vector<16xf32>
      %add3A_1321 = arith.addf %mul3A_1223, %mul3A_1320 : vector<16xf32>
      %add3A_1322 = arith.constant 7 : i32
      %add3A_1323 = vector.broadcast %add3A_1322 : i32 to vector<16xi32>
      %add3A_1324 = arith.addi %mul3A_1279, %add3A_1323 : vector<16xi32>
      %gather3A_1325 = tpu.vector_load_idx %arg17[%add3A_1324] : memref<1280xf32, #tpu.memory_space<vmem>>[vector<16xi32>], vector<16xf32>,
      %mul3A_1326 = arith.mulf %gather3A_1276, %gather3A_1325 : vector<16xf32>
      %add3A_1327 = arith.addf %mul3A_1228, %mul3A_1326 : vector<16xf32>
      %add3A_1328 = arith.constant 8 : i32
      %add3A_1329 = vector.broadcast %add3A_1328 : i32 to vector<16xi32>
      %add3A_1330 = arith.addi %mul3A_1279, %add3A_1329 : vector<16xi32>
      %gather3A_1331 = tpu.vector_load_idx %arg17[%add3A_1330] : memref<1280xf32, #tpu.memory_space<vmem>>[vector<16xi32>], vector<16xf32>,
      %mul3A_1332 = arith.mulf %gather3A_1276, %gather3A_1331 : vector<16xf32>
      %add3A_1333 = arith.addf %mul3A_1233, %mul3A_1332 : vector<16xf32>
      %add3A_1334 = arith.constant 9 : i32
      %add3A_1335 = vector.broadcast %add3A_1334 : i32 to vector<16xi32>
      %add3A_1336 = arith.addi %mul3A_1279, %add3A_1335 : vector<16xi32>
      %gather3A_1337 = tpu.vector_load_idx %arg17[%add3A_1336] : memref<1280xf32, #tpu.memory_space<vmem>>[vector<16xi32>], vector<16xf32>,
      %mul3A_1338 = arith.mulf %gather3A_1276, %gather3A_1337 : vector<16xf32>
      %add3A_1339 = arith.addf %mul3A_1238, %mul3A_1338 : vector<16xf32>
      %add3A_1340 = arith.constant 10 : i32
      %add3A_1341 = vector.broadcast %add3A_1340 : i32 to vector<16xi32>
      %add3A_1342 = arith.addi %mul3A_1279, %add3A_1341 : vector<16xi32>
      %gather3A_1343 = tpu.vector_load_idx %arg17[%add3A_1342] : memref<1280xf32, #tpu.memory_space<vmem>>[vector<16xi32>], vector<16xf32>,
      %mul3A_1344 = arith.mulf %gather3A_1276, %gather3A_1343 : vector<16xf32>
      %add3A_1345 = arith.addf %mul3A_1243, %mul3A_1344 : vector<16xf32>
      %add3A_1346 = arith.constant 11 : i32
      %add3A_1347 = vector.broadcast %add3A_1346 : i32 to vector<16xi32>
      %add3A_1348 = arith.addi %mul3A_1279, %add3A_1347 : vector<16xi32>
      %gather3A_1349 = tpu.vector_load_idx %arg17[%add3A_1348] : memref<1280xf32, #tpu.memory_space<vmem>>[vector<16xi32>], vector<16xf32>,
      %mul3A_1350 = arith.mulf %gather3A_1276, %gather3A_1349 : vector<16xf32>
      %add3A_1351 = arith.addf %mul3A_1248, %mul3A_1350 : vector<16xf32>
      %add3A_1352 = arith.constant 12 : i32
      %add3A_1353 = vector.broadcast %add3A_1352 : i32 to vector<16xi32>
      %add3A_1354 = arith.addi %mul3A_1279, %add3A_1353 : vector<16xi32>
      %gather3A_1355 = tpu.vector_load_idx %arg17[%add3A_1354] : memref<1280xf32, #tpu.memory_space<vmem>>[vector<16xi32>], vector<16xf32>,
      %mul3A_1356 = arith.mulf %gather3A_1276, %gather3A_1355 : vector<16xf32>
      %add3A_1357 = arith.addf %mul3A_1253, %mul3A_1356 : vector<16xf32>
      %add3A_1358 = arith.constant 13 : i32
      %add3A_1359 = vector.broadcast %add3A_1358 : i32 to vector<16xi32>
      %add3A_1360 = arith.addi %mul3A_1279, %add3A_1359 : vector<16xi32>
      %gather3A_1361 = tpu.vector_load_idx %arg17[%add3A_1360] : memref<1280xf32, #tpu.memory_space<vmem>>[vector<16xi32>], vector<16xf32>,
      %mul3A_1362 = arith.mulf %gather3A_1276, %gather3A_1361 : vector<16xf32>
      %add3A_1363 = arith.addf %mul3A_1258, %mul3A_1362 : vector<16xf32>
      %add3A_1364 = arith.constant 14 : i32
      %add3A_1365 = vector.broadcast %add3A_1364 : i32 to vector<16xi32>
      %add3A_1366 = arith.addi %mul3A_1279, %add3A_1365 : vector<16xi32>
      %gather3A_1367 = tpu.vector_load_idx %arg17[%add3A_1366] : memref<1280xf32, #tpu.memory_space<vmem>>[vector<16xi32>], vector<16xf32>,
      %mul3A_1368 = arith.mulf %gather3A_1276, %gather3A_1367 : vector<16xf32>
      %add3A_1369 = arith.addf %mul3A_1263, %mul3A_1368 : vector<16xf32>
      %add3A_1370 = arith.constant 15 : i32
      %add3A_1371 = vector.broadcast %add3A_1370 : i32 to vector<16xi32>
      %add3A_1372 = arith.addi %mul3A_1279, %add3A_1371 : vector<16xi32>
      %gather3A_1373 = tpu.vector_load_idx %arg17[%add3A_1372] : memref<1280xf32, #tpu.memory_space<vmem>>[vector<16xi32>], vector<16xf32>,
      %mul3A_1374 = arith.mulf %gather3A_1276, %gather3A_1373 : vector<16xf32>
      %add3A_1375 = arith.addf %mul3A_1268, %mul3A_1374 : vector<16xf32>
      %add3A_1376 = arith.constant 2 : i32
      %add3A_1377 = vector.broadcast %add3A_1376 : i32 to vector<16xi32>
      %add3A_1378 = arith.addi %mul3A_1177, %add3A_1377 : vector<16xi32>
      %gather3A_1379 = tpu.vector_load_idx %arg11[%add3A_1378] : memref<31360xi32, #tpu.memory_space<vmem>>[vector<16xi32>], vector<16xi32>,
      %add3A_1380 = arith.constant 2 : i32
      %add3A_1381 = vector.broadcast %add3A_1380 : i32 to vector<16xi32>
      %add3A_1382 = arith.addi %mul3A_1177, %add3A_1381 : vector<16xi32>
      %gather3A_1383 = tpu.vector_load_idx %arg12[%add3A_1382] : memref<31360xf32, #tpu.memory_space<vmem>>[vector<16xi32>], vector<16xf32>,
      %mul3A_1384 = arith.constant 16 : i32
      %mul3A_1385 = vector.broadcast %mul3A_1384 : i32 to vector<16xi32>
      %mul3A_1386 = arith.muli %gather3A_1379, %mul3A_1385 : vector<16xi32>
      %add3A_1387 = arith.constant 0 : i32
      %add3A_1388 = vector.broadcast %add3A_1387 : i32 to vector<16xi32>
      %add3A_1389 = arith.addi %mul3A_1386, %add3A_1388 : vector<16xi32>
      %gather3A_1390 = tpu.vector_load_idx %arg17[%add3A_1389] : memref<1280xf32, #tpu.memory_space<vmem>>[vector<16xi32>], vector<16xf32>,
      %mul3A_1391 = arith.mulf %gather3A_1383, %gather3A_1390 : vector<16xf32>
      %add3A_1392 = arith.addf %add3A_1285, %mul3A_1391 : vector<16xf32>
      %add3A_1393 = arith.constant 1 : i32
      %add3A_1394 = vector.broadcast %add3A_1393 : i32 to vector<16xi32>
      %add3A_1395 = arith.addi %mul3A_1386, %add3A_1394 : vector<16xi32>
      %gather3A_1396 = tpu.vector_load_idx %arg17[%add3A_1395] : memref<1280xf32, #tpu.memory_space<vmem>>[vector<16xi32>], vector<16xf32>,
      %mul3A_1397 = arith.mulf %gather3A_1383, %gather3A_1396 : vector<16xf32>
      %add3A_1398 = arith.addf %add3A_1291, %mul3A_1397 : vector<16xf32>
      %add3A_1399 = arith.constant 2 : i32
      %add3A_1400 = vector.broadcast %add3A_1399 : i32 to vector<16xi32>
      %add3A_1401 = arith.addi %mul3A_1386, %add3A_1400 : vector<16xi32>
      %gather3A_1402 = tpu.vector_load_idx %arg17[%add3A_1401] : memref<1280xf32, #tpu.memory_space<vmem>>[vector<16xi32>], vector<16xf32>,
      %mul3A_1403 = arith.mulf %gather3A_1383, %gather3A_1402 : vector<16xf32>
      %add3A_1404 = arith.addf %add3A_1297, %mul3A_1403 : vector<16xf32>
      %add3A_1405 = arith.constant 3 : i32
      %add3A_1406 = vector.broadcast %add3A_1405 : i32 to vector<16xi32>
      %add3A_1407 = arith.addi %mul3A_1386, %add3A_1406 : vector<16xi32>
      %gather3A_1408 = tpu.vector_load_idx %arg17[%add3A_1407] : memref<1280xf32, #tpu.memory_space<vmem>>[vector<16xi32>], vector<16xf32>,
      %mul3A_1409 = arith.mulf %gather3A_1383, %gather3A_1408 : vector<16xf32>
      %add3A_1410 = arith.addf %add3A_1303, %mul3A_1409 : vector<16xf32>
      %add3A_1411 = arith.constant 4 : i32
      %add3A_1412 = vector.broadcast %add3A_1411 : i32 to vector<16xi32>
      %add3A_1413 = arith.addi %mul3A_1386, %add3A_1412 : vector<16xi32>
      %gather3A_1414 = tpu.vector_load_idx %arg17[%add3A_1413] : memref<1280xf32, #tpu.memory_space<vmem>>[vector<16xi32>], vector<16xf32>,
      %mul3A_1415 = arith.mulf %gather3A_1383, %gather3A_1414 : vector<16xf32>
      %add3A_1416 = arith.addf %add3A_1309, %mul3A_1415 : vector<16xf32>
      %add3A_1417 = arith.constant 5 : i32
      %add3A_1418 = vector.broadcast %add3A_1417 : i32 to vector<16xi32>
      %add3A_1419 = arith.addi %mul3A_1386, %add3A_1418 : vector<16xi32>
      %gather3A_1420 = tpu.vector_load_idx %arg17[%add3A_1419] : memref<1280xf32, #tpu.memory_space<vmem>>[vector<16xi32>], vector<16xf32>,
      %mul3A_1421 = arith.mulf %gather3A_1383, %gather3A_1420 : vector<16xf32>
      %add3A_1422 = arith.addf %add3A_1315, %mul3A_1421 : vector<16xf32>
      %add3A_1423 = arith.constant 6 : i32
      %add3A_1424 = vector.broadcast %add3A_1423 : i32 to vector<16xi32>
      %add3A_1425 = arith.addi %mul3A_1386, %add3A_1424 : vector<16xi32>
      %gather3A_1426 = tpu.vector_load_idx %arg17[%add3A_1425] : memref<1280xf32, #tpu.memory_space<vmem>>[vector<16xi32>], vector<16xf32>,
      %mul3A_1427 = arith.mulf %gather3A_1383, %gather3A_1426 : vector<16xf32>
      %add3A_1428 = arith.addf %add3A_1321, %mul3A_1427 : vector<16xf32>
      %add3A_1429 = arith.constant 7 : i32
      %add3A_1430 = vector.broadcast %add3A_1429 : i32 to vector<16xi32>
      %add3A_1431 = arith.addi %mul3A_1386, %add3A_1430 : vector<16xi32>
      %gather3A_1432 = tpu.vector_load_idx %arg17[%add3A_1431] : memref<1280xf32, #tpu.memory_space<vmem>>[vector<16xi32>], vector<16xf32>,
      %mul3A_1433 = arith.mulf %gather3A_1383, %gather3A_1432 : vector<16xf32>
      %add3A_1434 = arith.addf %add3A_1327, %mul3A_1433 : vector<16xf32>
      %add3A_1435 = arith.constant 8 : i32
      %add3A_1436 = vector.broadcast %add3A_1435 : i32 to vector<16xi32>
      %add3A_1437 = arith.addi %mul3A_1386, %add3A_1436 : vector<16xi32>
      %gather3A_1438 = tpu.vector_load_idx %arg17[%add3A_1437] : memref<1280xf32, #tpu.memory_space<vmem>>[vector<16xi32>], vector<16xf32>,
      %mul3A_1439 = arith.mulf %gather3A_1383, %gather3A_1438 : vector<16xf32>
      %add3A_1440 = arith.addf %add3A_1333, %mul3A_1439 : vector<16xf32>
      %add3A_1441 = arith.constant 9 : i32
      %add3A_1442 = vector.broadcast %add3A_1441 : i32 to vector<16xi32>
      %add3A_1443 = arith.addi %mul3A_1386, %add3A_1442 : vector<16xi32>
      %gather3A_1444 = tpu.vector_load_idx %arg17[%add3A_1443] : memref<1280xf32, #tpu.memory_space<vmem>>[vector<16xi32>], vector<16xf32>,
      %mul3A_1445 = arith.mulf %gather3A_1383, %gather3A_1444 : vector<16xf32>
      %add3A_1446 = arith.addf %add3A_1339, %mul3A_1445 : vector<16xf32>
      %add3A_1447 = arith.constant 10 : i32
      %add3A_1448 = vector.broadcast %add3A_1447 : i32 to vector<16xi32>
      %add3A_1449 = arith.addi %mul3A_1386, %add3A_1448 : vector<16xi32>
      %gather3A_1450 = tpu.vector_load_idx %arg17[%add3A_1449] : memref<1280xf32, #tpu.memory_space<vmem>>[vector<16xi32>], vector<16xf32>,
      %mul3A_1451 = arith.mulf %gather3A_1383, %gather3A_1450 : vector<16xf32>
      %add3A_1452 = arith.addf %add3A_1345, %mul3A_1451 : vector<16xf32>
      %add3A_1453 = arith.constant 11 : i32
      %add3A_1454 = vector.broadcast %add3A_1453 : i32 to vector<16xi32>
      %add3A_1455 = arith.addi %mul3A_1386, %add3A_1454 : vector<16xi32>
      %gather3A_1456 = tpu.vector_load_idx %arg17[%add3A_1455] : memref<1280xf32, #tpu.memory_space<vmem>>[vector<16xi32>], vector<16xf32>,
      %mul3A_1457 = arith.mulf %gather3A_1383, %gather3A_1456 : vector<16xf32>
      %add3A_1458 = arith.addf %add3A_1351, %mul3A_1457 : vector<16xf32>
      %add3A_1459 = arith.constant 12 : i32
      %add3A_1460 = vector.broadcast %add3A_1459 : i32 to vector<16xi32>
      %add3A_1461 = arith.addi %mul3A_1386, %add3A_1460 : vector<16xi32>
      %gather3A_1462 = tpu.vector_load_idx %arg17[%add3A_1461] : memref<1280xf32, #tpu.memory_space<vmem>>[vector<16xi32>], vector<16xf32>,
      %mul3A_1463 = arith.mulf %gather3A_1383, %gather3A_1462 : vector<16xf32>
      %add3A_1464 = arith.addf %add3A_1357, %mul3A_1463 : vector<16xf32>
      %add3A_1465 = arith.constant 13 : i32
      %add3A_1466 = vector.broadcast %add3A_1465 : i32 to vector<16xi32>
      %add3A_1467 = arith.addi %mul3A_1386, %add3A_1466 : vector<16xi32>
      %gather3A_1468 = tpu.vector_load_idx %arg17[%add3A_1467] : memref<1280xf32, #tpu.memory_space<vmem>>[vector<16xi32>], vector<16xf32>,
      %mul3A_1469 = arith.mulf %gather3A_1383, %gather3A_1468 : vector<16xf32>
      %add3A_1470 = arith.addf %add3A_1363, %mul3A_1469 : vector<16xf32>
      %add3A_1471 = arith.constant 14 : i32
      %add3A_1472 = vector.broadcast %add3A_1471 : i32 to vector<16xi32>
      %add3A_1473 = arith.addi %mul3A_1386, %add3A_1472 : vector<16xi32>
      %gather3A_1474 = tpu.vector_load_idx %arg17[%add3A_1473] : memref<1280xf32, #tpu.memory_space<vmem>>[vector<16xi32>], vector<16xf32>,
      %mul3A_1475 = arith.mulf %gather3A_1383, %gather3A_1474 : vector<16xf32>
      %add3A_1476 = arith.addf %add3A_1369, %mul3A_1475 : vector<16xf32>
      %add3A_1477 = arith.constant 15 : i32
      %add3A_1478 = vector.broadcast %add3A_1477 : i32 to vector<16xi32>
      %add3A_1479 = arith.addi %mul3A_1386, %add3A_1478 : vector<16xi32>
      %gather3A_1480 = tpu.vector_load_idx %arg17[%add3A_1479] : memref<1280xf32, #tpu.memory_space<vmem>>[vector<16xi32>], vector<16xf32>,
      %mul3A_1481 = arith.mulf %gather3A_1383, %gather3A_1480 : vector<16xf32>
      %add3A_1482 = arith.addf %add3A_1375, %mul3A_1481 : vector<16xf32>
      %add3A_1483 = arith.constant 3 : i32
      %add3A_1484 = vector.broadcast %add3A_1483 : i32 to vector<16xi32>
      %add3A_1485 = arith.addi %mul3A_1177, %add3A_1484 : vector<16xi32>
      %gather3A_1486 = tpu.vector_load_idx %arg11[%add3A_1485] : memref<31360xi32, #tpu.memory_space<vmem>>[vector<16xi32>], vector<16xi32>,
      %add3A_1487 = arith.constant 3 : i32
      %add3A_1488 = vector.broadcast %add3A_1487 : i32 to vector<16xi32>
      %add3A_1489 = arith.addi %mul3A_1177, %add3A_1488 : vector<16xi32>
      %gather3A_1490 = tpu.vector_load_idx %arg12[%add3A_1489] : memref<31360xf32, #tpu.memory_space<vmem>>[vector<16xi32>], vector<16xf32>,
      %mul3A_1491 = arith.constant 16 : i32
      %mul3A_1492 = vector.broadcast %mul3A_1491 : i32 to vector<16xi32>
      %mul3A_1493 = arith.muli %gather3A_1486, %mul3A_1492 : vector<16xi32>
      %add3A_1494 = arith.constant 0 : i32
      %add3A_1495 = vector.broadcast %add3A_1494 : i32 to vector<16xi32>
      %add3A_1496 = arith.addi %mul3A_1493, %add3A_1495 : vector<16xi32>
      %gather3A_1497 = tpu.vector_load_idx %arg17[%add3A_1496] : memref<1280xf32, #tpu.memory_space<vmem>>[vector<16xi32>], vector<16xf32>,
      %mul3A_1498 = arith.mulf %gather3A_1490, %gather3A_1497 : vector<16xf32>
      %add3A_1499 = arith.addf %add3A_1392, %mul3A_1498 : vector<16xf32>
      %add3A_1500 = arith.constant 1 : i32
      %add3A_1501 = vector.broadcast %add3A_1500 : i32 to vector<16xi32>
      %add3A_1502 = arith.addi %mul3A_1493, %add3A_1501 : vector<16xi32>
      %gather3A_1503 = tpu.vector_load_idx %arg17[%add3A_1502] : memref<1280xf32, #tpu.memory_space<vmem>>[vector<16xi32>], vector<16xf32>,
      %mul3A_1504 = arith.mulf %gather3A_1490, %gather3A_1503 : vector<16xf32>
      %add3A_1505 = arith.addf %add3A_1398, %mul3A_1504 : vector<16xf32>
      %add3A_1506 = arith.constant 2 : i32
      %add3A_1507 = vector.broadcast %add3A_1506 : i32 to vector<16xi32>
      %add3A_1508 = arith.addi %mul3A_1493, %add3A_1507 : vector<16xi32>
      %gather3A_1509 = tpu.vector_load_idx %arg17[%add3A_1508] : memref<1280xf32, #tpu.memory_space<vmem>>[vector<16xi32>], vector<16xf32>,
      %mul3A_1510 = arith.mulf %gather3A_1490, %gather3A_1509 : vector<16xf32>
      %add3A_1511 = arith.addf %add3A_1404, %mul3A_1510 : vector<16xf32>
      %add3A_1512 = arith.constant 3 : i32
      %add3A_1513 = vector.broadcast %add3A_1512 : i32 to vector<16xi32>
      %add3A_1514 = arith.addi %mul3A_1493, %add3A_1513 : vector<16xi32>
      %gather3A_1515 = tpu.vector_load_idx %arg17[%add3A_1514] : memref<1280xf32, #tpu.memory_space<vmem>>[vector<16xi32>], vector<16xf32>,
      %mul3A_1516 = arith.mulf %gather3A_1490, %gather3A_1515 : vector<16xf32>
      %add3A_1517 = arith.addf %add3A_1410, %mul3A_1516 : vector<16xf32>
      %add3A_1518 = arith.constant 4 : i32
      %add3A_1519 = vector.broadcast %add3A_1518 : i32 to vector<16xi32>
      %add3A_1520 = arith.addi %mul3A_1493, %add3A_1519 : vector<16xi32>
      %gather3A_1521 = tpu.vector_load_idx %arg17[%add3A_1520] : memref<1280xf32, #tpu.memory_space<vmem>>[vector<16xi32>], vector<16xf32>,
      %mul3A_1522 = arith.mulf %gather3A_1490, %gather3A_1521 : vector<16xf32>
      %add3A_1523 = arith.addf %add3A_1416, %mul3A_1522 : vector<16xf32>
      %add3A_1524 = arith.constant 5 : i32
      %add3A_1525 = vector.broadcast %add3A_1524 : i32 to vector<16xi32>
      %add3A_1526 = arith.addi %mul3A_1493, %add3A_1525 : vector<16xi32>
      %gather3A_1527 = tpu.vector_load_idx %arg17[%add3A_1526] : memref<1280xf32, #tpu.memory_space<vmem>>[vector<16xi32>], vector<16xf32>,
      %mul3A_1528 = arith.mulf %gather3A_1490, %gather3A_1527 : vector<16xf32>
      %add3A_1529 = arith.addf %add3A_1422, %mul3A_1528 : vector<16xf32>
      %add3A_1530 = arith.constant 6 : i32
      %add3A_1531 = vector.broadcast %add3A_1530 : i32 to vector<16xi32>
      %add3A_1532 = arith.addi %mul3A_1493, %add3A_1531 : vector<16xi32>
      %gather3A_1533 = tpu.vector_load_idx %arg17[%add3A_1532] : memref<1280xf32, #tpu.memory_space<vmem>>[vector<16xi32>], vector<16xf32>,
      %mul3A_1534 = arith.mulf %gather3A_1490, %gather3A_1533 : vector<16xf32>
      %add3A_1535 = arith.addf %add3A_1428, %mul3A_1534 : vector<16xf32>
      %add3A_1536 = arith.constant 7 : i32
      %add3A_1537 = vector.broadcast %add3A_1536 : i32 to vector<16xi32>
      %add3A_1538 = arith.addi %mul3A_1493, %add3A_1537 : vector<16xi32>
      %gather3A_1539 = tpu.vector_load_idx %arg17[%add3A_1538] : memref<1280xf32, #tpu.memory_space<vmem>>[vector<16xi32>], vector<16xf32>,
      %mul3A_1540 = arith.mulf %gather3A_1490, %gather3A_1539 : vector<16xf32>
      %add3A_1541 = arith.addf %add3A_1434, %mul3A_1540 : vector<16xf32>
      %add3A_1542 = arith.constant 8 : i32
      %add3A_1543 = vector.broadcast %add3A_1542 : i32 to vector<16xi32>
      %add3A_1544 = arith.addi %mul3A_1493, %add3A_1543 : vector<16xi32>
      %gather3A_1545 = tpu.vector_load_idx %arg17[%add3A_1544] : memref<1280xf32, #tpu.memory_space<vmem>>[vector<16xi32>], vector<16xf32>,
      %mul3A_1546 = arith.mulf %gather3A_1490, %gather3A_1545 : vector<16xf32>
      %add3A_1547 = arith.addf %add3A_1440, %mul3A_1546 : vector<16xf32>
      %add3A_1548 = arith.constant 9 : i32
      %add3A_1549 = vector.broadcast %add3A_1548 : i32 to vector<16xi32>
      %add3A_1550 = arith.addi %mul3A_1493, %add3A_1549 : vector<16xi32>
      %gather3A_1551 = tpu.vector_load_idx %arg17[%add3A_1550] : memref<1280xf32, #tpu.memory_space<vmem>>[vector<16xi32>], vector<16xf32>,
      %mul3A_1552 = arith.mulf %gather3A_1490, %gather3A_1551 : vector<16xf32>
      %add3A_1553 = arith.addf %add3A_1446, %mul3A_1552 : vector<16xf32>
      %add3A_1554 = arith.constant 10 : i32
      %add3A_1555 = vector.broadcast %add3A_1554 : i32 to vector<16xi32>
      %add3A_1556 = arith.addi %mul3A_1493, %add3A_1555 : vector<16xi32>
      %gather3A_1557 = tpu.vector_load_idx %arg17[%add3A_1556] : memref<1280xf32, #tpu.memory_space<vmem>>[vector<16xi32>], vector<16xf32>,
      %mul3A_1558 = arith.mulf %gather3A_1490, %gather3A_1557 : vector<16xf32>
      %add3A_1559 = arith.addf %add3A_1452, %mul3A_1558 : vector<16xf32>
      %add3A_1560 = arith.constant 11 : i32
      %add3A_1561 = vector.broadcast %add3A_1560 : i32 to vector<16xi32>
      %add3A_1562 = arith.addi %mul3A_1493, %add3A_1561 : vector<16xi32>
      %gather3A_1563 = tpu.vector_load_idx %arg17[%add3A_1562] : memref<1280xf32, #tpu.memory_space<vmem>>[vector<16xi32>], vector<16xf32>,
      %mul3A_1564 = arith.mulf %gather3A_1490, %gather3A_1563 : vector<16xf32>
      %add3A_1565 = arith.addf %add3A_1458, %mul3A_1564 : vector<16xf32>
      %add3A_1566 = arith.constant 12 : i32
      %add3A_1567 = vector.broadcast %add3A_1566 : i32 to vector<16xi32>
      %add3A_1568 = arith.addi %mul3A_1493, %add3A_1567 : vector<16xi32>
      %gather3A_1569 = tpu.vector_load_idx %arg17[%add3A_1568] : memref<1280xf32, #tpu.memory_space<vmem>>[vector<16xi32>], vector<16xf32>,
      %mul3A_1570 = arith.mulf %gather3A_1490, %gather3A_1569 : vector<16xf32>
      %add3A_1571 = arith.addf %add3A_1464, %mul3A_1570 : vector<16xf32>
      %add3A_1572 = arith.constant 13 : i32
      %add3A_1573 = vector.broadcast %add3A_1572 : i32 to vector<16xi32>
      %add3A_1574 = arith.addi %mul3A_1493, %add3A_1573 : vector<16xi32>
      %gather3A_1575 = tpu.vector_load_idx %arg17[%add3A_1574] : memref<1280xf32, #tpu.memory_space<vmem>>[vector<16xi32>], vector<16xf32>,
      %mul3A_1576 = arith.mulf %gather3A_1490, %gather3A_1575 : vector<16xf32>
      %add3A_1577 = arith.addf %add3A_1470, %mul3A_1576 : vector<16xf32>
      %add3A_1578 = arith.constant 14 : i32
      %add3A_1579 = vector.broadcast %add3A_1578 : i32 to vector<16xi32>
      %add3A_1580 = arith.addi %mul3A_1493, %add3A_1579 : vector<16xi32>
      %gather3A_1581 = tpu.vector_load_idx %arg17[%add3A_1580] : memref<1280xf32, #tpu.memory_space<vmem>>[vector<16xi32>], vector<16xf32>,
      %mul3A_1582 = arith.mulf %gather3A_1490, %gather3A_1581 : vector<16xf32>
      %add3A_1583 = arith.addf %add3A_1476, %mul3A_1582 : vector<16xf32>
      %add3A_1584 = arith.constant 15 : i32
      %add3A_1585 = vector.broadcast %add3A_1584 : i32 to vector<16xi32>
      %add3A_1586 = arith.addi %mul3A_1493, %add3A_1585 : vector<16xi32>
      %gather3A_1587 = tpu.vector_load_idx %arg17[%add3A_1586] : memref<1280xf32, #tpu.memory_space<vmem>>[vector<16xi32>], vector<16xf32>,
      %mul3A_1588 = arith.mulf %gather3A_1490, %gather3A_1587 : vector<16xf32>
      %add3A_1589 = arith.addf %add3A_1482, %mul3A_1588 : vector<16xf32>
      %add3A_1590 = arith.constant 4 : i32
      %add3A_1591 = vector.broadcast %add3A_1590 : i32 to vector<16xi32>
      %add3A_1592 = arith.addi %mul3A_1177, %add3A_1591 : vector<16xi32>
      %gather3A_1593 = tpu.vector_load_idx %arg11[%add3A_1592] : memref<31360xi32, #tpu.memory_space<vmem>>[vector<16xi32>], vector<16xi32>,
      %add3A_1594 = arith.constant 4 : i32
      %add3A_1595 = vector.broadcast %add3A_1594 : i32 to vector<16xi32>
      %add3A_1596 = arith.addi %mul3A_1177, %add3A_1595 : vector<16xi32>
      %gather3A_1597 = tpu.vector_load_idx %arg12[%add3A_1596] : memref<31360xf32, #tpu.memory_space<vmem>>[vector<16xi32>], vector<16xf32>,
      %mul3A_1598 = arith.constant 16 : i32
      %mul3A_1599 = vector.broadcast %mul3A_1598 : i32 to vector<16xi32>
      %mul3A_1600 = arith.muli %gather3A_1593, %mul3A_1599 : vector<16xi32>
      %add3A_1601 = arith.constant 0 : i32
      %add3A_1602 = vector.broadcast %add3A_1601 : i32 to vector<16xi32>
      %add3A_1603 = arith.addi %mul3A_1600, %add3A_1602 : vector<16xi32>
      %gather3A_1604 = tpu.vector_load_idx %arg17[%add3A_1603] : memref<1280xf32, #tpu.memory_space<vmem>>[vector<16xi32>], vector<16xf32>,
      %mul3A_1605 = arith.mulf %gather3A_1597, %gather3A_1604 : vector<16xf32>
      %add3A_1606 = arith.addf %add3A_1499, %mul3A_1605 : vector<16xf32>
      %add3A_1607 = arith.constant 1 : i32
      %add3A_1608 = vector.broadcast %add3A_1607 : i32 to vector<16xi32>
      %add3A_1609 = arith.addi %mul3A_1600, %add3A_1608 : vector<16xi32>
      %gather3A_1610 = tpu.vector_load_idx %arg17[%add3A_1609] : memref<1280xf32, #tpu.memory_space<vmem>>[vector<16xi32>], vector<16xf32>,
      %mul3A_1611 = arith.mulf %gather3A_1597, %gather3A_1610 : vector<16xf32>
      %add3A_1612 = arith.addf %add3A_1505, %mul3A_1611 : vector<16xf32>
      %add3A_1613 = arith.constant 2 : i32
      %add3A_1614 = vector.broadcast %add3A_1613 : i32 to vector<16xi32>
      %add3A_1615 = arith.addi %mul3A_1600, %add3A_1614 : vector<16xi32>
      %gather3A_1616 = tpu.vector_load_idx %arg17[%add3A_1615] : memref<1280xf32, #tpu.memory_space<vmem>>[vector<16xi32>], vector<16xf32>,
      %mul3A_1617 = arith.mulf %gather3A_1597, %gather3A_1616 : vector<16xf32>
      %add3A_1618 = arith.addf %add3A_1511, %mul3A_1617 : vector<16xf32>
      %add3A_1619 = arith.constant 3 : i32
      %add3A_1620 = vector.broadcast %add3A_1619 : i32 to vector<16xi32>
      %add3A_1621 = arith.addi %mul3A_1600, %add3A_1620 : vector<16xi32>
      %gather3A_1622 = tpu.vector_load_idx %arg17[%add3A_1621] : memref<1280xf32, #tpu.memory_space<vmem>>[vector<16xi32>], vector<16xf32>,
      %mul3A_1623 = arith.mulf %gather3A_1597, %gather3A_1622 : vector<16xf32>
      %add3A_1624 = arith.addf %add3A_1517, %mul3A_1623 : vector<16xf32>
      %add3A_1625 = arith.constant 4 : i32
      %add3A_1626 = vector.broadcast %add3A_1625 : i32 to vector<16xi32>
      %add3A_1627 = arith.addi %mul3A_1600, %add3A_1626 : vector<16xi32>
      %gather3A_1628 = tpu.vector_load_idx %arg17[%add3A_1627] : memref<1280xf32, #tpu.memory_space<vmem>>[vector<16xi32>], vector<16xf32>,
      %mul3A_1629 = arith.mulf %gather3A_1597, %gather3A_1628 : vector<16xf32>
      %add3A_1630 = arith.addf %add3A_1523, %mul3A_1629 : vector<16xf32>
      %add3A_1631 = arith.constant 5 : i32
      %add3A_1632 = vector.broadcast %add3A_1631 : i32 to vector<16xi32>
      %add3A_1633 = arith.addi %mul3A_1600, %add3A_1632 : vector<16xi32>
      %gather3A_1634 = tpu.vector_load_idx %arg17[%add3A_1633] : memref<1280xf32, #tpu.memory_space<vmem>>[vector<16xi32>], vector<16xf32>,
      %mul3A_1635 = arith.mulf %gather3A_1597, %gather3A_1634 : vector<16xf32>
      %add3A_1636 = arith.addf %add3A_1529, %mul3A_1635 : vector<16xf32>
      %add3A_1637 = arith.constant 6 : i32
      %add3A_1638 = vector.broadcast %add3A_1637 : i32 to vector<16xi32>
      %add3A_1639 = arith.addi %mul3A_1600, %add3A_1638 : vector<16xi32>
      %gather3A_1640 = tpu.vector_load_idx %arg17[%add3A_1639] : memref<1280xf32, #tpu.memory_space<vmem>>[vector<16xi32>], vector<16xf32>,
      %mul3A_1641 = arith.mulf %gather3A_1597, %gather3A_1640 : vector<16xf32>
      %add3A_1642 = arith.addf %add3A_1535, %mul3A_1641 : vector<16xf32>
      %add3A_1643 = arith.constant 7 : i32
      %add3A_1644 = vector.broadcast %add3A_1643 : i32 to vector<16xi32>
      %add3A_1645 = arith.addi %mul3A_1600, %add3A_1644 : vector<16xi32>
      %gather3A_1646 = tpu.vector_load_idx %arg17[%add3A_1645] : memref<1280xf32, #tpu.memory_space<vmem>>[vector<16xi32>], vector<16xf32>,
      %mul3A_1647 = arith.mulf %gather3A_1597, %gather3A_1646 : vector<16xf32>
      %add3A_1648 = arith.addf %add3A_1541, %mul3A_1647 : vector<16xf32>
      %add3A_1649 = arith.constant 8 : i32
      %add3A_1650 = vector.broadcast %add3A_1649 : i32 to vector<16xi32>
      %add3A_1651 = arith.addi %mul3A_1600, %add3A_1650 : vector<16xi32>
      %gather3A_1652 = tpu.vector_load_idx %arg17[%add3A_1651] : memref<1280xf32, #tpu.memory_space<vmem>>[vector<16xi32>], vector<16xf32>,
      %mul3A_1653 = arith.mulf %gather3A_1597, %gather3A_1652 : vector<16xf32>
      %add3A_1654 = arith.addf %add3A_1547, %mul3A_1653 : vector<16xf32>
      %add3A_1655 = arith.constant 9 : i32
      %add3A_1656 = vector.broadcast %add3A_1655 : i32 to vector<16xi32>
      %add3A_1657 = arith.addi %mul3A_1600, %add3A_1656 : vector<16xi32>
      %gather3A_1658 = tpu.vector_load_idx %arg17[%add3A_1657] : memref<1280xf32, #tpu.memory_space<vmem>>[vector<16xi32>], vector<16xf32>,
      %mul3A_1659 = arith.mulf %gather3A_1597, %gather3A_1658 : vector<16xf32>
      %add3A_1660 = arith.addf %add3A_1553, %mul3A_1659 : vector<16xf32>
      %add3A_1661 = arith.constant 10 : i32
      %add3A_1662 = vector.broadcast %add3A_1661 : i32 to vector<16xi32>
      %add3A_1663 = arith.addi %mul3A_1600, %add3A_1662 : vector<16xi32>
      %gather3A_1664 = tpu.vector_load_idx %arg17[%add3A_1663] : memref<1280xf32, #tpu.memory_space<vmem>>[vector<16xi32>], vector<16xf32>,
      %mul3A_1665 = arith.mulf %gather3A_1597, %gather3A_1664 : vector<16xf32>
      %add3A_1666 = arith.addf %add3A_1559, %mul3A_1665 : vector<16xf32>
      %add3A_1667 = arith.constant 11 : i32
      %add3A_1668 = vector.broadcast %add3A_1667 : i32 to vector<16xi32>
      %add3A_1669 = arith.addi %mul3A_1600, %add3A_1668 : vector<16xi32>
      %gather3A_1670 = tpu.vector_load_idx %arg17[%add3A_1669] : memref<1280xf32, #tpu.memory_space<vmem>>[vector<16xi32>], vector<16xf32>,
      %mul3A_1671 = arith.mulf %gather3A_1597, %gather3A_1670 : vector<16xf32>
      %add3A_1672 = arith.addf %add3A_1565, %mul3A_1671 : vector<16xf32>
      %add3A_1673 = arith.constant 12 : i32
      %add3A_1674 = vector.broadcast %add3A_1673 : i32 to vector<16xi32>
      %add3A_1675 = arith.addi %mul3A_1600, %add3A_1674 : vector<16xi32>
      %gather3A_1676 = tpu.vector_load_idx %arg17[%add3A_1675] : memref<1280xf32, #tpu.memory_space<vmem>>[vector<16xi32>], vector<16xf32>,
      %mul3A_1677 = arith.mulf %gather3A_1597, %gather3A_1676 : vector<16xf32>
      %add3A_1678 = arith.addf %add3A_1571, %mul3A_1677 : vector<16xf32>
      %add3A_1679 = arith.constant 13 : i32
      %add3A_1680 = vector.broadcast %add3A_1679 : i32 to vector<16xi32>
      %add3A_1681 = arith.addi %mul3A_1600, %add3A_1680 : vector<16xi32>
      %gather3A_1682 = tpu.vector_load_idx %arg17[%add3A_1681] : memref<1280xf32, #tpu.memory_space<vmem>>[vector<16xi32>], vector<16xf32>,
      %mul3A_1683 = arith.mulf %gather3A_1597, %gather3A_1682 : vector<16xf32>
      %add3A_1684 = arith.addf %add3A_1577, %mul3A_1683 : vector<16xf32>
      %add3A_1685 = arith.constant 14 : i32
      %add3A_1686 = vector.broadcast %add3A_1685 : i32 to vector<16xi32>
      %add3A_1687 = arith.addi %mul3A_1600, %add3A_1686 : vector<16xi32>
      %gather3A_1688 = tpu.vector_load_idx %arg17[%add3A_1687] : memref<1280xf32, #tpu.memory_space<vmem>>[vector<16xi32>], vector<16xf32>,
      %mul3A_1689 = arith.mulf %gather3A_1597, %gather3A_1688 : vector<16xf32>
      %add3A_1690 = arith.addf %add3A_1583, %mul3A_1689 : vector<16xf32>
      %add3A_1691 = arith.constant 15 : i32
      %add3A_1692 = vector.broadcast %add3A_1691 : i32 to vector<16xi32>
      %add3A_1693 = arith.addi %mul3A_1600, %add3A_1692 : vector<16xi32>
      %gather3A_1694 = tpu.vector_load_idx %arg17[%add3A_1693] : memref<1280xf32, #tpu.memory_space<vmem>>[vector<16xi32>], vector<16xf32>,
      %mul3A_1695 = arith.mulf %gather3A_1597, %gather3A_1694 : vector<16xf32>
      %add3A_1696 = arith.addf %add3A_1589, %mul3A_1695 : vector<16xf32>
      %add3A_1697 = arith.constant 5 : i32
      %add3A_1698 = vector.broadcast %add3A_1697 : i32 to vector<16xi32>
      %add3A_1699 = arith.addi %mul3A_1177, %add3A_1698 : vector<16xi32>
      %gather3A_1700 = tpu.vector_load_idx %arg11[%add3A_1699] : memref<31360xi32, #tpu.memory_space<vmem>>[vector<16xi32>], vector<16xi32>,
      %add3A_1701 = arith.constant 5 : i32
      %add3A_1702 = vector.broadcast %add3A_1701 : i32 to vector<16xi32>
      %add3A_1703 = arith.addi %mul3A_1177, %add3A_1702 : vector<16xi32>
      %gather3A_1704 = tpu.vector_load_idx %arg12[%add3A_1703] : memref<31360xf32, #tpu.memory_space<vmem>>[vector<16xi32>], vector<16xf32>,
      %mul3A_1705 = arith.constant 16 : i32
      %mul3A_1706 = vector.broadcast %mul3A_1705 : i32 to vector<16xi32>
      %mul3A_1707 = arith.muli %gather3A_1700, %mul3A_1706 : vector<16xi32>
      %add3A_1708 = arith.constant 0 : i32
      %add3A_1709 = vector.broadcast %add3A_1708 : i32 to vector<16xi32>
      %add3A_1710 = arith.addi %mul3A_1707, %add3A_1709 : vector<16xi32>
      %gather3A_1711 = tpu.vector_load_idx %arg17[%add3A_1710] : memref<1280xf32, #tpu.memory_space<vmem>>[vector<16xi32>], vector<16xf32>,
      %mul3A_1712 = arith.mulf %gather3A_1704, %gather3A_1711 : vector<16xf32>
      %add3A_1713 = arith.addf %add3A_1606, %mul3A_1712 : vector<16xf32>
      %add3A_1714 = arith.constant 1 : i32
      %add3A_1715 = vector.broadcast %add3A_1714 : i32 to vector<16xi32>
      %add3A_1716 = arith.addi %mul3A_1707, %add3A_1715 : vector<16xi32>
      %gather3A_1717 = tpu.vector_load_idx %arg17[%add3A_1716] : memref<1280xf32, #tpu.memory_space<vmem>>[vector<16xi32>], vector<16xf32>,
      %mul3A_1718 = arith.mulf %gather3A_1704, %gather3A_1717 : vector<16xf32>
      %add3A_1719 = arith.addf %add3A_1612, %mul3A_1718 : vector<16xf32>
      %add3A_1720 = arith.constant 2 : i32
      %add3A_1721 = vector.broadcast %add3A_1720 : i32 to vector<16xi32>
      %add3A_1722 = arith.addi %mul3A_1707, %add3A_1721 : vector<16xi32>
      %gather3A_1723 = tpu.vector_load_idx %arg17[%add3A_1722] : memref<1280xf32, #tpu.memory_space<vmem>>[vector<16xi32>], vector<16xf32>,
      %mul3A_1724 = arith.mulf %gather3A_1704, %gather3A_1723 : vector<16xf32>
      %add3A_1725 = arith.addf %add3A_1618, %mul3A_1724 : vector<16xf32>
      %add3A_1726 = arith.constant 3 : i32
      %add3A_1727 = vector.broadcast %add3A_1726 : i32 to vector<16xi32>
      %add3A_1728 = arith.addi %mul3A_1707, %add3A_1727 : vector<16xi32>
      %gather3A_1729 = tpu.vector_load_idx %arg17[%add3A_1728] : memref<1280xf32, #tpu.memory_space<vmem>>[vector<16xi32>], vector<16xf32>,
      %mul3A_1730 = arith.mulf %gather3A_1704, %gather3A_1729 : vector<16xf32>
      %add3A_1731 = arith.addf %add3A_1624, %mul3A_1730 : vector<16xf32>
      %add3A_1732 = arith.constant 4 : i32
      %add3A_1733 = vector.broadcast %add3A_1732 : i32 to vector<16xi32>
      %add3A_1734 = arith.addi %mul3A_1707, %add3A_1733 : vector<16xi32>
      %gather3A_1735 = tpu.vector_load_idx %arg17[%add3A_1734] : memref<1280xf32, #tpu.memory_space<vmem>>[vector<16xi32>], vector<16xf32>,
      %mul3A_1736 = arith.mulf %gather3A_1704, %gather3A_1735 : vector<16xf32>
      %add3A_1737 = arith.addf %add3A_1630, %mul3A_1736 : vector<16xf32>
      %add3A_1738 = arith.constant 5 : i32
      %add3A_1739 = vector.broadcast %add3A_1738 : i32 to vector<16xi32>
      %add3A_1740 = arith.addi %mul3A_1707, %add3A_1739 : vector<16xi32>
      %gather3A_1741 = tpu.vector_load_idx %arg17[%add3A_1740] : memref<1280xf32, #tpu.memory_space<vmem>>[vector<16xi32>], vector<16xf32>,
      %mul3A_1742 = arith.mulf %gather3A_1704, %gather3A_1741 : vector<16xf32>
      %add3A_1743 = arith.addf %add3A_1636, %mul3A_1742 : vector<16xf32>
      %add3A_1744 = arith.constant 6 : i32
      %add3A_1745 = vector.broadcast %add3A_1744 : i32 to vector<16xi32>
      %add3A_1746 = arith.addi %mul3A_1707, %add3A_1745 : vector<16xi32>
      %gather3A_1747 = tpu.vector_load_idx %arg17[%add3A_1746] : memref<1280xf32, #tpu.memory_space<vmem>>[vector<16xi32>], vector<16xf32>,
      %mul3A_1748 = arith.mulf %gather3A_1704, %gather3A_1747 : vector<16xf32>
      %add3A_1749 = arith.addf %add3A_1642, %mul3A_1748 : vector<16xf32>
      %add3A_1750 = arith.constant 7 : i32
      %add3A_1751 = vector.broadcast %add3A_1750 : i32 to vector<16xi32>
      %add3A_1752 = arith.addi %mul3A_1707, %add3A_1751 : vector<16xi32>
      %gather3A_1753 = tpu.vector_load_idx %arg17[%add3A_1752] : memref<1280xf32, #tpu.memory_space<vmem>>[vector<16xi32>], vector<16xf32>,
      %mul3A_1754 = arith.mulf %gather3A_1704, %gather3A_1753 : vector<16xf32>
      %add3A_1755 = arith.addf %add3A_1648, %mul3A_1754 : vector<16xf32>
      %add3A_1756 = arith.constant 8 : i32
      %add3A_1757 = vector.broadcast %add3A_1756 : i32 to vector<16xi32>
      %add3A_1758 = arith.addi %mul3A_1707, %add3A_1757 : vector<16xi32>
      %gather3A_1759 = tpu.vector_load_idx %arg17[%add3A_1758] : memref<1280xf32, #tpu.memory_space<vmem>>[vector<16xi32>], vector<16xf32>,
      %mul3A_1760 = arith.mulf %gather3A_1704, %gather3A_1759 : vector<16xf32>
      %add3A_1761 = arith.addf %add3A_1654, %mul3A_1760 : vector<16xf32>
      %add3A_1762 = arith.constant 9 : i32
      %add3A_1763 = vector.broadcast %add3A_1762 : i32 to vector<16xi32>
      %add3A_1764 = arith.addi %mul3A_1707, %add3A_1763 : vector<16xi32>
      %gather3A_1765 = tpu.vector_load_idx %arg17[%add3A_1764] : memref<1280xf32, #tpu.memory_space<vmem>>[vector<16xi32>], vector<16xf32>,
      %mul3A_1766 = arith.mulf %gather3A_1704, %gather3A_1765 : vector<16xf32>
      %add3A_1767 = arith.addf %add3A_1660, %mul3A_1766 : vector<16xf32>
      %add3A_1768 = arith.constant 10 : i32
      %add3A_1769 = vector.broadcast %add3A_1768 : i32 to vector<16xi32>
      %add3A_1770 = arith.addi %mul3A_1707, %add3A_1769 : vector<16xi32>
      %gather3A_1771 = tpu.vector_load_idx %arg17[%add3A_1770] : memref<1280xf32, #tpu.memory_space<vmem>>[vector<16xi32>], vector<16xf32>,
      %mul3A_1772 = arith.mulf %gather3A_1704, %gather3A_1771 : vector<16xf32>
      %add3A_1773 = arith.addf %add3A_1666, %mul3A_1772 : vector<16xf32>
      %add3A_1774 = arith.constant 11 : i32
      %add3A_1775 = vector.broadcast %add3A_1774 : i32 to vector<16xi32>
      %add3A_1776 = arith.addi %mul3A_1707, %add3A_1775 : vector<16xi32>
      %gather3A_1777 = tpu.vector_load_idx %arg17[%add3A_1776] : memref<1280xf32, #tpu.memory_space<vmem>>[vector<16xi32>], vector<16xf32>,
      %mul3A_1778 = arith.mulf %gather3A_1704, %gather3A_1777 : vector<16xf32>
      %add3A_1779 = arith.addf %add3A_1672, %mul3A_1778 : vector<16xf32>
      %add3A_1780 = arith.constant 12 : i32
      %add3A_1781 = vector.broadcast %add3A_1780 : i32 to vector<16xi32>
      %add3A_1782 = arith.addi %mul3A_1707, %add3A_1781 : vector<16xi32>
      %gather3A_1783 = tpu.vector_load_idx %arg17[%add3A_1782] : memref<1280xf32, #tpu.memory_space<vmem>>[vector<16xi32>], vector<16xf32>,
      %mul3A_1784 = arith.mulf %gather3A_1704, %gather3A_1783 : vector<16xf32>
      %add3A_1785 = arith.addf %add3A_1678, %mul3A_1784 : vector<16xf32>
      %add3A_1786 = arith.constant 13 : i32
      %add3A_1787 = vector.broadcast %add3A_1786 : i32 to vector<16xi32>
      %add3A_1788 = arith.addi %mul3A_1707, %add3A_1787 : vector<16xi32>
      %gather3A_1789 = tpu.vector_load_idx %arg17[%add3A_1788] : memref<1280xf32, #tpu.memory_space<vmem>>[vector<16xi32>], vector<16xf32>,
      %mul3A_1790 = arith.mulf %gather3A_1704, %gather3A_1789 : vector<16xf32>
      %add3A_1791 = arith.addf %add3A_1684, %mul3A_1790 : vector<16xf32>
      %add3A_1792 = arith.constant 14 : i32
      %add3A_1793 = vector.broadcast %add3A_1792 : i32 to vector<16xi32>
      %add3A_1794 = arith.addi %mul3A_1707, %add3A_1793 : vector<16xi32>
      %gather3A_1795 = tpu.vector_load_idx %arg17[%add3A_1794] : memref<1280xf32, #tpu.memory_space<vmem>>[vector<16xi32>], vector<16xf32>,
      %mul3A_1796 = arith.mulf %gather3A_1704, %gather3A_1795 : vector<16xf32>
      %add3A_1797 = arith.addf %add3A_1690, %mul3A_1796 : vector<16xf32>
      %add3A_1798 = arith.constant 15 : i32
      %add3A_1799 = vector.broadcast %add3A_1798 : i32 to vector<16xi32>
      %add3A_1800 = arith.addi %mul3A_1707, %add3A_1799 : vector<16xi32>
      %gather3A_1801 = tpu.vector_load_idx %arg17[%add3A_1800] : memref<1280xf32, #tpu.memory_space<vmem>>[vector<16xi32>], vector<16xf32>,
      %mul3A_1802 = arith.mulf %gather3A_1704, %gather3A_1801 : vector<16xf32>
      %add3A_1803 = arith.addf %add3A_1696, %mul3A_1802 : vector<16xf32>
      %add3A_1804 = arith.constant 6 : i32
      %add3A_1805 = vector.broadcast %add3A_1804 : i32 to vector<16xi32>
      %add3A_1806 = arith.addi %mul3A_1177, %add3A_1805 : vector<16xi32>
      %gather3A_1807 = tpu.vector_load_idx %arg11[%add3A_1806] : memref<31360xi32, #tpu.memory_space<vmem>>[vector<16xi32>], vector<16xi32>,
      %add3A_1808 = arith.constant 6 : i32
      %add3A_1809 = vector.broadcast %add3A_1808 : i32 to vector<16xi32>
      %add3A_1810 = arith.addi %mul3A_1177, %add3A_1809 : vector<16xi32>
      %gather3A_1811 = tpu.vector_load_idx %arg12[%add3A_1810] : memref<31360xf32, #tpu.memory_space<vmem>>[vector<16xi32>], vector<16xf32>,
      %mul3A_1812 = arith.constant 16 : i32
      %mul3A_1813 = vector.broadcast %mul3A_1812 : i32 to vector<16xi32>
      %mul3A_1814 = arith.muli %gather3A_1807, %mul3A_1813 : vector<16xi32>
      %add3A_1815 = arith.constant 0 : i32
      %add3A_1816 = vector.broadcast %add3A_1815 : i32 to vector<16xi32>
      %add3A_1817 = arith.addi %mul3A_1814, %add3A_1816 : vector<16xi32>
      %gather3A_1818 = tpu.vector_load_idx %arg17[%add3A_1817] : memref<1280xf32, #tpu.memory_space<vmem>>[vector<16xi32>], vector<16xf32>,
      %mul3A_1819 = arith.mulf %gather3A_1811, %gather3A_1818 : vector<16xf32>
      %add3A_1820 = arith.addf %add3A_1713, %mul3A_1819 : vector<16xf32>
      %add3A_1821 = arith.constant 1 : i32
      %add3A_1822 = vector.broadcast %add3A_1821 : i32 to vector<16xi32>
      %add3A_1823 = arith.addi %mul3A_1814, %add3A_1822 : vector<16xi32>
      %gather3A_1824 = tpu.vector_load_idx %arg17[%add3A_1823] : memref<1280xf32, #tpu.memory_space<vmem>>[vector<16xi32>], vector<16xf32>,
      %mul3A_1825 = arith.mulf %gather3A_1811, %gather3A_1824 : vector<16xf32>
      %add3A_1826 = arith.addf %add3A_1719, %mul3A_1825 : vector<16xf32>
      %add3A_1827 = arith.constant 2 : i32
      %add3A_1828 = vector.broadcast %add3A_1827 : i32 to vector<16xi32>
      %add3A_1829 = arith.addi %mul3A_1814, %add3A_1828 : vector<16xi32>
      %gather3A_1830 = tpu.vector_load_idx %arg17[%add3A_1829] : memref<1280xf32, #tpu.memory_space<vmem>>[vector<16xi32>], vector<16xf32>,
      %mul3A_1831 = arith.mulf %gather3A_1811, %gather3A_1830 : vector<16xf32>
      %add3A_1832 = arith.addf %add3A_1725, %mul3A_1831 : vector<16xf32>
      %add3A_1833 = arith.constant 3 : i32
      %add3A_1834 = vector.broadcast %add3A_1833 : i32 to vector<16xi32>
      %add3A_1835 = arith.addi %mul3A_1814, %add3A_1834 : vector<16xi32>
      %gather3A_1836 = tpu.vector_load_idx %arg17[%add3A_1835] : memref<1280xf32, #tpu.memory_space<vmem>>[vector<16xi32>], vector<16xf32>,
      %mul3A_1837 = arith.mulf %gather3A_1811, %gather3A_1836 : vector<16xf32>
      %add3A_1838 = arith.addf %add3A_1731, %mul3A_1837 : vector<16xf32>
      %add3A_1839 = arith.constant 4 : i32
      %add3A_1840 = vector.broadcast %add3A_1839 : i32 to vector<16xi32>
      %add3A_1841 = arith.addi %mul3A_1814, %add3A_1840 : vector<16xi32>
      %gather3A_1842 = tpu.vector_load_idx %arg17[%add3A_1841] : memref<1280xf32, #tpu.memory_space<vmem>>[vector<16xi32>], vector<16xf32>,
      %mul3A_1843 = arith.mulf %gather3A_1811, %gather3A_1842 : vector<16xf32>
      %add3A_1844 = arith.addf %add3A_1737, %mul3A_1843 : vector<16xf32>
      %add3A_1845 = arith.constant 5 : i32
      %add3A_1846 = vector.broadcast %add3A_1845 : i32 to vector<16xi32>
      %add3A_1847 = arith.addi %mul3A_1814, %add3A_1846 : vector<16xi32>
      %gather3A_1848 = tpu.vector_load_idx %arg17[%add3A_1847] : memref<1280xf32, #tpu.memory_space<vmem>>[vector<16xi32>], vector<16xf32>,
      %mul3A_1849 = arith.mulf %gather3A_1811, %gather3A_1848 : vector<16xf32>
      %add3A_1850 = arith.addf %add3A_1743, %mul3A_1849 : vector<16xf32>
      %add3A_1851 = arith.constant 6 : i32
      %add3A_1852 = vector.broadcast %add3A_1851 : i32 to vector<16xi32>
      %add3A_1853 = arith.addi %mul3A_1814, %add3A_1852 : vector<16xi32>
      %gather3A_1854 = tpu.vector_load_idx %arg17[%add3A_1853] : memref<1280xf32, #tpu.memory_space<vmem>>[vector<16xi32>], vector<16xf32>,
      %mul3A_1855 = arith.mulf %gather3A_1811, %gather3A_1854 : vector<16xf32>
      %add3A_1856 = arith.addf %add3A_1749, %mul3A_1855 : vector<16xf32>
      %add3A_1857 = arith.constant 7 : i32
      %add3A_1858 = vector.broadcast %add3A_1857 : i32 to vector<16xi32>
      %add3A_1859 = arith.addi %mul3A_1814, %add3A_1858 : vector<16xi32>
      %gather3A_1860 = tpu.vector_load_idx %arg17[%add3A_1859] : memref<1280xf32, #tpu.memory_space<vmem>>[vector<16xi32>], vector<16xf32>,
      %mul3A_1861 = arith.mulf %gather3A_1811, %gather3A_1860 : vector<16xf32>
      %add3A_1862 = arith.addf %add3A_1755, %mul3A_1861 : vector<16xf32>
      %add3A_1863 = arith.constant 8 : i32
      %add3A_1864 = vector.broadcast %add3A_1863 : i32 to vector<16xi32>
      %add3A_1865 = arith.addi %mul3A_1814, %add3A_1864 : vector<16xi32>
      %gather3A_1866 = tpu.vector_load_idx %arg17[%add3A_1865] : memref<1280xf32, #tpu.memory_space<vmem>>[vector<16xi32>], vector<16xf32>,
      %mul3A_1867 = arith.mulf %gather3A_1811, %gather3A_1866 : vector<16xf32>
      %add3A_1868 = arith.addf %add3A_1761, %mul3A_1867 : vector<16xf32>
      %add3A_1869 = arith.constant 9 : i32
      %add3A_1870 = vector.broadcast %add3A_1869 : i32 to vector<16xi32>
      %add3A_1871 = arith.addi %mul3A_1814, %add3A_1870 : vector<16xi32>
      %gather3A_1872 = tpu.vector_load_idx %arg17[%add3A_1871] : memref<1280xf32, #tpu.memory_space<vmem>>[vector<16xi32>], vector<16xf32>,
      %mul3A_1873 = arith.mulf %gather3A_1811, %gather3A_1872 : vector<16xf32>
      %add3A_1874 = arith.addf %add3A_1767, %mul3A_1873 : vector<16xf32>
      %add3A_1875 = arith.constant 10 : i32
      %add3A_1876 = vector.broadcast %add3A_1875 : i32 to vector<16xi32>
      %add3A_1877 = arith.addi %mul3A_1814, %add3A_1876 : vector<16xi32>
      %gather3A_1878 = tpu.vector_load_idx %arg17[%add3A_1877] : memref<1280xf32, #tpu.memory_space<vmem>>[vector<16xi32>], vector<16xf32>,
      %mul3A_1879 = arith.mulf %gather3A_1811, %gather3A_1878 : vector<16xf32>
      %add3A_1880 = arith.addf %add3A_1773, %mul3A_1879 : vector<16xf32>
      %add3A_1881 = arith.constant 11 : i32
      %add3A_1882 = vector.broadcast %add3A_1881 : i32 to vector<16xi32>
      %add3A_1883 = arith.addi %mul3A_1814, %add3A_1882 : vector<16xi32>
      %gather3A_1884 = tpu.vector_load_idx %arg17[%add3A_1883] : memref<1280xf32, #tpu.memory_space<vmem>>[vector<16xi32>], vector<16xf32>,
      %mul3A_1885 = arith.mulf %gather3A_1811, %gather3A_1884 : vector<16xf32>
      %add3A_1886 = arith.addf %add3A_1779, %mul3A_1885 : vector<16xf32>
      %add3A_1887 = arith.constant 12 : i32
      %add3A_1888 = vector.broadcast %add3A_1887 : i32 to vector<16xi32>
      %add3A_1889 = arith.addi %mul3A_1814, %add3A_1888 : vector<16xi32>
      %gather3A_1890 = tpu.vector_load_idx %arg17[%add3A_1889] : memref<1280xf32, #tpu.memory_space<vmem>>[vector<16xi32>], vector<16xf32>,
      %mul3A_1891 = arith.mulf %gather3A_1811, %gather3A_1890 : vector<16xf32>
      %add3A_1892 = arith.addf %add3A_1785, %mul3A_1891 : vector<16xf32>
      %add3A_1893 = arith.constant 13 : i32
      %add3A_1894 = vector.broadcast %add3A_1893 : i32 to vector<16xi32>
      %add3A_1895 = arith.addi %mul3A_1814, %add3A_1894 : vector<16xi32>
      %gather3A_1896 = tpu.vector_load_idx %arg17[%add3A_1895] : memref<1280xf32, #tpu.memory_space<vmem>>[vector<16xi32>], vector<16xf32>,
      %mul3A_1897 = arith.mulf %gather3A_1811, %gather3A_1896 : vector<16xf32>
      %add3A_1898 = arith.addf %add3A_1791, %mul3A_1897 : vector<16xf32>
      %add3A_1899 = arith.constant 14 : i32
      %add3A_1900 = vector.broadcast %add3A_1899 : i32 to vector<16xi32>
      %add3A_1901 = arith.addi %mul3A_1814, %add3A_1900 : vector<16xi32>
      %gather3A_1902 = tpu.vector_load_idx %arg17[%add3A_1901] : memref<1280xf32, #tpu.memory_space<vmem>>[vector<16xi32>], vector<16xf32>,
      %mul3A_1903 = arith.mulf %gather3A_1811, %gather3A_1902 : vector<16xf32>
      %add3A_1904 = arith.addf %add3A_1797, %mul3A_1903 : vector<16xf32>
      %add3A_1905 = arith.constant 15 : i32
      %add3A_1906 = vector.broadcast %add3A_1905 : i32 to vector<16xi32>
      %add3A_1907 = arith.addi %mul3A_1814, %add3A_1906 : vector<16xi32>
      %gather3A_1908 = tpu.vector_load_idx %arg17[%add3A_1907] : memref<1280xf32, #tpu.memory_space<vmem>>[vector<16xi32>], vector<16xf32>,
      %mul3A_1909 = arith.mulf %gather3A_1811, %gather3A_1908 : vector<16xf32>
      %add3A_1910 = arith.addf %add3A_1803, %mul3A_1909 : vector<16xf32>
      %add3A_1911 = arith.constant 7 : i32
      %add3A_1912 = vector.broadcast %add3A_1911 : i32 to vector<16xi32>
      %add3A_1913 = arith.addi %mul3A_1177, %add3A_1912 : vector<16xi32>
      %gather3A_1914 = tpu.vector_load_idx %arg11[%add3A_1913] : memref<31360xi32, #tpu.memory_space<vmem>>[vector<16xi32>], vector<16xi32>,
      %add3A_1915 = arith.constant 7 : i32
      %add3A_1916 = vector.broadcast %add3A_1915 : i32 to vector<16xi32>
      %add3A_1917 = arith.addi %mul3A_1177, %add3A_1916 : vector<16xi32>
      %gather3A_1918 = tpu.vector_load_idx %arg12[%add3A_1917] : memref<31360xf32, #tpu.memory_space<vmem>>[vector<16xi32>], vector<16xf32>,
      %mul3A_1919 = arith.constant 16 : i32
      %mul3A_1920 = vector.broadcast %mul3A_1919 : i32 to vector<16xi32>
      %mul3A_1921 = arith.muli %gather3A_1914, %mul3A_1920 : vector<16xi32>
      %add3A_1922 = arith.constant 0 : i32
      %add3A_1923 = vector.broadcast %add3A_1922 : i32 to vector<16xi32>
      %add3A_1924 = arith.addi %mul3A_1921, %add3A_1923 : vector<16xi32>
      %gather3A_1925 = tpu.vector_load_idx %arg17[%add3A_1924] : memref<1280xf32, #tpu.memory_space<vmem>>[vector<16xi32>], vector<16xf32>,
      %mul3A_1926 = arith.mulf %gather3A_1918, %gather3A_1925 : vector<16xf32>
      %add3A_1927 = arith.addf %add3A_1820, %mul3A_1926 : vector<16xf32>
      %add3A_1928 = arith.constant 1 : i32
      %add3A_1929 = vector.broadcast %add3A_1928 : i32 to vector<16xi32>
      %add3A_1930 = arith.addi %mul3A_1921, %add3A_1929 : vector<16xi32>
      %gather3A_1931 = tpu.vector_load_idx %arg17[%add3A_1930] : memref<1280xf32, #tpu.memory_space<vmem>>[vector<16xi32>], vector<16xf32>,
      %mul3A_1932 = arith.mulf %gather3A_1918, %gather3A_1931 : vector<16xf32>
      %add3A_1933 = arith.addf %add3A_1826, %mul3A_1932 : vector<16xf32>
      %add3A_1934 = arith.constant 2 : i32
      %add3A_1935 = vector.broadcast %add3A_1934 : i32 to vector<16xi32>
      %add3A_1936 = arith.addi %mul3A_1921, %add3A_1935 : vector<16xi32>
      %gather3A_1937 = tpu.vector_load_idx %arg17[%add3A_1936] : memref<1280xf32, #tpu.memory_space<vmem>>[vector<16xi32>], vector<16xf32>,
      %mul3A_1938 = arith.mulf %gather3A_1918, %gather3A_1937 : vector<16xf32>
      %add3A_1939 = arith.addf %add3A_1832, %mul3A_1938 : vector<16xf32>
      %add3A_1940 = arith.constant 3 : i32
      %add3A_1941 = vector.broadcast %add3A_1940 : i32 to vector<16xi32>
      %add3A_1942 = arith.addi %mul3A_1921, %add3A_1941 : vector<16xi32>
      %gather3A_1943 = tpu.vector_load_idx %arg17[%add3A_1942] : memref<1280xf32, #tpu.memory_space<vmem>>[vector<16xi32>], vector<16xf32>,
      %mul3A_1944 = arith.mulf %gather3A_1918, %gather3A_1943 : vector<16xf32>
      %add3A_1945 = arith.addf %add3A_1838, %mul3A_1944 : vector<16xf32>
      %add3A_1946 = arith.constant 4 : i32
      %add3A_1947 = vector.broadcast %add3A_1946 : i32 to vector<16xi32>
      %add3A_1948 = arith.addi %mul3A_1921, %add3A_1947 : vector<16xi32>
      %gather3A_1949 = tpu.vector_load_idx %arg17[%add3A_1948] : memref<1280xf32, #tpu.memory_space<vmem>>[vector<16xi32>], vector<16xf32>,
      %mul3A_1950 = arith.mulf %gather3A_1918, %gather3A_1949 : vector<16xf32>
      %add3A_1951 = arith.addf %add3A_1844, %mul3A_1950 : vector<16xf32>
      %add3A_1952 = arith.constant 5 : i32
      %add3A_1953 = vector.broadcast %add3A_1952 : i32 to vector<16xi32>
      %add3A_1954 = arith.addi %mul3A_1921, %add3A_1953 : vector<16xi32>
      %gather3A_1955 = tpu.vector_load_idx %arg17[%add3A_1954] : memref<1280xf32, #tpu.memory_space<vmem>>[vector<16xi32>], vector<16xf32>,
      %mul3A_1956 = arith.mulf %gather3A_1918, %gather3A_1955 : vector<16xf32>
      %add3A_1957 = arith.addf %add3A_1850, %mul3A_1956 : vector<16xf32>
      %add3A_1958 = arith.constant 6 : i32
      %add3A_1959 = vector.broadcast %add3A_1958 : i32 to vector<16xi32>
      %add3A_1960 = arith.addi %mul3A_1921, %add3A_1959 : vector<16xi32>
      %gather3A_1961 = tpu.vector_load_idx %arg17[%add3A_1960] : memref<1280xf32, #tpu.memory_space<vmem>>[vector<16xi32>], vector<16xf32>,
      %mul3A_1962 = arith.mulf %gather3A_1918, %gather3A_1961 : vector<16xf32>
      %add3A_1963 = arith.addf %add3A_1856, %mul3A_1962 : vector<16xf32>
      %add3A_1964 = arith.constant 7 : i32
      %add3A_1965 = vector.broadcast %add3A_1964 : i32 to vector<16xi32>
      %add3A_1966 = arith.addi %mul3A_1921, %add3A_1965 : vector<16xi32>
      %gather3A_1967 = tpu.vector_load_idx %arg17[%add3A_1966] : memref<1280xf32, #tpu.memory_space<vmem>>[vector<16xi32>], vector<16xf32>,
      %mul3A_1968 = arith.mulf %gather3A_1918, %gather3A_1967 : vector<16xf32>
      %add3A_1969 = arith.addf %add3A_1862, %mul3A_1968 : vector<16xf32>
      %add3A_1970 = arith.constant 8 : i32
      %add3A_1971 = vector.broadcast %add3A_1970 : i32 to vector<16xi32>
      %add3A_1972 = arith.addi %mul3A_1921, %add3A_1971 : vector<16xi32>
      %gather3A_1973 = tpu.vector_load_idx %arg17[%add3A_1972] : memref<1280xf32, #tpu.memory_space<vmem>>[vector<16xi32>], vector<16xf32>,
      %mul3A_1974 = arith.mulf %gather3A_1918, %gather3A_1973 : vector<16xf32>
      %add3A_1975 = arith.addf %add3A_1868, %mul3A_1974 : vector<16xf32>
      %add3A_1976 = arith.constant 9 : i32
      %add3A_1977 = vector.broadcast %add3A_1976 : i32 to vector<16xi32>
      %add3A_1978 = arith.addi %mul3A_1921, %add3A_1977 : vector<16xi32>
      %gather3A_1979 = tpu.vector_load_idx %arg17[%add3A_1978] : memref<1280xf32, #tpu.memory_space<vmem>>[vector<16xi32>], vector<16xf32>,
      %mul3A_1980 = arith.mulf %gather3A_1918, %gather3A_1979 : vector<16xf32>
      %add3A_1981 = arith.addf %add3A_1874, %mul3A_1980 : vector<16xf32>
      %add3A_1982 = arith.constant 10 : i32
      %add3A_1983 = vector.broadcast %add3A_1982 : i32 to vector<16xi32>
      %add3A_1984 = arith.addi %mul3A_1921, %add3A_1983 : vector<16xi32>
      %gather3A_1985 = tpu.vector_load_idx %arg17[%add3A_1984] : memref<1280xf32, #tpu.memory_space<vmem>>[vector<16xi32>], vector<16xf32>,
      %mul3A_1986 = arith.mulf %gather3A_1918, %gather3A_1985 : vector<16xf32>
      %add3A_1987 = arith.addf %add3A_1880, %mul3A_1986 : vector<16xf32>
      %add3A_1988 = arith.constant 11 : i32
      %add3A_1989 = vector.broadcast %add3A_1988 : i32 to vector<16xi32>
      %add3A_1990 = arith.addi %mul3A_1921, %add3A_1989 : vector<16xi32>
      %gather3A_1991 = tpu.vector_load_idx %arg17[%add3A_1990] : memref<1280xf32, #tpu.memory_space<vmem>>[vector<16xi32>], vector<16xf32>,
      %mul3A_1992 = arith.mulf %gather3A_1918, %gather3A_1991 : vector<16xf32>
      %add3A_1993 = arith.addf %add3A_1886, %mul3A_1992 : vector<16xf32>
      %add3A_1994 = arith.constant 12 : i32
      %add3A_1995 = vector.broadcast %add3A_1994 : i32 to vector<16xi32>
      %add3A_1996 = arith.addi %mul3A_1921, %add3A_1995 : vector<16xi32>
      %gather3A_1997 = tpu.vector_load_idx %arg17[%add3A_1996] : memref<1280xf32, #tpu.memory_space<vmem>>[vector<16xi32>], vector<16xf32>,
      %mul3A_1998 = arith.mulf %gather3A_1918, %gather3A_1997 : vector<16xf32>
      %add3A_1999 = arith.addf %add3A_1892, %mul3A_1998 : vector<16xf32>
      %add3A_2000 = arith.constant 13 : i32
      %add3A_2001 = vector.broadcast %add3A_2000 : i32 to vector<16xi32>
      %add3A_2002 = arith.addi %mul3A_1921, %add3A_2001 : vector<16xi32>
      %gather3A_2003 = tpu.vector_load_idx %arg17[%add3A_2002] : memref<1280xf32, #tpu.memory_space<vmem>>[vector<16xi32>], vector<16xf32>,
      %mul3A_2004 = arith.mulf %gather3A_1918, %gather3A_2003 : vector<16xf32>
      %add3A_2005 = arith.addf %add3A_1898, %mul3A_2004 : vector<16xf32>
      %add3A_2006 = arith.constant 14 : i32
      %add3A_2007 = vector.broadcast %add3A_2006 : i32 to vector<16xi32>
      %add3A_2008 = arith.addi %mul3A_1921, %add3A_2007 : vector<16xi32>
      %gather3A_2009 = tpu.vector_load_idx %arg17[%add3A_2008] : memref<1280xf32, #tpu.memory_space<vmem>>[vector<16xi32>], vector<16xf32>,
      %mul3A_2010 = arith.mulf %gather3A_1918, %gather3A_2009 : vector<16xf32>
      %add3A_2011 = arith.addf %add3A_1904, %mul3A_2010 : vector<16xf32>
      %add3A_2012 = arith.constant 15 : i32
      %add3A_2013 = vector.broadcast %add3A_2012 : i32 to vector<16xi32>
      %add3A_2014 = arith.addi %mul3A_1921, %add3A_2013 : vector<16xi32>
      %gather3A_2015 = tpu.vector_load_idx %arg17[%add3A_2014] : memref<1280xf32, #tpu.memory_space<vmem>>[vector<16xi32>], vector<16xf32>,
      %mul3A_2016 = arith.mulf %gather3A_1918, %gather3A_2015 : vector<16xf32>
      %add3A_2017 = arith.addf %add3A_1910, %mul3A_2016 : vector<16xf32>
      %add3A_2018 = arith.constant 8 : i32
      %add3A_2019 = vector.broadcast %add3A_2018 : i32 to vector<16xi32>
      %add3A_2020 = arith.addi %mul3A_1177, %add3A_2019 : vector<16xi32>
      %gather3A_2021 = tpu.vector_load_idx %arg11[%add3A_2020] : memref<31360xi32, #tpu.memory_space<vmem>>[vector<16xi32>], vector<16xi32>,
      %add3A_2022 = arith.constant 8 : i32
      %add3A_2023 = vector.broadcast %add3A_2022 : i32 to vector<16xi32>
      %add3A_2024 = arith.addi %mul3A_1177, %add3A_2023 : vector<16xi32>
      %gather3A_2025 = tpu.vector_load_idx %arg12[%add3A_2024] : memref<31360xf32, #tpu.memory_space<vmem>>[vector<16xi32>], vector<16xf32>,
      %mul3A_2026 = arith.constant 16 : i32
      %mul3A_2027 = vector.broadcast %mul3A_2026 : i32 to vector<16xi32>
      %mul3A_2028 = arith.muli %gather3A_2021, %mul3A_2027 : vector<16xi32>
      %add3A_2029 = arith.constant 0 : i32
      %add3A_2030 = vector.broadcast %add3A_2029 : i32 to vector<16xi32>
      %add3A_2031 = arith.addi %mul3A_2028, %add3A_2030 : vector<16xi32>
      %gather3A_2032 = tpu.vector_load_idx %arg17[%add3A_2031] : memref<1280xf32, #tpu.memory_space<vmem>>[vector<16xi32>], vector<16xf32>,
      %mul3A_2033 = arith.mulf %gather3A_2025, %gather3A_2032 : vector<16xf32>
      %add3A_2034 = arith.addf %add3A_1927, %mul3A_2033 : vector<16xf32>
      %add3A_2035 = arith.constant 1 : i32
      %add3A_2036 = vector.broadcast %add3A_2035 : i32 to vector<16xi32>
      %add3A_2037 = arith.addi %mul3A_2028, %add3A_2036 : vector<16xi32>
      %gather3A_2038 = tpu.vector_load_idx %arg17[%add3A_2037] : memref<1280xf32, #tpu.memory_space<vmem>>[vector<16xi32>], vector<16xf32>,
      %mul3A_2039 = arith.mulf %gather3A_2025, %gather3A_2038 : vector<16xf32>
      %add3A_2040 = arith.addf %add3A_1933, %mul3A_2039 : vector<16xf32>
      %add3A_2041 = arith.constant 2 : i32
      %add3A_2042 = vector.broadcast %add3A_2041 : i32 to vector<16xi32>
      %add3A_2043 = arith.addi %mul3A_2028, %add3A_2042 : vector<16xi32>
      %gather3A_2044 = tpu.vector_load_idx %arg17[%add3A_2043] : memref<1280xf32, #tpu.memory_space<vmem>>[vector<16xi32>], vector<16xf32>,
      %mul3A_2045 = arith.mulf %gather3A_2025, %gather3A_2044 : vector<16xf32>
      %add3A_2046 = arith.addf %add3A_1939, %mul3A_2045 : vector<16xf32>
      %add3A_2047 = arith.constant 3 : i32
      %add3A_2048 = vector.broadcast %add3A_2047 : i32 to vector<16xi32>
      %add3A_2049 = arith.addi %mul3A_2028, %add3A_2048 : vector<16xi32>
      %gather3A_2050 = tpu.vector_load_idx %arg17[%add3A_2049] : memref<1280xf32, #tpu.memory_space<vmem>>[vector<16xi32>], vector<16xf32>,
      %mul3A_2051 = arith.mulf %gather3A_2025, %gather3A_2050 : vector<16xf32>
      %add3A_2052 = arith.addf %add3A_1945, %mul3A_2051 : vector<16xf32>
      %add3A_2053 = arith.constant 4 : i32
      %add3A_2054 = vector.broadcast %add3A_2053 : i32 to vector<16xi32>
      %add3A_2055 = arith.addi %mul3A_2028, %add3A_2054 : vector<16xi32>
      %gather3A_2056 = tpu.vector_load_idx %arg17[%add3A_2055] : memref<1280xf32, #tpu.memory_space<vmem>>[vector<16xi32>], vector<16xf32>,
      %mul3A_2057 = arith.mulf %gather3A_2025, %gather3A_2056 : vector<16xf32>
      %add3A_2058 = arith.addf %add3A_1951, %mul3A_2057 : vector<16xf32>
      %add3A_2059 = arith.constant 5 : i32
      %add3A_2060 = vector.broadcast %add3A_2059 : i32 to vector<16xi32>
      %add3A_2061 = arith.addi %mul3A_2028, %add3A_2060 : vector<16xi32>
      %gather3A_2062 = tpu.vector_load_idx %arg17[%add3A_2061] : memref<1280xf32, #tpu.memory_space<vmem>>[vector<16xi32>], vector<16xf32>,
      %mul3A_2063 = arith.mulf %gather3A_2025, %gather3A_2062 : vector<16xf32>
      %add3A_2064 = arith.addf %add3A_1957, %mul3A_2063 : vector<16xf32>
      %add3A_2065 = arith.constant 6 : i32
      %add3A_2066 = vector.broadcast %add3A_2065 : i32 to vector<16xi32>
      %add3A_2067 = arith.addi %mul3A_2028, %add3A_2066 : vector<16xi32>
      %gather3A_2068 = tpu.vector_load_idx %arg17[%add3A_2067] : memref<1280xf32, #tpu.memory_space<vmem>>[vector<16xi32>], vector<16xf32>,
      %mul3A_2069 = arith.mulf %gather3A_2025, %gather3A_2068 : vector<16xf32>
      %add3A_2070 = arith.addf %add3A_1963, %mul3A_2069 : vector<16xf32>
      %add3A_2071 = arith.constant 7 : i32
      %add3A_2072 = vector.broadcast %add3A_2071 : i32 to vector<16xi32>
      %add3A_2073 = arith.addi %mul3A_2028, %add3A_2072 : vector<16xi32>
      %gather3A_2074 = tpu.vector_load_idx %arg17[%add3A_2073] : memref<1280xf32, #tpu.memory_space<vmem>>[vector<16xi32>], vector<16xf32>,
      %mul3A_2075 = arith.mulf %gather3A_2025, %gather3A_2074 : vector<16xf32>
      %add3A_2076 = arith.addf %add3A_1969, %mul3A_2075 : vector<16xf32>
      %add3A_2077 = arith.constant 8 : i32
      %add3A_2078 = vector.broadcast %add3A_2077 : i32 to vector<16xi32>
      %add3A_2079 = arith.addi %mul3A_2028, %add3A_2078 : vector<16xi32>
      %gather3A_2080 = tpu.vector_load_idx %arg17[%add3A_2079] : memref<1280xf32, #tpu.memory_space<vmem>>[vector<16xi32>], vector<16xf32>,
      %mul3A_2081 = arith.mulf %gather3A_2025, %gather3A_2080 : vector<16xf32>
      %add3A_2082 = arith.addf %add3A_1975, %mul3A_2081 : vector<16xf32>
      %add3A_2083 = arith.constant 9 : i32
      %add3A_2084 = vector.broadcast %add3A_2083 : i32 to vector<16xi32>
      %add3A_2085 = arith.addi %mul3A_2028, %add3A_2084 : vector<16xi32>
      %gather3A_2086 = tpu.vector_load_idx %arg17[%add3A_2085] : memref<1280xf32, #tpu.memory_space<vmem>>[vector<16xi32>], vector<16xf32>,
      %mul3A_2087 = arith.mulf %gather3A_2025, %gather3A_2086 : vector<16xf32>
      %add3A_2088 = arith.addf %add3A_1981, %mul3A_2087 : vector<16xf32>
      %add3A_2089 = arith.constant 10 : i32
      %add3A_2090 = vector.broadcast %add3A_2089 : i32 to vector<16xi32>
      %add3A_2091 = arith.addi %mul3A_2028, %add3A_2090 : vector<16xi32>
      %gather3A_2092 = tpu.vector_load_idx %arg17[%add3A_2091] : memref<1280xf32, #tpu.memory_space<vmem>>[vector<16xi32>], vector<16xf32>,
      %mul3A_2093 = arith.mulf %gather3A_2025, %gather3A_2092 : vector<16xf32>
      %add3A_2094 = arith.addf %add3A_1987, %mul3A_2093 : vector<16xf32>
      %add3A_2095 = arith.constant 11 : i32
      %add3A_2096 = vector.broadcast %add3A_2095 : i32 to vector<16xi32>
      %add3A_2097 = arith.addi %mul3A_2028, %add3A_2096 : vector<16xi32>
      %gather3A_2098 = tpu.vector_load_idx %arg17[%add3A_2097] : memref<1280xf32, #tpu.memory_space<vmem>>[vector<16xi32>], vector<16xf32>,
      %mul3A_2099 = arith.mulf %gather3A_2025, %gather3A_2098 : vector<16xf32>
      %add3A_2100 = arith.addf %add3A_1993, %mul3A_2099 : vector<16xf32>
      %add3A_2101 = arith.constant 12 : i32
      %add3A_2102 = vector.broadcast %add3A_2101 : i32 to vector<16xi32>
      %add3A_2103 = arith.addi %mul3A_2028, %add3A_2102 : vector<16xi32>
      %gather3A_2104 = tpu.vector_load_idx %arg17[%add3A_2103] : memref<1280xf32, #tpu.memory_space<vmem>>[vector<16xi32>], vector<16xf32>,
      %mul3A_2105 = arith.mulf %gather3A_2025, %gather3A_2104 : vector<16xf32>
      %add3A_2106 = arith.addf %add3A_1999, %mul3A_2105 : vector<16xf32>
      %add3A_2107 = arith.constant 13 : i32
      %add3A_2108 = vector.broadcast %add3A_2107 : i32 to vector<16xi32>
      %add3A_2109 = arith.addi %mul3A_2028, %add3A_2108 : vector<16xi32>
      %gather3A_2110 = tpu.vector_load_idx %arg17[%add3A_2109] : memref<1280xf32, #tpu.memory_space<vmem>>[vector<16xi32>], vector<16xf32>,
      %mul3A_2111 = arith.mulf %gather3A_2025, %gather3A_2110 : vector<16xf32>
      %add3A_2112 = arith.addf %add3A_2005, %mul3A_2111 : vector<16xf32>
      %add3A_2113 = arith.constant 14 : i32
      %add3A_2114 = vector.broadcast %add3A_2113 : i32 to vector<16xi32>
      %add3A_2115 = arith.addi %mul3A_2028, %add3A_2114 : vector<16xi32>
      %gather3A_2116 = tpu.vector_load_idx %arg17[%add3A_2115] : memref<1280xf32, #tpu.memory_space<vmem>>[vector<16xi32>], vector<16xf32>,
      %mul3A_2117 = arith.mulf %gather3A_2025, %gather3A_2116 : vector<16xf32>
      %add3A_2118 = arith.addf %add3A_2011, %mul3A_2117 : vector<16xf32>
      %add3A_2119 = arith.constant 15 : i32
      %add3A_2120 = vector.broadcast %add3A_2119 : i32 to vector<16xi32>
      %add3A_2121 = arith.addi %mul3A_2028, %add3A_2120 : vector<16xi32>
      %gather3A_2122 = tpu.vector_load_idx %arg17[%add3A_2121] : memref<1280xf32, #tpu.memory_space<vmem>>[vector<16xi32>], vector<16xf32>,
      %mul3A_2123 = arith.mulf %gather3A_2025, %gather3A_2122 : vector<16xf32>
      %add3A_2124 = arith.addf %add3A_2017, %mul3A_2123 : vector<16xf32>
      %add3A_2125 = arith.constant 9 : i32
      %add3A_2126 = vector.broadcast %add3A_2125 : i32 to vector<16xi32>
      %add3A_2127 = arith.addi %mul3A_1177, %add3A_2126 : vector<16xi32>
      %gather3A_2128 = tpu.vector_load_idx %arg11[%add3A_2127] : memref<31360xi32, #tpu.memory_space<vmem>>[vector<16xi32>], vector<16xi32>,
      %add3A_2129 = arith.constant 9 : i32
      %add3A_2130 = vector.broadcast %add3A_2129 : i32 to vector<16xi32>
      %add3A_2131 = arith.addi %mul3A_1177, %add3A_2130 : vector<16xi32>
      %gather3A_2132 = tpu.vector_load_idx %arg12[%add3A_2131] : memref<31360xf32, #tpu.memory_space<vmem>>[vector<16xi32>], vector<16xf32>,
      %mul3A_2133 = arith.constant 16 : i32
      %mul3A_2134 = vector.broadcast %mul3A_2133 : i32 to vector<16xi32>
      %mul3A_2135 = arith.muli %gather3A_2128, %mul3A_2134 : vector<16xi32>
      %add3A_2136 = arith.constant 0 : i32
      %add3A_2137 = vector.broadcast %add3A_2136 : i32 to vector<16xi32>
      %add3A_2138 = arith.addi %mul3A_2135, %add3A_2137 : vector<16xi32>
      %gather3A_2139 = tpu.vector_load_idx %arg17[%add3A_2138] : memref<1280xf32, #tpu.memory_space<vmem>>[vector<16xi32>], vector<16xf32>,
      %mul3A_2140 = arith.mulf %gather3A_2132, %gather3A_2139 : vector<16xf32>
      %add3A_2141 = arith.addf %add3A_2034, %mul3A_2140 : vector<16xf32>
      %add3A_2142 = arith.constant 1 : i32
      %add3A_2143 = vector.broadcast %add3A_2142 : i32 to vector<16xi32>
      %add3A_2144 = arith.addi %mul3A_2135, %add3A_2143 : vector<16xi32>
      %gather3A_2145 = tpu.vector_load_idx %arg17[%add3A_2144] : memref<1280xf32, #tpu.memory_space<vmem>>[vector<16xi32>], vector<16xf32>,
      %mul3A_2146 = arith.mulf %gather3A_2132, %gather3A_2145 : vector<16xf32>
      %add3A_2147 = arith.addf %add3A_2040, %mul3A_2146 : vector<16xf32>
      %add3A_2148 = arith.constant 2 : i32
      %add3A_2149 = vector.broadcast %add3A_2148 : i32 to vector<16xi32>
      %add3A_2150 = arith.addi %mul3A_2135, %add3A_2149 : vector<16xi32>
      %gather3A_2151 = tpu.vector_load_idx %arg17[%add3A_2150] : memref<1280xf32, #tpu.memory_space<vmem>>[vector<16xi32>], vector<16xf32>,
      %mul3A_2152 = arith.mulf %gather3A_2132, %gather3A_2151 : vector<16xf32>
      %add3A_2153 = arith.addf %add3A_2046, %mul3A_2152 : vector<16xf32>
      %add3A_2154 = arith.constant 3 : i32
      %add3A_2155 = vector.broadcast %add3A_2154 : i32 to vector<16xi32>
      %add3A_2156 = arith.addi %mul3A_2135, %add3A_2155 : vector<16xi32>
      %gather3A_2157 = tpu.vector_load_idx %arg17[%add3A_2156] : memref<1280xf32, #tpu.memory_space<vmem>>[vector<16xi32>], vector<16xf32>,
      %mul3A_2158 = arith.mulf %gather3A_2132, %gather3A_2157 : vector<16xf32>
      %add3A_2159 = arith.addf %add3A_2052, %mul3A_2158 : vector<16xf32>
      %add3A_2160 = arith.constant 4 : i32
      %add3A_2161 = vector.broadcast %add3A_2160 : i32 to vector<16xi32>
      %add3A_2162 = arith.addi %mul3A_2135, %add3A_2161 : vector<16xi32>
      %gather3A_2163 = tpu.vector_load_idx %arg17[%add3A_2162] : memref<1280xf32, #tpu.memory_space<vmem>>[vector<16xi32>], vector<16xf32>,
      %mul3A_2164 = arith.mulf %gather3A_2132, %gather3A_2163 : vector<16xf32>
      %add3A_2165 = arith.addf %add3A_2058, %mul3A_2164 : vector<16xf32>
      %add3A_2166 = arith.constant 5 : i32
      %add3A_2167 = vector.broadcast %add3A_2166 : i32 to vector<16xi32>
      %add3A_2168 = arith.addi %mul3A_2135, %add3A_2167 : vector<16xi32>
      %gather3A_2169 = tpu.vector_load_idx %arg17[%add3A_2168] : memref<1280xf32, #tpu.memory_space<vmem>>[vector<16xi32>], vector<16xf32>,
      %mul3A_2170 = arith.mulf %gather3A_2132, %gather3A_2169 : vector<16xf32>
      %add3A_2171 = arith.addf %add3A_2064, %mul3A_2170 : vector<16xf32>
      %add3A_2172 = arith.constant 6 : i32
      %add3A_2173 = vector.broadcast %add3A_2172 : i32 to vector<16xi32>
      %add3A_2174 = arith.addi %mul3A_2135, %add3A_2173 : vector<16xi32>
      %gather3A_2175 = tpu.vector_load_idx %arg17[%add3A_2174] : memref<1280xf32, #tpu.memory_space<vmem>>[vector<16xi32>], vector<16xf32>,
      %mul3A_2176 = arith.mulf %gather3A_2132, %gather3A_2175 : vector<16xf32>
      %add3A_2177 = arith.addf %add3A_2070, %mul3A_2176 : vector<16xf32>
      %add3A_2178 = arith.constant 7 : i32
      %add3A_2179 = vector.broadcast %add3A_2178 : i32 to vector<16xi32>
      %add3A_2180 = arith.addi %mul3A_2135, %add3A_2179 : vector<16xi32>
      %gather3A_2181 = tpu.vector_load_idx %arg17[%add3A_2180] : memref<1280xf32, #tpu.memory_space<vmem>>[vector<16xi32>], vector<16xf32>,
      %mul3A_2182 = arith.mulf %gather3A_2132, %gather3A_2181 : vector<16xf32>
      %add3A_2183 = arith.addf %add3A_2076, %mul3A_2182 : vector<16xf32>
      %add3A_2184 = arith.constant 8 : i32
      %add3A_2185 = vector.broadcast %add3A_2184 : i32 to vector<16xi32>
      %add3A_2186 = arith.addi %mul3A_2135, %add3A_2185 : vector<16xi32>
      %gather3A_2187 = tpu.vector_load_idx %arg17[%add3A_2186] : memref<1280xf32, #tpu.memory_space<vmem>>[vector<16xi32>], vector<16xf32>,
      %mul3A_2188 = arith.mulf %gather3A_2132, %gather3A_2187 : vector<16xf32>
      %add3A_2189 = arith.addf %add3A_2082, %mul3A_2188 : vector<16xf32>
      %add3A_2190 = arith.constant 9 : i32
      %add3A_2191 = vector.broadcast %add3A_2190 : i32 to vector<16xi32>
      %add3A_2192 = arith.addi %mul3A_2135, %add3A_2191 : vector<16xi32>
      %gather3A_2193 = tpu.vector_load_idx %arg17[%add3A_2192] : memref<1280xf32, #tpu.memory_space<vmem>>[vector<16xi32>], vector<16xf32>,
      %mul3A_2194 = arith.mulf %gather3A_2132, %gather3A_2193 : vector<16xf32>
      %add3A_2195 = arith.addf %add3A_2088, %mul3A_2194 : vector<16xf32>
      %add3A_2196 = arith.constant 10 : i32
      %add3A_2197 = vector.broadcast %add3A_2196 : i32 to vector<16xi32>
      %add3A_2198 = arith.addi %mul3A_2135, %add3A_2197 : vector<16xi32>
      %gather3A_2199 = tpu.vector_load_idx %arg17[%add3A_2198] : memref<1280xf32, #tpu.memory_space<vmem>>[vector<16xi32>], vector<16xf32>,
      %mul3A_2200 = arith.mulf %gather3A_2132, %gather3A_2199 : vector<16xf32>
      %add3A_2201 = arith.addf %add3A_2094, %mul3A_2200 : vector<16xf32>
      %add3A_2202 = arith.constant 11 : i32
      %add3A_2203 = vector.broadcast %add3A_2202 : i32 to vector<16xi32>
      %add3A_2204 = arith.addi %mul3A_2135, %add3A_2203 : vector<16xi32>
      %gather3A_2205 = tpu.vector_load_idx %arg17[%add3A_2204] : memref<1280xf32, #tpu.memory_space<vmem>>[vector<16xi32>], vector<16xf32>,
      %mul3A_2206 = arith.mulf %gather3A_2132, %gather3A_2205 : vector<16xf32>
      %add3A_2207 = arith.addf %add3A_2100, %mul3A_2206 : vector<16xf32>
      %add3A_2208 = arith.constant 12 : i32
      %add3A_2209 = vector.broadcast %add3A_2208 : i32 to vector<16xi32>
      %add3A_2210 = arith.addi %mul3A_2135, %add3A_2209 : vector<16xi32>
      %gather3A_2211 = tpu.vector_load_idx %arg17[%add3A_2210] : memref<1280xf32, #tpu.memory_space<vmem>>[vector<16xi32>], vector<16xf32>,
      %mul3A_2212 = arith.mulf %gather3A_2132, %gather3A_2211 : vector<16xf32>
      %add3A_2213 = arith.addf %add3A_2106, %mul3A_2212 : vector<16xf32>
      %add3A_2214 = arith.constant 13 : i32
      %add3A_2215 = vector.broadcast %add3A_2214 : i32 to vector<16xi32>
      %add3A_2216 = arith.addi %mul3A_2135, %add3A_2215 : vector<16xi32>
      %gather3A_2217 = tpu.vector_load_idx %arg17[%add3A_2216] : memref<1280xf32, #tpu.memory_space<vmem>>[vector<16xi32>], vector<16xf32>,
      %mul3A_2218 = arith.mulf %gather3A_2132, %gather3A_2217 : vector<16xf32>
      %add3A_2219 = arith.addf %add3A_2112, %mul3A_2218 : vector<16xf32>
      %add3A_2220 = arith.constant 14 : i32
      %add3A_2221 = vector.broadcast %add3A_2220 : i32 to vector<16xi32>
      %add3A_2222 = arith.addi %mul3A_2135, %add3A_2221 : vector<16xi32>
      %gather3A_2223 = tpu.vector_load_idx %arg17[%add3A_2222] : memref<1280xf32, #tpu.memory_space<vmem>>[vector<16xi32>], vector<16xf32>,
      %mul3A_2224 = arith.mulf %gather3A_2132, %gather3A_2223 : vector<16xf32>
      %add3A_2225 = arith.addf %add3A_2118, %mul3A_2224 : vector<16xf32>
      %add3A_2226 = arith.constant 15 : i32
      %add3A_2227 = vector.broadcast %add3A_2226 : i32 to vector<16xi32>
      %add3A_2228 = arith.addi %mul3A_2135, %add3A_2227 : vector<16xi32>
      %gather3A_2229 = tpu.vector_load_idx %arg17[%add3A_2228] : memref<1280xf32, #tpu.memory_space<vmem>>[vector<16xi32>], vector<16xf32>,
      %mul3A_2230 = arith.mulf %gather3A_2132, %gather3A_2229 : vector<16xf32>
      %add3A_2231 = arith.addf %add3A_2124, %mul3A_2230 : vector<16xf32>
      %mul3A_2232 = arith.constant 3 : i32
      %mul3A_2233 = vector.broadcast %mul3A_2232 : i32 to vector<16xi32>
      %mul3A_2234 = arith.muli %add3A_1174, %mul3A_2233 : vector<16xi32>
      %mul3A_2235 = arith.constant 4 : i32
      %mul3A_2236 = vector.broadcast %mul3A_2235 : i32 to vector<16xi32>
      %mul3A_2237 = arith.muli %add3A_1174, %mul3A_2236 : vector<16xi32>
      %gather3A_2238 = tpu.vector_load_idx %arg13[%mul3A_2234] : memref<9408xf32, #tpu.memory_space<vmem>>[vector<16xi32>], vector<16xf32>,
      %add3A_2239 = arith.constant 1 : i32
      %add3A_2240 = vector.broadcast %add3A_2239 : i32 to vector<16xi32>
      %add3A_2241 = arith.addi %mul3A_2234, %add3A_2240 : vector<16xi32>
      %gather3A_2242 = tpu.vector_load_idx %arg13[%add3A_2241] : memref<9408xf32, #tpu.memory_space<vmem>>[vector<16xi32>], vector<16xf32>,
      %add3A_2243 = arith.constant 2 : i32
      %add3A_2244 = vector.broadcast %add3A_2243 : i32 to vector<16xi32>
      %add3A_2245 = arith.addi %mul3A_2234, %add3A_2244 : vector<16xi32>
      %gather3A_2246 = tpu.vector_load_idx %arg13[%add3A_2245] : memref<9408xf32, #tpu.memory_space<vmem>>[vector<16xi32>], vector<16xf32>,
      %mul3A_2247 = arith.mulf %add3A_2141, %gather3A_2238 : vector<16xf32>
      %mul3A_2248 = arith.mulf %add3A_2147, %gather3A_2242 : vector<16xf32>
      %add3A_2249 = arith.addf %mul3A_2247, %mul3A_2248 : vector<16xf32>
      %mul3A_2250 = arith.mulf %add3A_2153, %gather3A_2246 : vector<16xf32>
      %add3A_2251 = arith.addf %add3A_2249, %mul3A_2250 : vector<16xf32>
      %add3A_2252 = arith.addf %add3A_2251, %add3A_2195 : vector<16xf32>
      %mul3A_2253 = arith.mulf %add3A_2159, %gather3A_2238 : vector<16xf32>
      %mul3A_2254 = arith.mulf %add3A_2165, %gather3A_2242 : vector<16xf32>
      %add3A_2255 = arith.addf %mul3A_2253, %mul3A_2254 : vector<16xf32>
      %mul3A_2256 = arith.mulf %add3A_2171, %gather3A_2246 : vector<16xf32>
      %add3A_2257 = arith.addf %add3A_2255, %mul3A_2256 : vector<16xf32>
      %add3A_2258 = arith.addf %add3A_2257, %add3A_2201 : vector<16xf32>
      %mul3A_2259 = arith.mulf %add3A_2177, %gather3A_2238 : vector<16xf32>
      %mul3A_2260 = arith.mulf %add3A_2183, %gather3A_2242 : vector<16xf32>
      %add3A_2261 = arith.addf %mul3A_2259, %mul3A_2260 : vector<16xf32>
      %mul3A_2262 = arith.mulf %add3A_2189, %gather3A_2246 : vector<16xf32>
      %add3A_2263 = arith.addf %add3A_2261, %mul3A_2262 : vector<16xf32>
      %add3A_2264 = arith.addf %add3A_2263, %add3A_2207 : vector<16xf32>
      tpu.vector_store_idx %arg15[%mul3A_2234], %add3A_2252 : memref<9408xf32, #tpu.memory_space<vmem>>[vector<16xi32>], vector<16xf32>,
      %add3A_2265 = arith.constant 1 : i32
      %add3A_2266 = vector.broadcast %add3A_2265 : i32 to vector<16xi32>
      %add3A_2267 = arith.addi %mul3A_2234, %add3A_2266 : vector<16xi32>
      tpu.vector_store_idx %arg15[%add3A_2267], %add3A_2258 : memref<9408xf32, #tpu.memory_space<vmem>>[vector<16xi32>], vector<16xf32>,
      %add3A_2268 = arith.constant 2 : i32
      %add3A_2269 = vector.broadcast %add3A_2268 : i32 to vector<16xi32>
      %add3A_2270 = arith.addi %mul3A_2234, %add3A_2269 : vector<16xi32>
      tpu.vector_store_idx %arg15[%add3A_2270], %add3A_2264 : memref<9408xf32, #tpu.memory_space<vmem>>[vector<16xi32>], vector<16xf32>,
      %mul3A_2271 = arith.mulf %add3A_2213, %add3A_2213 : vector<16xf32>
      %mul3A_2272 = arith.mulf %add3A_2219, %add3A_2219 : vector<16xf32>
      %add3A_2273 = arith.addf %mul3A_2271, %mul3A_2272 : vector<16xf32>
      %mul3A_2274 = arith.mulf %add3A_2225, %add3A_2225 : vector<16xf32>
      %add3A_2275 = arith.addf %add3A_2273, %mul3A_2274 : vector<16xf32>
      %mul3A_2276 = arith.mulf %add3A_2231, %add3A_2231 : vector<16xf32>
      %add3A_2277 = arith.addf %add3A_2275, %mul3A_2276 : vector<16xf32>
      %max3A_2278 = arith.constant 1.000000e-30 : f32
      %max3A_2279 = vector.broadcast %max3A_2278 : f32 to vector<16xf32>
      %max3A_2280 = arith.maximumf %add3A_2277, %max3A_2279 : vector<16xf32>
      %bitcast3A_2281 = vector.bitcast %max3A_2280 : vector<16xf32> to vector<16xi32>
      %shift_right_arithmetic3A_2282 = arith.constant 1 : i32
      %shift_right_arithmetic3A_2283 = vector.broadcast %shift_right_arithmetic3A_2282 : i32 to vector<16xi32>
      %shift_right_arithmetic3A_2284 = arith.shrsi %bitcast3A_2281, %shift_right_arithmetic3A_2283 : vector<16xi32>
      %sub3A_2285 = arith.constant 1597463007 : i32
      %sub3A_2286 = vector.broadcast %sub3A_2285 : i32 to vector<16xi32>
      %sub3A_2287 = arith.subi %sub3A_2286, %shift_right_arithmetic3A_2284 : vector<16xi32>
      %bitcast3A_2288 = vector.bitcast %sub3A_2287 : vector<16xi32> to vector<16xf32>
      %mul3A_2289 = arith.constant 5.000000e-01 : f32
      %mul3A_2290 = vector.broadcast %mul3A_2289 : f32 to vector<16xf32>
      %mul3A_2291 = arith.mulf %mul3A_2290, %max3A_2280 : vector<16xf32>
      %mul3A_2292 = arith.mulf %mul3A_2291, %bitcast3A_2288 : vector<16xf32>
      %mul3A_2293 = arith.mulf %mul3A_2292, %bitcast3A_2288 : vector<16xf32>
      %sub3A_2294 = arith.constant 1.500000e+00 : f32
      %sub3A_2295 = vector.broadcast %sub3A_2294 : f32 to vector<16xf32>
      %sub3A_2296 = arith.subf %sub3A_2295, %mul3A_2293 : vector<16xf32>
      %mul3A_2297 = arith.mulf %bitcast3A_2288, %sub3A_2296 : vector<16xf32>
      %mul3A_2298 = arith.constant 5.000000e-01 : f32
      %mul3A_2299 = vector.broadcast %mul3A_2298 : f32 to vector<16xf32>
      %mul3A_2300 = arith.mulf %mul3A_2299, %max3A_2280 : vector<16xf32>
      %mul3A_2301 = arith.mulf %mul3A_2300, %mul3A_2297 : vector<16xf32>
      %mul3A_2302 = arith.mulf %mul3A_2301, %mul3A_2297 : vector<16xf32>
      %sub3A_2303 = arith.constant 1.500000e+00 : f32
      %sub3A_2304 = vector.broadcast %sub3A_2303 : f32 to vector<16xf32>
      %sub3A_2305 = arith.subf %sub3A_2304, %mul3A_2302 : vector<16xf32>
      %mul3A_2306 = arith.mulf %mul3A_2297, %sub3A_2305 : vector<16xf32>
      %mul3A_2307 = arith.constant 5.000000e-01 : f32
      %mul3A_2308 = vector.broadcast %mul3A_2307 : f32 to vector<16xf32>
      %mul3A_2309 = arith.mulf %mul3A_2308, %max3A_2280 : vector<16xf32>
      %mul3A_2310 = arith.mulf %mul3A_2309, %mul3A_2306 : vector<16xf32>
      %mul3A_2311 = arith.mulf %mul3A_2310, %mul3A_2306 : vector<16xf32>
      %sub3A_2312 = arith.constant 1.500000e+00 : f32
      %sub3A_2313 = vector.broadcast %sub3A_2312 : f32 to vector<16xf32>
      %sub3A_2314 = arith.subf %sub3A_2313, %mul3A_2311 : vector<16xf32>
      %mul3A_2315 = arith.mulf %mul3A_2306, %sub3A_2314 : vector<16xf32>
      %mul3A_2316 = arith.mulf %add3A_2277, %mul3A_2315 : vector<16xf32>
      %add3A_2317 = arith.constant 9.99999993E-9 : f32
      %add3A_2318 = vector.broadcast %add3A_2317 : f32 to vector<16xf32>
      %add3A_2319 = arith.addf %mul3A_2316, %add3A_2318 : vector<16xf32>
      %div3A_2320 = arith.constant 1.000000e+00 : f32
      %div3A_2321 = vector.broadcast %div3A_2320 : f32 to vector<16xf32>
      %div3A_2322 = arith.divf %div3A_2321, %add3A_2319 : vector<16xf32>
      %mul3A_2323 = arith.mulf %add3A_2213, %div3A_2322 : vector<16xf32>
      %mul3A_2324 = arith.mulf %add3A_2219, %div3A_2322 : vector<16xf32>
      %mul3A_2325 = arith.mulf %add3A_2225, %div3A_2322 : vector<16xf32>
      %mul3A_2326 = arith.mulf %add3A_2231, %div3A_2322 : vector<16xf32>
      %gather3A_2327 = tpu.vector_load_idx %arg14[%mul3A_2237] : memref<12544xf32, #tpu.memory_space<vmem>>[vector<16xi32>], vector<16xf32>,
      %add3A_2328 = arith.constant 1 : i32
      %add3A_2329 = vector.broadcast %add3A_2328 : i32 to vector<16xi32>
      %add3A_2330 = arith.addi %mul3A_2237, %add3A_2329 : vector<16xi32>
      %gather3A_2331 = tpu.vector_load_idx %arg14[%add3A_2330] : memref<12544xf32, #tpu.memory_space<vmem>>[vector<16xi32>], vector<16xf32>,
      %add3A_2332 = arith.constant 2 : i32
      %add3A_2333 = vector.broadcast %add3A_2332 : i32 to vector<16xi32>
      %add3A_2334 = arith.addi %mul3A_2237, %add3A_2333 : vector<16xi32>
      %gather3A_2335 = tpu.vector_load_idx %arg14[%add3A_2334] : memref<12544xf32, #tpu.memory_space<vmem>>[vector<16xi32>], vector<16xf32>,
      %add3A_2336 = arith.constant 3 : i32
      %add3A_2337 = vector.broadcast %add3A_2336 : i32 to vector<16xi32>
      %add3A_2338 = arith.addi %mul3A_2237, %add3A_2337 : vector<16xi32>
      %gather3A_2339 = tpu.vector_load_idx %arg14[%add3A_2338] : memref<12544xf32, #tpu.memory_space<vmem>>[vector<16xi32>], vector<16xf32>,
      %mul3A_2340 = arith.mulf %mul3A_2323, %gather3A_2327 : vector<16xf32>
      %mul3A_2341 = arith.mulf %mul3A_2324, %gather3A_2331 : vector<16xf32>
      %sub3A_2342 = arith.subf %mul3A_2340, %mul3A_2341 : vector<16xf32>
      %mul3A_2343 = arith.mulf %mul3A_2325, %gather3A_2335 : vector<16xf32>
      %sub3A_2344 = arith.subf %sub3A_2342, %mul3A_2343 : vector<16xf32>
      %mul3A_2345 = arith.mulf %mul3A_2326, %gather3A_2339 : vector<16xf32>
      %sub3A_2346 = arith.subf %sub3A_2344, %mul3A_2345 : vector<16xf32>
      %mul3A_2347 = arith.mulf %mul3A_2323, %gather3A_2331 : vector<16xf32>
      %mul3A_2348 = arith.mulf %mul3A_2324, %gather3A_2327 : vector<16xf32>
      %add3A_2349 = arith.addf %mul3A_2347, %mul3A_2348 : vector<16xf32>
      %mul3A_2350 = arith.mulf %mul3A_2325, %gather3A_2339 : vector<16xf32>
      %add3A_2351 = arith.addf %add3A_2349, %mul3A_2350 : vector<16xf32>
      %mul3A_2352 = arith.mulf %mul3A_2326, %gather3A_2335 : vector<16xf32>
      %sub3A_2353 = arith.subf %add3A_2351, %mul3A_2352 : vector<16xf32>
      %mul3A_2354 = arith.mulf %mul3A_2323, %gather3A_2335 : vector<16xf32>
      %mul3A_2355 = arith.mulf %mul3A_2324, %gather3A_2339 : vector<16xf32>
      %sub3A_2356 = arith.subf %mul3A_2354, %mul3A_2355 : vector<16xf32>
      %mul3A_2357 = arith.mulf %mul3A_2325, %gather3A_2327 : vector<16xf32>
      %add3A_2358 = arith.addf %sub3A_2356, %mul3A_2357 : vector<16xf32>
      %mul3A_2359 = arith.mulf %mul3A_2326, %gather3A_2331 : vector<16xf32>
      %add3A_2360 = arith.addf %add3A_2358, %mul3A_2359 : vector<16xf32>
      %mul3A_2361 = arith.mulf %mul3A_2323, %gather3A_2339 : vector<16xf32>
      %mul3A_2362 = arith.mulf %mul3A_2324, %gather3A_2335 : vector<16xf32>
      %add3A_2363 = arith.addf %mul3A_2361, %mul3A_2362 : vector<16xf32>
      %mul3A_2364 = arith.mulf %mul3A_2325, %gather3A_2331 : vector<16xf32>
      %sub3A_2365 = arith.subf %add3A_2363, %mul3A_2364 : vector<16xf32>
      %mul3A_2366 = arith.mulf %mul3A_2326, %gather3A_2327 : vector<16xf32>
      %add3A_2367 = arith.addf %sub3A_2365, %mul3A_2366 : vector<16xf32>
      tpu.vector_store_idx %arg16[%mul3A_2237], %sub3A_2346 : memref<12544xf32, #tpu.memory_space<vmem>>[vector<16xi32>], vector<16xf32>,
      %add3A_2368 = arith.constant 1 : i32
      %add3A_2369 = vector.broadcast %add3A_2368 : i32 to vector<16xi32>
      %add3A_2370 = arith.addi %mul3A_2237, %add3A_2369 : vector<16xi32>
      tpu.vector_store_idx %arg16[%add3A_2370], %sub3A_2353 : memref<12544xf32, #tpu.memory_space<vmem>>[vector<16xi32>], vector<16xf32>,
      %add3A_2371 = arith.constant 2 : i32
      %add3A_2372 = vector.broadcast %add3A_2371 : i32 to vector<16xi32>
      %add3A_2373 = arith.addi %mul3A_2237, %add3A_2372 : vector<16xi32>
      tpu.vector_store_idx %arg16[%add3A_2373], %add3A_2360 : memref<12544xf32, #tpu.memory_space<vmem>>[vector<16xi32>], vector<16xf32>,
      %add3A_2374 = arith.constant 3 : i32
      %add3A_2375 = vector.broadcast %add3A_2374 : i32 to vector<16xi32>
      %add3A_2376 = arith.addi %mul3A_2237, %add3A_2375 : vector<16xi32>
      tpu.vector_store_idx %arg16[%add3A_2376], %add3A_2367 : memref<12544xf32, #tpu.memory_space<vmem>>[vector<16xi32>], vector<16xf32>,
    }
    %scan3A_1165 = arith.constant 196 : i32
    %mul3A_1166 = arith.constant 3 : i32
    %mul3A_1167 = arith.muli %min3A_3, %mul3A_1166 : i32
    "tpu.region"() ({
      %run_scoped3A = tpu.sem_alloc : memref<!tpu.dma_semaphore, #tpu.memory_space<semaphore_mem>>
      %dma_start3A = tpu.memref_slice %arg9[%mul3A_1167] : memref<300000xf32, #tpu.memory_space<hbm>> -> memref<9408xf32, #tpu.memory_space<hbm>>
      %dma_start3A_1170 = tpu.memref_slice %arg9[%mul3A_1167] : memref<300000xf32, #tpu.memory_space<hbm>> -> memref<9408xf32, #tpu.memory_space<hbm>>
      tpu.enqueue_dma source(%arg15 : memref<9408xf32, #tpu.memory_space<vmem>>) target(%dma_start3A_1170 : memref<9408xf32, #tpu.memory_space<hbm>>) target_semaphore(%run_scoped3A : memref<!tpu.dma_semaphore, #tpu.memory_space<semaphore_mem>>)
      %dma_wait3A = tpu.memref_slice %arg9[%mul3A_1167] : memref<300000xf32, #tpu.memory_space<hbm>> -> memref<9408xf32, #tpu.memory_space<hbm>>
      %dma_wait3A_1171 = tpu.memref_slice %arg9[%mul3A_1167] : memref<300000xf32, #tpu.memory_space<hbm>> -> memref<9408xf32, #tpu.memory_space<hbm>>
      tpu.wait_dma2 semaphore(%run_scoped3A : memref<!tpu.dma_semaphore, #tpu.memory_space<semaphore_mem>>) src(%arg15 : memref<9408xf32, #tpu.memory_space<vmem>>) dst(%dma_wait3A_1171 : memref<9408xf32, #tpu.memory_space<hbm>>)
      tpu.yield
    }) : () -> ()
    %mul3A_1168 = arith.constant 4 : i32
    %mul3A_1169 = arith.muli %min3A_3, %mul3A_1168 : i32
    "tpu.region"() ({
      %run_scoped3A = tpu.sem_alloc : memref<!tpu.dma_semaphore, #tpu.memory_space<semaphore_mem>>
      %dma_start3A = tpu.memref_slice %arg10[%mul3A_1169] : memref<400000xf32, #tpu.memory_space<hbm>> -> memref<12544xf32, #tpu.memory_space<hbm>>
      %dma_start3A_1170 = tpu.memref_slice %arg10[%mul3A_1169] : memref<400000xf32, #tpu.memory_space<hbm>> -> memref<12544xf32, #tpu.memory_space<hbm>>
      tpu.enqueue_dma source(%arg16 : memref<12544xf32, #tpu.memory_space<vmem>>) target(%dma_start3A_1170 : memref<12544xf32, #tpu.memory_space<hbm>>) target_semaphore(%run_scoped3A : memref<!tpu.dma_semaphore, #tpu.memory_space<semaphore_mem>>)
      %dma_wait3A = tpu.memref_slice %arg10[%mul3A_1169] : memref<400000xf32, #tpu.memory_space<hbm>> -> memref<12544xf32, #tpu.memory_space<hbm>>
      %dma_wait3A_1171 = tpu.memref_slice %arg10[%mul3A_1169] : memref<400000xf32, #tpu.memory_space<hbm>> -> memref<12544xf32, #tpu.memory_space<hbm>>
      tpu.wait_dma2 semaphore(%run_scoped3A : memref<!tpu.dma_semaphore, #tpu.memory_space<semaphore_mem>>) src(%arg16 : memref<12544xf32, #tpu.memory_space<vmem>>) dst(%dma_wait3A_1171 : memref<12544xf32, #tpu.memory_space<hbm>>)
      tpu.yield
    }) : () -> ()
    return
  }
}

</mosaic_0001>

<sc_bundles>
// kernel: kernel.3.cloned.1.call-start
scs
__scs_entry_jumppad:
0x0: {  	(pc) =	sbr.rel $0x88, $3  }
0x1: {  	(tag) =	ssettag $0x0;
	lr =	simm.s32 $0x1  }
0x2: {  	[smem:$0x3F9A] =	sst lr;
	_ =	strace $0xD0000000  }
0x3: {  	_ = 	snop  }
0x4: {  	_ = 	snop  }
0x5: {  	_ = 	snop  }
0x6: {  	_ = 	snop  }
0x7: {  	_ = 	snop  }
__scs_overlays_trampoline_lowered:
0x8: {  	[smem:$0x3FA9] =	sst s0  }
0x9: {  	[smem:$0x3FAA] =	sst s1  }
0xa: {  	[smem:$0x3FAB] =	sst s2  }
0xb: {  	[smem:$0x3FAC] =	sst s3  }
0xc: {  	[smem:$0x3FAD] =	sst s4  }
0xd: {  	[smem:$0x3FAE] =	sst s5  }
0xe: {  	[smem:$0x3FAF] =	sst s6  }
0xf: {  	[smem:$0x3FB0] =	sst s7  }
0x10: {  	[smem:$0x3FB1] =	sst s8  }
0x11: {  	[smem:$0x3FB2] =	sst s9;
	s0 =	simm.s32 @!p0 $0x0  }
0x12: {  	s1 =	sld [smem:$0x3F98];
	s0 =	simm.s32 @p0 $0x1  }
0x13: {  	[smem:$0x3FB3] =	sst s0;
	s0 =	simm.s32 @!p1 $0x0  }
0x14: {  	s2 =	sld [smem:$0x3F97];
	s0 =	simm.s32 @p1 $0x1  }
0x15: {  	[smem:$0x3FB4] =	sst s0;
	s0 =	simm.s32 @!p2 $0x0  }
0x16: {  	s3 =	sld [smem:$0x3FDB];
	s0 =	simm.s32 @p2 $0x1  }
0x17: {  	s4 =	simm.s32 $0x1BF5;
	[smem:$0x3FB6] =	sst s0  }
0x18: {  	s0 =	sld [smem:$0x3F99];
	_ =	swait.ge [sflag:s4], $0x0  }
0x19: {  	s7 =	sld [smem:$0x3F9A]  }
0x1a: {  	s8 =	sadd.s32 $0xFFFFE003, lr  }
0x1b: {  	s9 =	sadd.s32 $0xFFFFFEF7, lr;
	s5 =	simm.s32 $0xFFFFFFFF;
	p2 =	slt.u32 s8, $0xFFFFF086  }
0x1c: {  	p1 =	slt.u32 s9, $0xF7A;
	s5 =	simm.s32 @!p2 $0x0  }
0x1d: {  	s5 =	simm.s32 @p1 $0x1;
	p0 =	seq.s32 s7, s2  }
0x1e: {  	s7 =	smul.u32 @!p0 $0xF7A, s2;
	p2 =	seq.s32 @!p0 s5, $0x0  }
0x1f: {  	s9 =	smul.u32 $0xF7A, s1;
	s8 =	simm.s32 @!p0 $0x1BF5;
	p2 =	por !p2, p0  }
0x20: {  	[sflag:s8] =	ssyncset.s32 @!p0 $0xFFFFF086;
	s6 =	sadd.s32 @!p0 s3, s7;
	s7 =	simm.s32 @!p0 $0x108  }
0x21: {  	s3 =	sadd.s32 s3, s9;
	s6 =	sadd.s32 @!p0 $0x88, s6;
	s7 =	simm.s32 @p2 $0x1082  }
0x22: {  	[simem:s7], [sflag:s8] =	dma.local @!p0 [hbm:s6], $0xF7A  }
0x23: {  	s9 =	sor.u32 $0xD0000000, s2;
	s6 =	simm.s32 $0x108;
	_ =	swait.ge @!p0 [sflag:s8], $0x0  }
0x24: {  	s3 =	sadd.s32 $0x88, s3;
	s6 =	simm.s32 @!p1 $0x1082;
	[sflag:s4] =	ssyncset.s32 $0xFFFFF086  }
0x25: {  	[simem:s6], [sflag:s4] =	dma.local [hbm:s3], $0xF7A  }
0x26: {  	[smem:$0x3F9A] =	sst s1;
	(tag) =	ssettag s2;
	_ =	strace s9  }
0x27: {  	s1 =	sld [smem:$0x3FAA]  }
0x28: {  	s2 =	sld [smem:$0x3FAB]  }
0x29: {  	s4 =	sld [smem:$0x3FAD]  }
0x2a: {  	p0 =	seq.s32 s5, $0x0;
	s5 =	sld [smem:$0x3FAE]  }
0x2b: {  	s6 =	sld [smem:$0x3FAF]  }
0x2c: {  	s7 =	sld [smem:$0x3FB0]  }
0x2d: {  	s3 =	simm.s32 $0x108;
	s8 =	sld [smem:$0x3FB1]  }
0x2e: {  	s3 =	simm.s32 @!p0 $0x1082;
	s9 =	sld [smem:$0x3FB2]  }
0x2f: {  	lr =	sadd.s32 s0, s3;
	s0 =	sld [smem:$0x3FA9]  }
0x30: {  	s3 =	sld [smem:$0x3FAC]  }
0x31: {  	[smem:$0x3FB5] =	sst s10  }
0x32: {  	s10 =	sld [smem:$0x3FB3];
	_ =	sdelay $0x3  }
0x33: {  	p0 =	seq.s32 s10, $0x1;
	s10 =	sld [smem:$0x3FB5];
	_ =	sdelay $0x3  }
0x34: {  	[smem:$0x3FB5] =	sst s10  }
0x35: {  	s10 =	sld [smem:$0x3FB4];
	_ =	sdelay $0x3  }
0x36: {  	p1 =	seq.s32 s10, $0x1;
	s10 =	sld [smem:$0x3FB5];
	_ =	sdelay $0x3  }
0x37: {  	[smem:$0x3FB5] =	sst s10  }
0x38: {  	s10 =	sld [smem:$0x3FB6]  }
0x39: {  	_ = 	snop;
	(pc) =	sbr.ind lr, $3  }
0x3a: {  	_ = 	snop  }
0x3b: {  	_ = 	snop  }
0x3c: {  	p2 =	seq.s32 s10, $0x1;
	s10 =	sld [smem:$0x3FB5]  }
0x3d: {  	_ =	shalt  }
0x3e: {  	_ =	shalt  }
0x3f: {  	_ =	shalt  }
0x40: {  	_ =	shalt  }
0x41: {  	_ =	shalt  }
0x42: {  	_ =	shalt  }
0x43: {  	_ =	shalt  }
0x44: {  	_ =	shalt  }
0x45: {  	_ =	shalt  }
0x46: {  	_ =	shalt  }
0x47: {  	_ =	shalt  }
0x48: {  	_ =	shalt  }
0x49: {  	_ =	shalt  }
0x4a: {  	_ =	shalt  }
0x4b: {  	_ =	shalt  }
0x4c: {  	_ =	shalt  }
0x4d: {  	_ =	shalt  }
0x4e: {  	_ =	shalt  }
0x4f: {  	_ =	shalt  }
0x50: {  	_ =	shalt  }
0x51: {  	_ =	shalt  }
0x52: {  	_ =	shalt  }
0x53: {  	_ =	shalt  }
0x54: {  	_ =	shalt  }
0x55: {  	_ =	shalt  }
0x56: {  	_ =	shalt  }
0x57: {  	_ =	shalt  }
0x58: {  	_ =	shalt  }
0x59: {  	_ =	shalt  }
0x5a: {  	_ =	shalt  }
0x5b: {  	_ =	shalt  }
0x5c: {  	_ =	shalt  }
0x5d: {  	_ =	shalt  }
0x5e: {  	_ =	shalt  }
0x5f: {  	_ =	shalt  }
0x60: {  	_ =	shalt  }
0x61: {  	_ =	shalt  }
0x62: {  	_ =	shalt  }
0x63: {  	_ =	shalt  }
0x64: {  	_ =	shalt  }
0x65: {  	_ =	shalt  }
0x66: {  	_ =	shalt  }
0x67: {  	_ =	shalt  }
0x68: {  	_ =	shalt  }
0x69: {  	_ =	shalt  }
0x6a: {  	_ =	shalt  }
0x6b: {  	_ =	shalt  }
0x6c: {  	_ =	shalt  }
0x6d: {  	_ =	shalt  }
0x6e: {  	_ =	shalt  }
0x6f: {  	_ =	shalt  }
0x70: {  	_ =	shalt  }
0x71: {  	_ =	shalt  }
0x72: {  	_ =	shalt  }
0x73: {  	_ =	shalt  }
0x74: {  	_ =	shalt  }
0x75: {  	_ =	shalt  }
0x76: {  	_ =	shalt  }
0x77: {  	_ =	shalt  }
0x78: {  	_ =	shalt  }
0x79: {  	_ =	shalt  }
0x7a: {  	_ =	shalt  }
0x7b: {  	_ =	shalt  }
0x7c: {  	_ =	shalt  }
0x7d: {  	_ =	shalt  }
0x7e: {  	_ =	shalt  }
0x7f: {  	_ =	shalt  }
0x80: {  	_ =	shalt  }
0x81: {  	_ =	shalt  }
0x82: {  	_ =	shalt  }
0x83: {  	_ =	shalt  }
0x84: {  	_ =	shalt  }
0x85: {  	_ =	shalt  }
0x86: {  	_ =	shalt  }
0x87: {  	_ =	shalt  }
.Lfunc_end0:
.L_simem_size_0:
called_computation_lowered:
.L_overlay_start_0:
0x88: {  	s2 =	sld [smem:$0x3FD9]  }
0x89: {  	s3 =	sld [smem:$0x3FFE];
	_ =	sdelay $0x1  }
0x8a: {  	s1 =	srdreg.scid  }
0x8b: {  	s0 =	sand.u32 $0x1, s1  }
0x8c: {  	s14 =	sshll.u32 s0, $0xA;
	s2 =	sadd.s32 s3, s2  }
0x8d: {  	s2 =	sadd.s32 s2, s14  }
0x8e: {  	[smem:$0x3FC1] =	sst s2  }
0x8f: {  	_ = 	snop  }
0x90: {  	s2 =	sld [smem:$0x3FD0];
	_ =	sdelay $0x2  }
0x91: {  	s15 =	simm.s32 $0xA;
	s4 =	simm.s32 $0x10  }
0x92: {  	[smem:s4], [sflag:s15] =	dma.local [hbm:s2], $0x1  }
0x93: {  	_ =	swait.eq [sflag:s15], $0x1  }
0x94: {  	[sflag:s15] =	ssyncset.done $0x0  }
0x95: {  	s16 =	sld [smem:$0x10];
	[sflag:s15] =	ssyncadd.s32 $0xFFFFFFFF  }
0x96: {  	s17 =	sld [smem:$0x11];
	(tm) =	ssettm $0x1  }
0x97: {  	s18 =	sld [smem:$0x3FFB];
	_ =	sdelay $0x3  }
0x98: {  	_ =	strace s18  }
0x99: {  	s4 =	sld [smem:$0x3FFC];
	_ =	sdelay $0x3  }
0x9a: {  	_ =	strace s4  }
0x9b: {  	s4 =	sld [smem:$0x3FFD];
	_ =	sdelay $0x3  }
0x9c: {  	_ =	strace s4  }
0x9d: {  	_ =	strace $0x8FFFFFFF  }
0x9e: {  	s19 =	sld [smem:$0x3FDB];
	_ =	sdelay $0x1  }
0x9f: {  	s5 =	simm.s32 $_scs_section_size  }
0xa0: {  	s6 =	simm.s32 $_size__tile_overlayer_lowered;
	s7 =	simm.s32 $_tile_overlayer_lowered  }
0xa1: {  	s22 =	simm.s32 $0x1BFF;
	s21 =	sshll.u32 s7, $0x1;
	s4 =	sadd.s32 s5, s19  }
0xa2: {  	s8 =	simm.s32 $0x0;
	s20 =	sshll.u32 s6, $0x1;
	s6 =	sadd.s32 s21, s4  }
0xa3: {  	[timem:s8], [sflag:s22] =	dma.local [hbm:s6], s20  }
0xa4: {  	_ =	swait.ge [sflag:s22], s20  }
0xa5: {  	s5 =	ssub.s32 $0x0, s20;
	[sflag:s22] =	ssyncset.done $0x0  }
0xa6: {  	[sflag:s22] =	ssyncadd.s32 s5;
	_ =	sdelay $0x1  }
0xa7: {  	s23 =	simm.s32 $0x1B8B  }
0xa8: {  	_ =	swait.ge [sflag:s23], $0x1  }
0xa9: {  	[sflag:s23] =	ssyncset.done $0x0  }
0xaa: {  	s25 =	simm.s32 $0x1B8E;
	s24 =	sld [smem:$0x3FFE];
	[sflag:s23] =	ssyncadd.s32 $0xFFFFFFFF  }
0xab: {  	s26 =	simm.s32 $execute0_lowered;
	[smem:$0x3FD2] =	sst s25  }
0xac: {  	s6 =	sshll.u32 s26, $0x1;
	_ =	strace $0x80000046;
	[dreg:$0x1] =	wrdreg $0xFFFFFFFF  }
0xad: {  	s28 =	simm.s32 $_size_execute0_lowered;
	s4 =	sadd.s32 s4, s6;
	[dreg:$0x0] =	wrdreg $0x0  }
0xae: {  	s6 =	sshll.u32 s28, $0x1;
	[dreg:$0x2] =	wrdreg s4  }
0xaf: {  	[dreg:$0x3] =	wrdreg s6  }
0xb0: {  	[dreg:$0x4] =	wrdreg $0xC0  }
0xb1: {  	_ =	task [dreg:s8], $0x5FFFF  }
0xb2: {  	[dreg:$0x1] =	wrdreg $0xFFFFFFFF  }
0xb3: {  	[dreg:$0x0] =	wrdreg $0x60  }
0xb4: {  	[dreg:$0x2] =	wrdreg s16  }
0xb5: {  	[dreg:$0x3] =	wrdreg s17  }
0xb6: {  	[dreg:$0x4] =	wrdreg s24  }
0xb7: {  	[dreg:$0x5] =	wrdreg $0x9  }
0xb8: {  	_ =	task.clear_ibuf [dreg:s8], $0x6FFFF;
	_ =	strace $0x90000046  }
0xb9: {  	s29 =	simm.s32 $0x9;
	_ =	strace $0x80000048  }
0xba: {  	_ =	swait.ge [sflag:s29], $0x1  }
0xbb: {  	[sflag:s29] =	ssyncadd.s32 $0xFFFFFFFF  }
0xbc: {  	_ =	strace $0x90000048  }
0xbd: {  	_ =	sfence  }
0xbe: {  	s30 =	sld [smem:$0x0];
	_ =	sdelay $0x2  }
0xbf: {  	s31 =	sshll.u32 s1, $0xD;
	s1 =	sshrl.u32 s1, $0x2  }
0xc0: {  	s3 =	sand.u32 $0x4000, s31;
	s1 =	sadd.s32 s1, s30  }
0xc1: {  	s0 =	sor.u32 s3, s0;
	s1 =	sshll.u32 s1, $0x11  }
0xc2: {  	s0 =	sor.u32 s1, s0  }
0xc3: {  	s0 =	sadd.s32 $0x8F2B, s0  }
0xc4: {  	[sflag:s0] =	ssyncadd.remote.s32 $0x1  }
0xc5: {  	_ =	sfence.sel $0xFFFF  }
0xc6: {  	[dreg:$0x0] =	wrdreg $0xFFFFFFFF;
	(pc) =	sbr.abs _section_cstart, $3  }
0xc7: {  	[dreg:$0x1] =	wrdreg $0xFFFFFFFF  }
0xc8: {  	_ =	task.clear_ibuf [dreg:s8], $0x2FFFF;
	_ =	strace $0x9FFFFFFF  }
0xc9: {  	(tm) =	ssettm $0x7FFFFFFF  }
tec
execute0_lowered:
.L_overlay_start_1:
0x0: {  	(tag) =	ssettag $0x1  }
0x1: {  	v0 =	vlaneseq.u32  }
0x2: {  	v1 =	vmul.u32 $0x4, v0;
	_ =	sdelay $0x1  }
0x3: {  	v4 =	vor.u32 $0x1, v1  }
0x4: {  	v2 =	vmul.u32 $0x3, v0;
	[tilespmem:$0x1FCB0] =	vst v4;
	v4 =	vor.u32 $0x2, v1  }
0x5: {  	v3 =	vmul.u32 $0x10, v0;
	[tilespmem:$0x1FCC0] =	vst v4;
	v4 =	vor.u32 $0x3, v1  }
0x6: {  	[tilespmem:$0x1FCD0] =	vst v4;
	v4 =	vadd.s32 $0x1, v2  }
0x7: {  	[tilespmem:$0x1FCE0] =	vst v4;
	v4 =	vor.u32 $0x1, v3  }
0x8: {  	[tilespmem:$0x1FCF0] =	vst v4;
	v4 =	vor.u32 $0x2, v3  }
0x9: {  	[tilespmem:$0x1FD00] =	vst v4;
	v4 =	vor.u32 $0x3, v3  }
0xa: {  	[tilespmem:$0x1FD10] =	vst v4;
	v4 =	vor.u32 $0x4, v3  }
0xb: {  	[tilespmem:$0x1FD20] =	vst v4;
	v4 =	vor.u32 $0x5, v3  }
0xc: {  	[tilespmem:$0x1FD30] =	vst v4;
	v4 =	vor.u32 $0x6, v3  }
0xd: {  	[tilespmem:$0x1FD40] =	vst v4;
	v4 =	vor.u32 $0x7, v3  }
0xe: {  	[tilespmem:$0x1FD50] =	vst v4;
	v4 =	vor.u32 $0x8, v3  }
0xf: {  	[tilespmem:$0x1FD60] =	vst v4;
	v4 =	vor.u32 $0x9, v3  }
0x10: {  	[tilespmem:$0x1FD70] =	vst v4;
	v4 =	vor.u32 $0xA, v3  }
0x11: {  	[tilespmem:$0x1FD80] =	vst v4;
	v4 =	vor.u32 $0xB, v3  }
0x12: {  	[tilespmem:$0x1FD90] =	vst v4;
	v4 =	vor.u32 $0xC, v3  }
0x13: {  	[tilespmem:$0x1FDA0] =	vst v4;
	v4 =	vor.u32 $0xD, v3  }
0x14: {  	[tilespmem:$0x1FDB0] =	vst v4;
	v4 =	vor.u32 $0xE, v3  }
0x15: {  	[tilespmem:$0x1FDC0] =	vst v4;
	v4 =	vor.u32 $0xF, v3  }
0x16: {  	s1 =	srdreg.scid;
	s0 =	stileid.u32;
	[tilespmem:$0x1FDD0] =	vst v4;
	v4 =	vor.u32 $0x40, v1  }
0x17: {  	s8 =	rddreg [dreg:$0x0];
	s6 =	sand.u32 $0x1, s1;
	s31 =	sshll.u32 s0, $0x1;
	[tilespmem:$0x1FDE0] =	vst v4;
	v4 =	vor.u32 $0x41, v1  }
0x18: {  	s9 =	rddreg [dreg:$0x1];
	s1 =	sor.u32 s6, s31;
	[tilespmem:$0x1FDF0] =	vst v4;
	v4 =	vor.u32 $0x42, v1  }
0x19: {  	s7 =	rddreg [dreg:$0x2];
	s2 =	simm.s32 $0x0;
	s1 =	smul.u32 $0xC40, s1;
	[tilespmem:$0x1FE00] =	vst v4;
	v4 =	vor.u32 $0x43, v1  }
0x1a: {  	[smem:$0x7FF] =	sst s2;
	[tilespmem:$0x1FE10] =	vst v4;
	v4 =	vor.u32 $0x100, v3  }
0x1b: {  	s10 =	smin.u32 s1, $0x17A60;
	s1 =	rddreg [dreg:$0x3];
	_ =	strace $0x80000047;
	[tilespmem:$0x1FE20] =	vst v4;
	v4 =	vor.u32 $0x101, v3  }
0x1c: {  	[tilespmem:$0x1FE30] =	vst v4;
	v4 =	vor.u32 $0x102, v3  }
0x1d: {  	[tilespmem:$0x1FE40] =	vst v4;
	v4 =	vor.u32 $0x103, v3  }
0x1e: {  	[tilespmem:$0x1FE50] =	vst v4;
	v4 =	vor.u32 $0x104, v3  }
0x1f: {  	[tilespmem:$0x1FE60] =	vst v4;
	v4 =	vor.u32 $0x105, v3  }
0x20: {  	[tilespmem:$0x1FE70] =	vst v4;
	v4 =	vor.u32 $0x106, v3  }
0x21: {  	[tilespmem:$0x1FE80] =	vst v4;
	v4 =	vor.u32 $0x107, v3  }
0x22: {  	[tilespmem:$0x1FE90] =	vst v4;
	v4 =	vor.u32 $0x108, v3  }
0x23: {  	[tilespmem:$0x1FEA0] =	vst v4;
	v4 =	vor.u32 $0x109, v3  }
0x24: {  	[tilespmem:$0x1FEB0] =	vst v4;
	v4 =	vor.u32 $0x10A, v3  }
0x25: {  	[tilespmem:$0x1FEC0] =	vst v4;
	v4 =	vor.u32 $0x10B, v3  }
0x26: {  	[tilespmem:$0x1FED0] =	vst v4;
	v4 =	vor.u32 $0x10C, v3  }
0x27: {  	[tilespmem:$0x1FEE0] =	vst v4;
	v4 =	vor.u32 $0x10D, v3  }
0x28: {  	[tilespmem:$0x1FEF0] =	vst v4;
	v4 =	vor.u32 $0x10E, v3  }
0x29: {  	[tilespmem:$0x1FF00] =	vst v4;
	v4 =	vor.u32 $0x10F, v3  }
0x2a: {  	[tilespmem:$0x1FF10] =	vst v4;
	v4 =	vor.u32 $0x80, v1  }
0x2b: {  	[tilespmem:$0x1FF20] =	vst v4;
	v4 =	vor.u32 $0x81, v1  }
0x2c: {  	[tilespmem:$0x1FF30] =	vst v4;
	v4 =	vor.u32 $0x82, v1  }
0x2d: {  	[tilespmem:$0x1FF40] =	vst v4;
	v4 =	vor.u32 $0x83, v1  }
0x2e: {  	s16 =	simm.s32 $0x11A00;
	s17 =	simm.s32 $0x1A600;
	[tilespmem:$0x1FF50] =	vst v4;
	v4 =	vor.u32 $0x200, v3  }
0x2f: {  	s18 =	simm.s32 $0x1A780;
	s19 =	simm.s32 $0x1A880;
	s20 =	simm.s32 $0x1A100;
	[tilespmem:$0x1FF60] =	vst v4;
	v4 =	vor.u32 $0x201, v3  }
0x30: {  	s21 =	simm.s32 $0x14B00;
	s22 =	simm.s32 $0x17000;
	s23 =	simm.s32 $0x0;
	[tilespmem:$0x1FF70] =	vst v4;
	v4 =	vor.u32 $0x202, v3  }
0x31: {  	s4 =	sadd.s32 $0x1800, s7;
	s6 =	ssub.s32 $0x2, s6;
	s3 =	smul.u32 $0xA, s10;
	[tilespmem:$0x1FF80] =	vst v4;
	v4 =	vor.u32 $0x203, v3  }
0x32: {  	s13 =	sshrl.u32 s6, $0x1;
	s12 =	smul.u32 $0x3, s10;
	s10 =	sshrl.u32 s10, $0x1;
	[tilespmem:$0x1FF90] =	vst v4;
	v4 =	vor.u32 $0x204, v3  }
0x33: {  	s5 =	sadd.s32 $0x1A00, s7;
	s13 =	ssub.s32 s6, s13;
	s15 =	sadd.s32 s10, s7;
	[tilespmem:$0x1FFA0] =	vst v4;
	v4 =	vor.u32 $0x205, v3  }
0x34: {  	s9 =	sadd.s32 s9, s10;
	s3 =	sshrl.u32 s3, $0x3;
	s12 =	sshrl.u32 s12, $0x3;
	[tilespmem:$0x1FFB0] =	vst v4;
	v4 =	vor.u32 $0x206, v3  }
0x35: {  	v28 =	vadd.s32 $0x30, v2;
	v29 =	vadd.s32 $0x31, v2;
	s11 =	sadd.s32 s3, s7;
	s3 =	sadd.s32 $0x1600, s7;
	s14 =	sadd.s32 s12, s7;
	[tilespmem:$0x1FFC0] =	vst v4;
	v4 =	vor.u32 $0x207, v3  }
0x36: {  	v30 =	vadd.s32 $0x32, v2;
	v51 =	vadd.s32 $0x60, v2;
	s8 =	sadd.s32 s8, s12;
	s12 =	smax.u32 s13, $0x1;
	s13 =	simm.s32 $0x1;
	[tilespmem:$0x1FFD0] =	vst v4;
	v4 =	vor.u32 $0x208, v3  }
0x37: {  	s6 =	sadd.s32 $0x1A6A00, s11;
	s7 =	sadd.s32 $0x188000, s11;
	s10 =	sadd.s32 $0x1C00, s14;
	[tilespmem:$0x1FFE0] =	vst v4;
	v4 =	vor.u32 $0x209, v3  }
0x38: {  	v8 =	vadd.s32 $0x2, v2;
	v52 =	vadd.s32 $0x61, v2;
	v53 =	vadd.s32 $0x62, v2;
	s11 =	sadd.s32 $0xB000, s15;
	s14 =	simm.s32 $0x7A80;
	s15 =	simm.s32 $0xF500;
	[tilespmem:$0x1FFF0] =	vst v4  }
.LBB2_1:
0x39: {  	[tilespmem:s2], [sflag:$0x1] =	stream.linear.gather [hbm4b:s6+s2], $0x7A80, $0x38;
	[tilespmem:$0x1A980] =	vst v63  }
0x3a: {  	_ =	swait.ge [sflag:s13], $0x7A80  }
0x3b: {  	[sflag:s13] =	ssyncset.done $0x0  }
0x3c: {  	[sflag:s13] =	ssyncadd.s32 $0xFFFF8580  }
0x3d: {  	[tilespmem:s14], [sflag:$0x1] =	stream.linear.gather [hbm4b:s7+s2], $0x7A80, $0x38;
	[tilespmem:$0x1A980] =	vst v63  }
0x3e: {  	_ =	swait.ge [sflag:s13], $0x7A80  }
0x3f: {  	[sflag:s13] =	ssyncset.done $0x0  }
0x40: {  	[sflag:s13] =	ssyncadd.s32 $0xFFFF8580  }
0x41: {  	[tilespmem:s15], [sflag:$0x1] =	stream.linear.gather [hbm4b:s8+s2], $0x24C0, $0x38;
	[tilespmem:$0x1A980] =	vst v63  }
0x42: {  	_ =	swait.ge [sflag:s13], $0x24C0  }
0x43: {  	[sflag:s13] =	ssyncset.done $0x0  }
0x44: {  	[sflag:s13] =	ssyncadd.s32 $0xFFFFDB40  }
0x45: {  	[tilespmem:s16], [sflag:$0x1] =	stream.linear.gather [hbm4b:s9+s2], $0x3100, $0x38;
	[tilespmem:$0x1A980] =	vst v63  }
0x46: {  	_ =	swait.ge [sflag:s13], $0x3100  }
0x47: {  	[sflag:s13] =	ssyncset.done $0x0  }
0x48: {  	[sflag:s13] =	ssyncadd.s32 $0xFFFFCF00  }
0x49: {  	[tilespmem:s17], [sflag:$0x1] =	stream.linear.gather [hbm4b:s3+s2], $0x180, $0x38;
	[tilespmem:$0x1A980] =	vst v63  }
0x4a: {  	_ =	swait.ge [sflag:s13], $0x180  }
0x4b: {  	[sflag:s13] =	ssyncset.done $0x0  }
0x4c: {  	[sflag:s13] =	ssyncadd.s32 $0xFFFFFE80  }
0x4d: {  	[tilespmem:s18], [sflag:$0x1] =	stream.linear.gather [hbm4b:s4+s2], $0x100, $0x38;
	[tilespmem:$0x1A980] =	vst v63  }
0x4e: {  	_ =	swait.ge [sflag:s13], $0x100  }
0x4f: {  	[sflag:s13] =	ssyncset.done $0x0  }
0x50: {  	[sflag:s13] =	ssyncadd.s32 $0xFFFFFF00  }
0x51: {  	[tilespmem:s19], [sflag:$0x1] =	stream.linear.gather [hbm4b:s5+s2], $0x100, $0x38;
	[tilespmem:$0x1A980] =	vst v63  }
0x52: {  	_ =	swait.ge [sflag:s13], $0x100  }
0x53: {  	v5 =	vld [tilespmem:$0x1FCB0];
	_ =	sdelay $0x1  }
0x54: {  	v6 =	vld [tilespmem:$0x1FCC0];
	_ =	sdelay $0x1  }
0x55: {  	v7 =	vld [tilespmem:$0x1FCD0]  }
0x56: {  	[sflag:s13] =	ssyncset.done $0x0  }
0x57: {  	[sflag:s13] =	ssyncadd.s32 $0xFFFFFF00  }
0x58: {  	v4 =	vld.idx.msk [tilespmem:v1+s17+$0x0], $0xffff  }
0x59: {  	v5 =	vld.idx.msk [tilespmem:v5+s17+$0x0], $0xffff;
	_ =	sdelay $0x1  }
0x5a: {  	v6 =	vld.idx.msk [tilespmem:v6+s17+$0x0], $0xffff;
	_ =	sdelay $0x1  }
0x5b: {  	v9 =	vld.idx.msk [tilespmem:v7+s17+$0x0], $0xffff  }
0x5c: {  	v10 =	vmul.f32 v4, v4;
	v11 =	vmul.f32 v5, v5;
	_ =	sdelay $0x1  }
0x5d: {  	v10 =	vadd.f32 v11, v10;
	v11 =	vmul.f32 v6, v6;
	_ =	sdelay $0x1  }
0x5e: {  	v10 =	vadd.f32 v11, v10;
	v11 =	vmul.f32 v9, v9;
	_ =	sdelay $0x1  }
0x5f: {  	v10 =	vadd.f32 v11, v10;
	_ =	sdelay $0x1  }
0x60: {  	v11 =	vmax.f32 v10, $1.000000000e-30  }
0x61: {  	v12 =	vshra.s32 v11, $0x1;
	v11 =	vmul.f32 $5.000000000e-01, v11  }
0x62: {  	v12 =	vsub.s32 $0x5F3759DF, v12  }
0x63: {  	v13 =	vmul.f32 v12, v11;
	_ =	sdelay $0x1  }
0x64: {  	v13 =	vmul.f32 v12, v13;
	_ =	sdelay $0x1  }
0x65: {  	v13 =	vsub.f32 $1.500000000e+00, v13;
	_ =	sdelay $0x1  }
0x66: {  	v12 =	vmul.f32 v12, v13;
	_ =	sdelay $0x1  }
0x67: {  	v13 =	vmul.f32 v12, v11;
	_ =	sdelay $0x1  }
0x68: {  	v13 =	vmul.f32 v13, v12;
	_ =	sdelay $0x1  }
0x69: {  	v13 =	vsub.f32 $1.500000000e+00, v13;
	_ =	sdelay $0x1  }
0x6a: {  	v12 =	vmul.f32 v13, v12;
	_ =	sdelay $0x1  }
0x6b: {  	v11 =	vmul.f32 v12, v11;
	_ =	sdelay $0x1  }
0x6c: {  	v11 =	vmul.f32 v11, v12;
	_ =	sdelay $0x1  }
0x6d: {  	v11 =	vsub.f32 $1.500000000e+00, v11;
	_ =	sdelay $0x1  }
0x6e: {  	v11 =	vmul.f32 v11, v12;
	_ =	sdelay $0x1  }
0x6f: {  	v10 =	vmul.f32 v11, v10;
	_ =	sdelay $0x1  }
0x70: {  	v10 =	vadd.f32 $9.999999930e-09, v10;
	_ =	sdelay $0x1  }
0x71: {  	(erf) = vrcp.f32 v10;
	_ =	sdelay $0x2  }
0x72: {  	v7 =	vld [tilespmem:$0x1FCE0];
	_ =	sdelay $0x5  }
0x73: {  	v10 =	vpop (erf)  }
0x74: {  	v11 =	vmul.f32 v10, v6;
	v47 =	vmul.f32 v10, v9  }
0x75: {  	v24 =	vld.idx.msk [tilespmem:v7+s18+$0x0], $0xffff  }
0x76: {  	v58 =	vld.idx.msk [tilespmem:v7+s19+$0x0], $0xffff;
	v48 =	vmul.f32 v11, v11;
	v14 =	vmul.f32 v47, v47  }
0x77: {  	v7 =	vld [tilespmem:$0x1FCF0];
	v15 =	vmul.f32 v10, v4;
	v10 =	vmul.f32 v10, v5  }
0x78: {  	v16 =	vadd.f32 v14, v48  }
0x79: {  	v17 =	vmul.f32 v11, v10;
	v18 =	vmul.f32 v47, v15  }
0x7a: {  	v16 =	vadd.f32 v16, v16  }
0x7b: {  	v22 =	vld.idx.msk [tilespmem:v2+s18+$0x0], $0xffff;
	v19 =	vsub.f32 v17, v18  }
0x7c: {  	v49 =	vld.idx.msk [tilespmem:v8+s18+$0x0], $0xffff;
	v16 =	vsub.f32 $1.000000000e+00, v16  }
0x7d: {  	v55 =	vld.idx.msk [tilespmem:v2+s19+$0x0], $0xffff;
	v19 =	vadd.f32 v19, v19  }
0x7e: {  	v59 =	vld.idx.msk [tilespmem:v8+s19+$0x0], $0xffff;
	[tilespmem:v3+s20+$0x0] =	vst.idx.msk $0xffff, v16  }
0x7f: {  	[tilespmem:v7+s20+$0x0] =	vst.idx.msk $0xffff, v19;
	v7 =	vld [tilespmem:$0x1FD00];
	_ =	sdelay $0x1  }
0x80: {  	v20 =	vmul.f32 v47, v10;
	v21 =	vmul.f32 v11, v15;
	_ =	sdelay $0x1  }
0x81: {  	v25 =	vadd.f32 v21, v20;
	_ =	sdelay $0x1  }
0x82: {  	v50 =	vadd.f32 v25, v25;
	_ =	sdelay $0x1  }
0x83: {  	[tilespmem:v7+s20+$0x0] =	vst.idx.msk $0xffff, v50;
	v7 =	vld [tilespmem:$0x1FD10];
	_ =	sdelay $0x3  }
0x84: {  	v17 =	vadd.f32 v18, v17;
	_ =	sdelay $0x1  }
0x85: {  	v17 =	vadd.f32 v17, v17;
	_ =	sdelay $0x1  }
0x86: {  	v23 =	vmul.f32 v10, v10;
	[tilespmem:v7+s20+$0x0] =	vst.idx.msk $0xffff, v17;
	v7 =	vld [tilespmem:$0x1FD20];
	_ =	sdelay $0x1  }
0x87: {  	v14 =	vadd.f32 v14, v23;
	_ =	sdelay $0x1  }
0x88: {  	v14 =	vadd.f32 v14, v14;
	_ =	sdelay $0x1  }
0x89: {  	v14 =	vsub.f32 $1.000000000e+00, v14;
	_ =	sdelay $0x1  }
0x8a: {  	[tilespmem:v7+s20+$0x0] =	vst.idx.msk $0xffff, v14;
	v7 =	vld [tilespmem:$0x1FD30];
	_ =	sdelay $0x1  }
0x8b: {  	v11 =	vmul.f32 v47, v11;
	v10 =	vmul.f32 v10, v15;
	_ =	sdelay $0x1  }
0x8c: {  	v54 =	vsub.f32 v11, v10;
	_ =	sdelay $0x1  }
0x8d: {  	v18 =	vadd.f32 v54, v54;
	_ =	sdelay $0x1  }
0x8e: {  	[tilespmem:v7+s20+$0x0] =	vst.idx.msk $0xffff, v18;
	v7 =	vld [tilespmem:$0x1FD40];
	_ =	sdelay $0x3  }
0x8f: {  	v20 =	vsub.f32 v20, v21;
	_ =	sdelay $0x1  }
0x90: {  	v20 =	vadd.f32 v20, v20;
	_ =	sdelay $0x1  }
0x91: {  	[tilespmem:v7+s20+$0x0] =	vst.idx.msk $0xffff, v20;
	v7 =	vld [tilespmem:$0x1FD50];
	_ =	sdelay $0x3  }
0x92: {  	v10 =	vadd.f32 v10, v11;
	_ =	sdelay $0x1  }
0x93: {  	v10 =	vadd.f32 v10, v10;
	_ =	sdelay $0x1  }
0x94: {  	[tilespmem:v7+s20+$0x0] =	vst.idx.msk $0xffff, v10;
	v7 =	vld [tilespmem:$0x1FD60];
	_ =	sdelay $0x1  }
0x95: {  	v11 =	vadd.f32 v48, v23;
	_ =	sdelay $0x1  }
0x96: {  	v11 =	vadd.f32 v11, v11;
	_ =	sdelay $0x1  }
0x97: {  	v11 =	vsub.f32 $1.000000000e+00, v11;
	_ =	sdelay $0x1  }
0x98: {  	v27 =	vmul.f32 v19, v24;
	v26 =	vmul.f32 v16, v22;
	[tilespmem:v7+s20+$0x0] =	vst.idx.msk $0xffff, v11;
	v7 =	vld [tilespmem:$0x1FD70];
	_ =	sdelay $0x1  }
0x99: {  	v57 =	vmul.f32 v50, v49;
	v56 =	vadd.f32 v26, v27;
	_ =	sdelay $0x1  }
0x9a: {  	v25 =	vadd.f32 v55, v22;
	v21 =	vadd.f32 v56, v57;
	_ =	sdelay $0x1  }
0x9b: {  	v60 =	vsub.f32 v25, v21;
	_ =	sdelay $0x1  }
0x9c: {  	v61 =	vmul.f32 v17, v22;
	v62 =	vmul.f32 v14, v24;
	[tilespmem:v7+s20+$0x0] =	vst.idx.msk $0xffff, v60;
	v7 =	vld [tilespmem:$0x1FD80];
	_ =	sdelay $0x1  }
0x9d: {  	v32 =	vmul.f32 v18, v49;
	v26 =	vadd.f32 v62, v61;
	_ =	sdelay $0x1  }
0x9e: {  	v13 =	vadd.f32 v58, v24;
	v17 =	vadd.f32 v26, v32;
	_ =	sdelay $0x1  }
0x9f: {  	v25 =	vmul.f32 v10, v24;
	v10 =	vsub.f32 v13, v17;
	_ =	sdelay $0x1  }
0xa0: {  	v63 =	vmul.f32 v20, v22;
	[tilespmem:v7+s20+$0x0] =	vst.idx.msk $0xffff, v10;
	v7 =	vld [tilespmem:$0x1FD90];
	_ =	sdelay $0x1  }
0xa1: {  	v34 =	vmul.f32 v11, v49;
	v33 =	vadd.f32 v25, v63;
	_ =	sdelay $0x1  }
0xa2: {  	v12 =	vadd.f32 v59, v49;
	v14 =	vadd.f32 v34, v33;
	_ =	sdelay $0x1  }
0xa3: {  	v11 =	vsub.f32 v12, v14;
	_ =	sdelay $0x1  }
0xa4: {  	[tilespmem:v7+s20+$0x0] =	vst.idx.msk $0xffff, v11;
	v7 =	vld [tilespmem:$0x1FDA0];
	_ =	sdelay $0x7  }
0xa5: {  	[tilespmem:v7+s20+$0x0] =	vst.idx.msk $0xffff, v4;
	v4 =	vld [tilespmem:$0x1FDB0];
	_ =	sdelay $0x7  }
0xa6: {  	[tilespmem:v4+s20+$0x0] =	vst.idx.msk $0xffff, v5;
	v4 =	vld [tilespmem:$0x1FDC0];
	_ =	sdelay $0x7  }
0xa7: {  	[tilespmem:v4+s20+$0x0] =	vst.idx.msk $0xffff, v6;
	v4 =	vld [tilespmem:$0x1FDD0];
	_ =	sdelay $0x6  }
0xa8: {  	v5 =	vld [tilespmem:$0x1FDF0]  }
0xa9: {  	[tilespmem:v4+s20+$0x0] =	vst.idx.msk $0xffff, v9;
	v4 =	vld [tilespmem:$0x1FDE0];
	_ =	sdelay $0x1  }
0xaa: {  	v6 =	vld [tilespmem:$0x1FE00];
	_ =	sdelay $0x1  }
0xab: {  	v7 =	vld [tilespmem:$0x1FE10];
	_ =	sdelay $0x2  }
0xac: {  	v5 =	vld.idx.msk [tilespmem:v5+s17+$0x0], $0xffff  }
0xad: {  	v4 =	vld.idx.msk [tilespmem:v4+s17+$0x0], $0xffff;
	_ =	sdelay $0x1  }
0xae: {  	v6 =	vld.idx.msk [tilespmem:v6+s17+$0x0], $0xffff;
	_ =	sdelay $0x1  }
0xaf: {  	v9 =	vld.idx.msk [tilespmem:v7+s17+$0x0], $0xffff  }
0xb0: {  	v11 =	vmul.f32 v5, v5;
	v10 =	vmul.f32 v4, v4;
	_ =	sdelay $0x1  }
0xb1: {  	v10 =	vadd.f32 v11, v10;
	v11 =	vmul.f32 v6, v6;
	_ =	sdelay $0x1  }
0xb2: {  	v10 =	vadd.f32 v11, v10;
	v11 =	vmul.f32 v9, v9;
	_ =	sdelay $0x1  }
0xb3: {  	v10 =	vadd.f32 v11, v10;
	_ =	sdelay $0x1  }
0xb4: {  	v11 =	vmax.f32 v10, $1.000000000e-30  }
0xb5: {  	v35 =	vshra.s32 v11, $0x1;
	v11 =	vmul.f32 $5.000000000e-01, v11  }
0xb6: {  	v12 =	vsub.s32 $0x5F3759DF, v35  }
0xb7: {  	v36 =	vmul.f32 v12, v11;
	_ =	sdelay $0x1  }
0xb8: {  	v13 =	vmul.f32 v12, v36;
	_ =	sdelay $0x1  }
0xb9: {  	v13 =	vsub.f32 $1.500000000e+00, v13;
	_ =	sdelay $0x1  }
0xba: {  	v12 =	vmul.f32 v12, v13;
	_ =	sdelay $0x1  }
0xbb: {  	v13 =	vmul.f32 v12, v11;
	_ =	sdelay $0x1  }
0xbc: {  	v13 =	vmul.f32 v13, v12;
	_ =	sdelay $0x1  }
0xbd: {  	v13 =	vsub.f32 $1.500000000e+00, v13;
	_ =	sdelay $0x1  }
0xbe: {  	v12 =	vmul.f32 v13, v12;
	_ =	sdelay $0x1  }
0xbf: {  	v11 =	vmul.f32 v12, v11;
	_ =	sdelay $0x1  }
0xc0: {  	v11 =	vmul.f32 v11, v12;
	_ =	sdelay $0x1  }
0xc1: {  	v11 =	vsub.f32 $1.500000000e+00, v11;
	_ =	sdelay $0x1  }
0xc2: {  	v11 =	vmul.f32 v11, v12;
	_ =	sdelay $0x1  }
0xc3: {  	v10 =	vmul.f32 v11, v10;
	_ =	sdelay $0x1  }
0xc4: {  	v10 =	vadd.f32 $9.999999930e-09, v10;
	_ =	sdelay $0x1  }
0xc5: {  	(erf) = vrcp.f32 v10;
	_ =	sdelay $0x8  }
0xc6: {  	v10 =	vpop (erf)  }
0xc7: {  	v11 =	vmul.f32 v10, v6;
	v37 =	vmul.f32 v10, v9;
	_ =	sdelay $0x1  }
0xc8: {  	v7 =	vld [tilespmem:$0x1FE20];
	v38 =	vmul.f32 v11, v11;
	v39 =	vmul.f32 v37, v37;
	_ =	sdelay $0x1  }
0xc9: {  	v47 =	vld.idx.msk [tilespmem:v28+s18+$0x0], $0xffff;
	v41 =	vadd.f32 v39, v38  }
0xca: {  	v49 =	vld.idx.msk [tilespmem:v29+s18+$0x0], $0xffff  }
0xcb: {  	v54 =	vld.idx.msk [tilespmem:v30+s18+$0x0], $0xffff;
	v16 =	vadd.f32 v41, v41  }
0xcc: {  	v57 =	vld.idx.msk [tilespmem:v28+s19+$0x0], $0xffff  }
0xcd: {  	v61 =	vld.idx.msk [tilespmem:v29+s19+$0x0], $0xffff;
	v16 =	vsub.f32 $1.000000000e+00, v16  }
0xce: {  	v62 =	vld.idx.msk [tilespmem:v30+s19+$0x0], $0xffff  }
0xcf: {  	v40 =	vmul.f32 v10, v4;
	v10 =	vmul.f32 v10, v5;
	[tilespmem:v7+s20+$0x0] =	vst.idx.msk $0xffff, v16;
	v7 =	vld [tilespmem:$0x1FE30];
	_ =	sdelay $0x1  }
0xd0: {  	v42 =	vmul.f32 v11, v10;
	v43 =	vmul.f32 v37, v40;
	_ =	sdelay $0x1  }
0xd1: {  	v44 =	vsub.f32 v42, v43;
	_ =	sdelay $0x1  }
0xd2: {  	v19 =	vadd.f32 v44, v44;
	_ =	sdelay $0x1  }
0xd3: {  	[tilespmem:v7+s20+$0x0] =	vst.idx.msk $0xffff, v19;
	v7 =	vld [tilespmem:$0x1FE40];
	_ =	sdelay $0x1  }
0xd4: {  	v45 =	vmul.f32 v37, v10;
	v46 =	vmul.f32 v11, v40;
	_ =	sdelay $0x1  }
0xd5: {  	v50 =	vadd.f32 v46, v45;
	_ =	sdelay $0x1  }
0xd6: {  	v55 =	vadd.f32 v50, v50;
	_ =	sdelay $0x1  }
0xd7: {  	[tilespmem:v7+s20+$0x0] =	vst.idx.msk $0xffff, v55;
	v7 =	vld [tilespmem:$0x1FE50];
	_ =	sdelay $0x3  }
0xd8: {  	v17 =	vadd.f32 v43, v42;
	_ =	sdelay $0x1  }
0xd9: {  	v17 =	vadd.f32 v17, v17;
	_ =	sdelay $0x1  }
0xda: {  	v48 =	vmul.f32 v10, v10;
	[tilespmem:v7+s20+$0x0] =	vst.idx.msk $0xffff, v17;
	v7 =	vld [tilespmem:$0x1FE60];
	_ =	sdelay $0x1  }
0xdb: {  	v14 =	vadd.f32 v39, v48;
	_ =	sdelay $0x1  }
0xdc: {  	v14 =	vadd.f32 v14, v14;
	_ =	sdelay $0x1  }
0xdd: {  	v14 =	vsub.f32 $1.000000000e+00, v14;
	_ =	sdelay $0x1  }
0xde: {  	[tilespmem:v7+s20+$0x0] =	vst.idx.msk $0xffff, v14;
	v7 =	vld [tilespmem:$0x1FE70];
	_ =	sdelay $0x1  }
0xdf: {  	v11 =	vmul.f32 v37, v11;
	v10 =	vmul.f32 v10, v40;
	_ =	sdelay $0x1  }
0xe0: {  	v56 =	vsub.f32 v11, v10;
	_ =	sdelay $0x1  }
0xe1: {  	v18 =	vadd.f32 v56, v56;
	_ =	sdelay $0x1  }
0xe2: {  	[tilespmem:v7+s20+$0x0] =	vst.idx.msk $0xffff, v18;
	v7 =	vld [tilespmem:$0x1FE80];
	_ =	sdelay $0x3  }
0xe3: {  	v20 =	vsub.f32 v45, v46;
	_ =	sdelay $0x1  }
0xe4: {  	v20 =	vadd.f32 v20, v20;
	_ =	sdelay $0x1  }
0xe5: {  	[tilespmem:v7+s20+$0x0] =	vst.idx.msk $0xffff, v20;
	v7 =	vld [tilespmem:$0x1FE90];
	_ =	sdelay $0x3  }
0xe6: {  	v10 =	vadd.f32 v10, v11;
	_ =	sdelay $0x1  }
0xe7: {  	v10 =	vadd.f32 v10, v10;
	_ =	sdelay $0x1  }
0xe8: {  	[tilespmem:v7+s20+$0x0] =	vst.idx.msk $0xffff, v10;
	v7 =	vld [tilespmem:$0x1FEA0];
	_ =	sdelay $0x1  }
0xe9: {  	v11 =	vadd.f32 v38, v48;
	_ =	sdelay $0x1  }
0xea: {  	v11 =	vadd.f32 v11, v11;
	_ =	sdelay $0x1  }
0xeb: {  	v11 =	vsub.f32 $1.000000000e+00, v11;
	_ =	sdelay $0x1  }
0xec: {  	v27 =	vmul.f32 v19, v49;
	v58 =	vmul.f32 v16, v47;
	[tilespmem:v7+s20+$0x0] =	vst.idx.msk $0xffff, v11;
	v7 =	vld [tilespmem:$0x1FEB0];
	_ =	sdelay $0x1  }
0xed: {  	v60 =	vmul.f32 v55, v54;
	v59 =	vadd.f32 v58, v27;
	_ =	sdelay $0x1  }
0xee: {  	v25 =	vadd.f32 v57, v47;
	v21 =	vadd.f32 v59, v60;
	_ =	sdelay $0x1  }
0xef: {  	v63 =	vsub.f32 v25, v21;
	_ =	sdelay $0x1  }
0xf0: {  	v26 =	vmul.f32 v14, v49;
	v25 =	vmul.f32 v17, v47;
	[tilespmem:v7+s20+$0x0] =	vst.idx.msk $0xffff, v63;
	v7 =	vld [tilespmem:$0x1FEC0];
	_ =	sdelay $0x1  }
0xf1: {  	v35 =	vmul.f32 v18, v54;
	v34 =	vadd.f32 v26, v25;
	_ =	sdelay $0x1  }
0xf2: {  	v13 =	vadd.f32 v61, v49;
	v17 =	vadd.f32 v34, v35;
	_ =	sdelay $0x1  }
0xf3: {  	v33 =	vmul.f32 v10, v49;
	v10 =	vsub.f32 v13, v17;
	_ =	sdelay $0x1  }
0xf4: {  	v32 =	vmul.f32 v20, v47;
	[tilespmem:v7+s20+$0x0] =	vst.idx.msk $0xffff, v10;
	v7 =	vld [tilespmem:$0x1FED0];
	_ =	sdelay $0x1  }
0xf5: {  	v36 =	vadd.f32 v33, v32;
	v37 =	vmul.f32 v11, v54;
	_ =	sdelay $0x1  }
0xf6: {  	v12 =	vadd.f32 v62, v54;
	v14 =	vadd.f32 v37, v36;
	_ =	sdelay $0x1  }
0xf7: {  	v11 =	vsub.f32 v12, v14;
	_ =	sdelay $0x1  }
0xf8: {  	[tilespmem:v7+s20+$0x0] =	vst.idx.msk $0xffff, v11;
	v7 =	vld [tilespmem:$0x1FEE0];
	_ =	sdelay $0x7  }
0xf9: {  	[tilespmem:v7+s20+$0x0] =	vst.idx.msk $0xffff, v4;
	v4 =	vld [tilespmem:$0x1FEF0];
	_ =	sdelay $0x7  }
0xfa: {  	[tilespmem:v4+s20+$0x0] =	vst.idx.msk $0xffff, v5;
	v4 =	vld [tilespmem:$0x1FF00];
	_ =	sdelay $0x7  }
0xfb: {  	[tilespmem:v4+s20+$0x0] =	vst.idx.msk $0xffff, v6;
	v4 =	vld [tilespmem:$0x1FF10];
	_ =	sdelay $0x6  }
0xfc: {  	v5 =	vld [tilespmem:$0x1FF30]  }
0xfd: {  	[tilespmem:v4+s20+$0x0] =	vst.idx.msk $0xffff, v9;
	v4 =	vld [tilespmem:$0x1FF20];
	_ =	sdelay $0x1  }
0xfe: {  	v6 =	vld [tilespmem:$0x1FF40];
	_ =	sdelay $0x1  }
0xff: {  	v7 =	vld [tilespmem:$0x1FF50];
	_ =	sdelay $0x2  }
0x100: {  	v5 =	vld.idx.msk [tilespmem:v5+s17+$0x0], $0xffff  }
0x101: {  	v4 =	vld.idx.msk [tilespmem:v4+s17+$0x0], $0xffff;
	_ =	sdelay $0x1  }
0x102: {  	v6 =	vld.idx.msk [tilespmem:v6+s17+$0x0], $0xffff;
	_ =	sdelay $0x1  }
0x103: {  	v9 =	vld.idx.msk [tilespmem:v7+s17+$0x0], $0xffff  }
0x104: {  	v11 =	vmul.f32 v5, v5;
	v10 =	vmul.f32 v4, v4;
	_ =	sdelay $0x1  }
0x105: {  	v10 =	vadd.f32 v11, v10;
	v11 =	vmul.f32 v6, v6;
	_ =	sdelay $0x1  }
0x106: {  	v10 =	vadd.f32 v11, v10;
	v11 =	vmul.f32 v9, v9;
	_ =	sdelay $0x1  }
0x107: {  	v10 =	vadd.f32 v11, v10;
	_ =	sdelay $0x1  }
0x108: {  	v11 =	vmax.f32 v10, $1.000000000e-30  }
0x109: {  	v38 =	vshra.s32 v11, $0x1;
	v11 =	vmul.f32 $5.000000000e-01, v11  }
0x10a: {  	v12 =	vsub.s32 $0x5F3759DF, v38  }
0x10b: {  	v39 =	vmul.f32 v12, v11;
	_ =	sdelay $0x1  }
0x10c: {  	v13 =	vmul.f32 v12, v39;
	_ =	sdelay $0x1  }
0x10d: {  	v13 =	vsub.f32 $1.500000000e+00, v13;
	_ =	sdelay $0x1  }
0x10e: {  	v12 =	vmul.f32 v12, v13;
	_ =	sdelay $0x1  }
0x10f: {  	v13 =	vmul.f32 v12, v11;
	_ =	sdelay $0x1  }
0x110: {  	v13 =	vmul.f32 v13, v12;
	_ =	sdelay $0x1  }
0x111: {  	v13 =	vsub.f32 $1.500000000e+00, v13;
	_ =	sdelay $0x1  }
0x112: {  	v12 =	vmul.f32 v13, v12;
	_ =	sdelay $0x1  }
0x113: {  	v11 =	vmul.f32 v12, v11;
	_ =	sdelay $0x1  }
0x114: {  	v11 =	vmul.f32 v11, v12;
	_ =	sdelay $0x1  }
0x115: {  	v11 =	vsub.f32 $1.500000000e+00, v11;
	_ =	sdelay $0x1  }
0x116: {  	v11 =	vmul.f32 v11, v12;
	_ =	sdelay $0x1  }
0x117: {  	v10 =	vmul.f32 v11, v10;
	_ =	sdelay $0x1  }
0x118: {  	v10 =	vadd.f32 $9.999999930e-09, v10;
	_ =	sdelay $0x1  }
0x119: {  	(erf) = vrcp.f32 v10;
	_ =	sdelay $0x8  }
0x11a: {  	v10 =	vpop (erf)  }
0x11b: {  	v11 =	vmul.f32 v10, v6;
	v40 =	vmul.f32 v10, v9;
	_ =	sdelay $0x1  }
0x11c: {  	v7 =	vld [tilespmem:$0x1FF60];
	v41 =	vmul.f32 v11, v11;
	v42 =	vmul.f32 v40, v40;
	_ =	sdelay $0x1  }
0x11d: {  	v50 =	vld.idx.msk [tilespmem:v51+s18+$0x0], $0xffff;
	v44 =	vadd.f32 v42, v41  }
0x11e: {  	v55 =	vld.idx.msk [tilespmem:v52+s18+$0x0], $0xffff  }
0x11f: {  	v57 =	vld.idx.msk [tilespmem:v53+s18+$0x0], $0xffff;
	v16 =	vadd.f32 v44, v44  }
0x120: {  	v60 =	vld.idx.msk [tilespmem:v51+s19+$0x0], $0xffff  }
0x121: {  	v32 =	vld.idx.msk [tilespmem:v52+s19+$0x0], $0xffff;
	v16 =	vsub.f32 $1.000000000e+00, v16  }
0x122: {  	v33 =	vld.idx.msk [tilespmem:v53+s19+$0x0], $0xffff  }
0x123: {  	v43 =	vmul.f32 v10, v4;
	v10 =	vmul.f32 v10, v5;
	[tilespmem:v7+s20+$0x0] =	vst.idx.msk $0xffff, v16;
	v7 =	vld [tilespmem:$0x1FF70];
	_ =	sdelay $0x1  }
0x124: {  	v45 =	vmul.f32 v11, v10;
	v46 =	vmul.f32 v40, v43;
	_ =	sdelay $0x1  }
0x125: {  	v47 =	vsub.f32 v45, v46;
	_ =	sdelay $0x1  }
0x126: {  	v19 =	vadd.f32 v47, v47;
	_ =	sdelay $0x1  }
0x127: {  	[tilespmem:v7+s20+$0x0] =	vst.idx.msk $0xffff, v19;
	v7 =	vld [tilespmem:$0x1FF80];
	_ =	sdelay $0x1  }
0x128: {  	v48 =	vmul.f32 v40, v10;
	v49 =	vmul.f32 v11, v43;
	_ =	sdelay $0x1  }
0x129: {  	v56 =	vadd.f32 v49, v48;
	_ =	sdelay $0x1  }
0x12a: {  	v58 =	vadd.f32 v56, v56;
	_ =	sdelay $0x1  }
0x12b: {  	[tilespmem:v7+s20+$0x0] =	vst.idx.msk $0xffff, v58;
	v7 =	vld [tilespmem:$0x1FF90];
	_ =	sdelay $0x3  }
0x12c: {  	v17 =	vadd.f32 v46, v45;
	_ =	sdelay $0x1  }
0x12d: {  	v17 =	vadd.f32 v17, v17;
	_ =	sdelay $0x1  }
0x12e: {  	v54 =	vmul.f32 v10, v10;
	[tilespmem:v7+s20+$0x0] =	vst.idx.msk $0xffff, v17;
	v7 =	vld [tilespmem:$0x1FFA0];
	_ =	sdelay $0x1  }
0x12f: {  	v14 =	vadd.f32 v42, v54;
	_ =	sdelay $0x1  }
0x130: {  	v14 =	vadd.f32 v14, v14;
	_ =	sdelay $0x1  }
0x131: {  	v14 =	vsub.f32 $1.000000000e+00, v14;
	_ =	sdelay $0x1  }
0x132: {  	[tilespmem:v7+s20+$0x0] =	vst.idx.msk $0xffff, v14;
	v7 =	vld [tilespmem:$0x1FFB0];
	_ =	sdelay $0x1  }
0x133: {  	v11 =	vmul.f32 v40, v11;
	v10 =	vmul.f32 v10, v43;
	_ =	sdelay $0x1  }
0x134: {  	v59 =	vsub.f32 v11, v10;
	_ =	sdelay $0x1  }
0x135: {  	v18 =	vadd.f32 v59, v59;
	_ =	sdelay $0x1  }
0x136: {  	[tilespmem:v7+s20+$0x0] =	vst.idx.msk $0xffff, v18;
	v7 =	vld [tilespmem:$0x1FFC0];
	_ =	sdelay $0x3  }
0x137: {  	v20 =	vsub.f32 v48, v49;
	_ =	sdelay $0x1  }
0x138: {  	v20 =	vadd.f32 v20, v20;
	_ =	sdelay $0x1  }
0x139: {  	[tilespmem:v7+s20+$0x0] =	vst.idx.msk $0xffff, v20;
	v7 =	vld [tilespmem:$0x1FFD0];
	_ =	sdelay $0x3  }
0x13a: {  	v10 =	vadd.f32 v10, v11;
	_ =	sdelay $0x1  }
0x13b: {  	v10 =	vadd.f32 v10, v10;
	_ =	sdelay $0x1  }
0x13c: {  	[tilespmem:v7+s20+$0x0] =	vst.idx.msk $0xffff, v10;
	v7 =	vld [tilespmem:$0x1FFE0];
	_ =	sdelay $0x1  }
0x13d: {  	v11 =	vadd.f32 v41, v54;
	_ =	sdelay $0x1  }
0x13e: {  	v11 =	vadd.f32 v11, v11;
	_ =	sdelay $0x1  }
0x13f: {  	v11 =	vsub.f32 $1.000000000e+00, v11  }
0x140: {  	v25 =	vadd.f32 v60, v50;
	v27 =	vmul.f32 v19, v55  }
0x141: {  	v63 =	vmul.f32 v58, v57;
	v61 =	vmul.f32 v16, v50;
	[tilespmem:v7+s20+$0x0] =	vst.idx.msk $0xffff, v11;
	v7 =	vld [tilespmem:$0x1FFF0]  }
0x142: {  	v13 =	vadd.f32 v32, v55;
	v35 =	vmul.f32 v17, v50;
	v36 =	vmul.f32 v14, v55  }
0x143: {  	v37 =	vmul.f32 v20, v50;
	v38 =	vmul.f32 v10, v55;
	v62 =	vadd.f32 v61, v27  }
0x144: {  	v43 =	vor.u32 $0x20A, v3;
	v40 =	vmul.f32 v18, v57;
	v39 =	vadd.f32 v36, v35  }
0x145: {  	v41 =	vadd.f32 v38, v37;
	v42 =	vmul.f32 v11, v57;
	v21 =	vadd.f32 v62, v63  }
0x146: {  	v12 =	vadd.f32 v33, v57;
	v44 =	vor.u32 $0x20B, v3;
	v17 =	vadd.f32 v39, v40  }
0x147: {  	v34 =	vsub.f32 v25, v21;
	v14 =	vadd.f32 v42, v41;
	v10 =	vor.u32 $0x20C, v3  }
0x148: {  	v13 =	vsub.f32 v13, v17;
	v11 =	vor.u32 $0x20D, v3  }
0x149: {  	v45 =	vor.u32 $0x20E, v3;
	v12 =	vsub.f32 v12, v14;
	[tilespmem:v7+s20+$0x0] =	vst.idx.msk $0xffff, v34  }
0x14a: {  	v46 =	vor.u32 $0x20F, v3;
	[tilespmem:v43+s20+$0x0] =	vst.idx.msk $0xffff, v13  }
0x14b: {  	v47 =	vor.u32 $0xC0, v1;
	[tilespmem:v44+s20+$0x0] =	vst.idx.msk $0xffff, v12  }
0x14c: {  	[tilespmem:v10+s20+$0x0] =	vst.idx.msk $0xffff, v4;
	v4 =	vor.u32 $0xC1, v1  }
0x14d: {  	[tilespmem:v11+s20+$0x0] =	vst.idx.msk $0xffff, v5  }
0x14e: {  	v5 =	vor.u32 $0xC2, v1;
	[tilespmem:v45+s20+$0x0] =	vst.idx.msk $0xffff, v6  }
0x14f: {  	[tilespmem:v46+s20+$0x0] =	vst.idx.msk $0xffff, v9  }
0x150: {  	v9 =	vor.u32 $0xC3, v1;
	v6 =	vld.idx.msk [tilespmem:v47+s17+$0x0], $0xffff  }
0x151: {  	v4 =	vld.idx.msk [tilespmem:v4+s17+$0x0], $0xffff;
	_ =	sdelay $0x1  }
0x152: {  	v5 =	vld.idx.msk [tilespmem:v5+s17+$0x0], $0xffff;
	_ =	sdelay $0x1  }
0x153: {  	v9 =	vld.idx.msk [tilespmem:v9+s17+$0x0], $0xffff  }
0x154: {  	v10 =	vmul.f32 v6, v6;
	v11 =	vmul.f32 v4, v4;
	_ =	sdelay $0x1  }
0x155: {  	v10 =	vadd.f32 v11, v10;
	v11 =	vmul.f32 v5, v5;
	_ =	sdelay $0x1  }
0x156: {  	v10 =	vadd.f32 v11, v10;
	v11 =	vmul.f32 v9, v9;
	_ =	sdelay $0x1  }
0x157: {  	v10 =	vadd.f32 v11, v10;
	_ =	sdelay $0x1  }
0x158: {  	v11 =	vmax.f32 v10, $1.000000000e-30  }
0x159: {  	v48 =	vshra.s32 v11, $0x1;
	v11 =	vmul.f32 $5.000000000e-01, v11  }
0x15a: {  	v12 =	vsub.s32 $0x5F3759DF, v48  }
0x15b: {  	v49 =	vmul.f32 v12, v11;
	_ =	sdelay $0x1  }
0x15c: {  	v13 =	vmul.f32 v12, v49;
	_ =	sdelay $0x1  }
0x15d: {  	v13 =	vsub.f32 $1.500000000e+00, v13;
	_ =	sdelay $0x1  }
0x15e: {  	v12 =	vmul.f32 v12, v13;
	_ =	sdelay $0x1  }
0x15f: {  	v13 =	vmul.f32 v12, v11;
	_ =	sdelay $0x1  }
0x160: {  	v13 =	vmul.f32 v13, v12;
	_ =	sdelay $0x1  }
0x161: {  	v13 =	vsub.f32 $1.500000000e+00, v13;
	_ =	sdelay $0x1  }
0x162: {  	v12 =	vmul.f32 v13, v12;
	_ =	sdelay $0x1  }
0x163: {  	v11 =	vmul.f32 v12, v11;
	_ =	sdelay $0x1  }
0x164: {  	v11 =	vmul.f32 v11, v12;
	_ =	sdelay $0x1  }
0x165: {  	v11 =	vsub.f32 $1.500000000e+00, v11;
	_ =	sdelay $0x1  }
0x166: {  	v11 =	vmul.f32 v11, v12;
	_ =	sdelay $0x1  }
0x167: {  	v10 =	vmul.f32 v11, v10;
	_ =	sdelay $0x1  }
0x168: {  	v10 =	vadd.f32 $9.999999930e-09, v10;
	_ =	sdelay $0x1  }
0x169: {  	(erf) = vrcp.f32 v10;
	_ =	sdelay $0x1  }
0x16a: {  	v58 =	vadd.s32 $0x90, v2;
	_ =	sdelay $0x1  }
0x16b: {  	v63 =	vadd.s32 $0x92, v2;
	_ =	sdelay $0x2  }
0x16c: {  	v39 =	vld.idx.msk [tilespmem:v58+s18+$0x0], $0xffff  }
0x16d: {  	v17 =	vld.idx.msk [tilespmem:v58+s19+$0x0], $0xffff  }
0x16e: {  	v27 =	vld.idx.msk [tilespmem:v63+s18+$0x0], $0xffff;
	v10 =	vpop (erf)  }
0x16f: {  	v61 =	vadd.s32 $0x91, v2;
	v22 =	vld.idx.msk [tilespmem:v63+s19+$0x0], $0xffff;
	v11 =	vmul.f32 v10, v5;
	v50 =	vmul.f32 v10, v9  }
0x170: {  	v56 =	vmul.f32 v10, v6;
	v10 =	vmul.f32 v10, v4  }
0x171: {  	v54 =	vmul.f32 v11, v11;
	v55 =	vmul.f32 v50, v50  }
0x172: {  	v33 =	vor.u32 $0x300, v3;
	v17 =	vadd.f32 v17, v39;
	v59 =	vmul.f32 v11, v10  }
0x173: {  	v60 =	vmul.f32 v50, v56;
	v36 =	vmul.f32 v10, v10;
	v57 =	vadd.f32 v55, v54  }
0x174: {  	v40 =	vld.idx.msk [tilespmem:v61+s18+$0x0], $0xffff;
	v34 =	vadd.f32 v22, v27;
	v37 =	vmul.f32 v50, v10;
	v38 =	vmul.f32 v11, v56  }
0x175: {  	v11 =	vmul.f32 v50, v11;
	v62 =	vsub.f32 v59, v60;
	v16 =	vadd.f32 v57, v57  }
0x176: {  	v10 =	vmul.f32 v10, v56;
	v14 =	vadd.f32 v55, v36;
	v41 =	vadd.f32 v38, v37  }
0x177: {  	v43 =	vor.u32 $0x301, v3;
	v21 =	vadd.f32 v62, v62;
	v16 =	vsub.f32 $1.000000000e+00, v16  }
0x178: {  	v45 =	vor.u32 $0x302, v3;
	v18 =	vadd.f32 v60, v59;
	v42 =	vsub.f32 v11, v10  }
0x179: {  	v15 =	vadd.f32 v41, v41;
	v32 =	vmul.f32 v21, v40;
	v31 =	vmul.f32 v16, v39  }
0x17a: {  	v47 =	vor.u32 $0x303, v3;
	v24 =	vsub.f32 v37, v38;
	v13 =	vadd.f32 v54, v36  }
0x17b: {  	v10 =	vadd.f32 v10, v11;
	v44 =	vadd.f32 v31, v32;
	v31 =	vmul.f32 v15, v27  }
0x17c: {  	v48 =	vor.u32 $0x305, v3;
	v14 =	vadd.f32 v14, v14;
	v18 =	vadd.f32 v18, v18  }
0x17d: {  	v19 =	vadd.f32 v42, v42;
	v25 =	vadd.f32 v44, v31;
	v31 =	vor.u32 $0x304, v3  }
0x17e: {  	v46 =	vld.idx.msk [tilespmem:v61+s19+$0x0], $0xffff;
	v49 =	vor.u32 $0x306, v3;
	v11 =	vadd.f32 v13, v13;
	v14 =	vsub.f32 $1.000000000e+00, v14;
	[tilespmem:v33+s20+$0x0] =	vst.idx.msk $0xffff, v16  }
0x17f: {  	v55 =	vor.u32 $0x307, v3;
	v24 =	vadd.f32 v24, v24;
	v10 =	vadd.f32 v10, v10;
	[tilespmem:v43+s20+$0x0] =	vst.idx.msk $0xffff, v21  }
0x180: {  	v57 =	vor.u32 $0x308, v3;
	v50 =	vmul.f32 v18, v39;
	v54 =	vmul.f32 v14, v40;
	[tilespmem:v45+s20+$0x0] =	vst.idx.msk $0xffff, v15  }
0x181: {  	v11 =	vsub.f32 $1.000000000e+00, v11;
	v26 =	vmul.f32 v24, v39;
	v56 =	vmul.f32 v10, v40;
	[tilespmem:v47+s20+$0x0] =	vst.idx.msk $0xffff, v18  }
0x182: {  	v60 =	vor.u32 $0x309, v3;
	v59 =	vmul.f32 v19, v27;
	v58 =	vadd.f32 v54, v50;
	[tilespmem:v31+s20+$0x0] =	vst.idx.msk $0xffff, v14  }
0x183: {  	v63 =	vor.u32 $0x30A, v3;
	v61 =	vadd.f32 v56, v26;
	v62 =	vmul.f32 v11, v27;
	[tilespmem:v48+s20+$0x0] =	vst.idx.msk $0xffff, v19  }
0x184: {  	v12 =	vadd.f32 v46, v40;
	v33 =	vor.u32 $0x30B, v3;
	v32 =	vadd.f32 v58, v59;
	[tilespmem:v49+s20+$0x0] =	vst.idx.msk $0xffff, v24  }
0x185: {  	v35 =	vadd.f32 v62, v61;
	v17 =	vsub.f32 v17, v25;
	[tilespmem:v55+s20+$0x0] =	vst.idx.msk $0xffff, v10;
	v10 =	vor.u32 $0x30C, v3  }
0x186: {  	v12 =	vsub.f32 v12, v32;
	[tilespmem:v57+s20+$0x0] =	vst.idx.msk $0xffff, v11;
	v11 =	vor.u32 $0x30D, v3  }
0x187: {  	v37 =	vor.u32 $0x30E, v3;
	v36 =	vsub.f32 v34, v35;
	[tilespmem:v60+s20+$0x0] =	vst.idx.msk $0xffff, v17  }
0x188: {  	v38 =	vor.u32 $0x30F, v3;
	[tilespmem:v63+s20+$0x0] =	vst.idx.msk $0xffff, v12  }
0x189: {  	v39 =	vor.u32 $0x100, v1;
	[tilespmem:v33+s20+$0x0] =	vst.idx.msk $0xffff, v36  }
0x18a: {  	[tilespmem:v10+s20+$0x0] =	vst.idx.msk $0xffff, v6;
	v6 =	vor.u32 $0x101, v1  }
0x18b: {  	[tilespmem:v11+s20+$0x0] =	vst.idx.msk $0xffff, v4  }
0x18c: {  	v4 =	vor.u32 $0x102, v1;
	[tilespmem:v37+s20+$0x0] =	vst.idx.msk $0xffff, v5  }
0x18d: {  	[tilespmem:v38+s20+$0x0] =	vst.idx.msk $0xffff, v9  }
0x18e: {  	v9 =	vor.u32 $0x103, v1;
	v5 =	vld.idx.msk [tilespmem:v39+s17+$0x0], $0xffff  }
0x18f: {  	v6 =	vld.idx.msk [tilespmem:v6+s17+$0x0], $0xffff;
	_ =	sdelay $0x1  }
0x190: {  	v4 =	vld.idx.msk [tilespmem:v4+s17+$0x0], $0xffff;
	_ =	sdelay $0x1  }
0x191: {  	v9 =	vld.idx.msk [tilespmem:v9+s17+$0x0], $0xffff  }
0x192: {  	v10 =	vmul.f32 v5, v5;
	v11 =	vmul.f32 v6, v6;
	_ =	sdelay $0x1  }
0x193: {  	v10 =	vadd.f32 v11, v10;
	v11 =	vmul.f32 v4, v4;
	_ =	sdelay $0x1  }
0x194: {  	v10 =	vadd.f32 v11, v10;
	v11 =	vmul.f32 v9, v9;
	_ =	sdelay $0x1  }
0x195: {  	v10 =	vadd.f32 v11, v10;
	_ =	sdelay $0x1  }
0x196: {  	v11 =	vmax.f32 v10, $1.000000000e-30  }
0x197: {  	v40 =	vshra.s32 v11, $0x1;
	v11 =	vmul.f32 $5.000000000e-01, v11  }
0x198: {  	v12 =	vsub.s32 $0x5F3759DF, v40  }
0x199: {  	v41 =	vmul.f32 v12, v11;
	_ =	sdelay $0x1  }
0x19a: {  	v13 =	vmul.f32 v12, v41;
	_ =	sdelay $0x1  }
0x19b: {  	v13 =	vsub.f32 $1.500000000e+00, v13;
	_ =	sdelay $0x1  }
0x19c: {  	v12 =	vmul.f32 v12, v13;
	_ =	sdelay $0x1  }
0x19d: {  	v13 =	vmul.f32 v12, v11;
	_ =	sdelay $0x1  }
0x19e: {  	v13 =	vmul.f32 v13, v12;
	_ =	sdelay $0x1  }
0x19f: {  	v13 =	vsub.f32 $1.500000000e+00, v13;
	_ =	sdelay $0x1  }
0x1a0: {  	v12 =	vmul.f32 v13, v12;
	_ =	sdelay $0x1  }
0x1a1: {  	v11 =	vmul.f32 v12, v11;
	_ =	sdelay $0x1  }
0x1a2: {  	v11 =	vmul.f32 v11, v12;
	_ =	sdelay $0x1  }
0x1a3: {  	v11 =	vsub.f32 $1.500000000e+00, v11;
	_ =	sdelay $0x1  }
0x1a4: {  	v11 =	vmul.f32 v11, v12;
	_ =	sdelay $0x1  }
0x1a5: {  	v10 =	vmul.f32 v11, v10;
	_ =	sdelay $0x1  }
0x1a6: {  	v10 =	vadd.f32 $9.999999930e-09, v10;
	_ =	sdelay $0x1  }
0x1a7: {  	(erf) = vrcp.f32 v10  }
0x1a8: {  	v45 =	vor.u32 $0xC0, v2  }
0x1a9: {  	v47 =	vadd.s32 $0xC1, v2;
	_ =	sdelay $0x3  }
0x1aa: {  	v58 =	vld.idx.msk [tilespmem:v45+s18+$0x0], $0xffff  }
0x1ab: {  	v27 =	vld.idx.msk [tilespmem:v47+s18+$0x0], $0xffff  }
0x1ac: {  	v17 =	vld.idx.msk [tilespmem:v47+s19+$0x0], $0xffff  }
0x1ad: {  	v61 =	vld.idx.msk [tilespmem:v45+s19+$0x0], $0xffff;
	v10 =	vpop (erf)  }
0x1ae: {  	v11 =	vmul.f32 v10, v4;
	v42 =	vmul.f32 v10, v9  }
0x1af: {  	v46 =	vmul.f32 v10, v6;
	v10 =	vmul.f32 v10, v5  }
0x1b0: {  	v50 =	vadd.s32 $0xC2, v2;
	v43 =	vmul.f32 v11, v11;
	v44 =	vmul.f32 v42, v42  }
0x1b1: {  	v17 =	vadd.f32 v17, v27;
	v49 =	vmul.f32 v11, v46;
	v54 =	vmul.f32 v42, v10  }
0x1b2: {  	v12 =	vadd.f32 v61, v58;
	v55 =	vmul.f32 v42, v46;
	v56 =	vmul.f32 v11, v10  }
0x1b3: {  	v57 =	vmul.f32 v46, v46;
	v11 =	vmul.f32 v42, v11;
	v48 =	vadd.f32 v44, v43  }
0x1b4: {  	v10 =	vmul.f32 v46, v10;
	v59 =	vsub.f32 v49, v54;
	v31 =	vadd.f32 v56, v55  }
0x1b5: {  	v37 =	vor.u32 $0x400, v3;
	v14 =	vadd.f32 v44, v57;
	v19 =	vadd.f32 v54, v49  }
0x1b6: {  	v39 =	vor.u32 $0x401, v3;
	v36 =	vsub.f32 v11, v10;
	v22 =	vsub.f32 v55, v56  }
0x1b7: {  	v45 =	vor.u32 $0x405, v3;
	v13 =	vadd.f32 v43, v57;
	v10 =	vadd.f32 v10, v11  }
0x1b8: {  	v60 =	vld.idx.msk [tilespmem:v50+s18+$0x0], $0xffff;
	v40 =	vor.u32 $0x402, v3;
	v18 =	vadd.f32 v48, v48;
	v26 =	vadd.f32 v59, v59  }
0x1b9: {  	v41 =	vor.u32 $0x403, v3;
	v31 =	vadd.f32 v31, v31;
	v14 =	vadd.f32 v14, v14  }
0x1ba: {  	v46 =	vor.u32 $0x406, v3;
	v19 =	vadd.f32 v19, v19;
	v32 =	vadd.f32 v36, v36  }
0x1bb: {  	v43 =	vor.u32 $0x404, v3;
	v11 =	vadd.f32 v13, v13;
	v18 =	vsub.f32 $1.000000000e+00, v18  }
0x1bc: {  	v42 =	vld.idx.msk [tilespmem:v50+s19+$0x0], $0xffff;
	v44 =	vadd.f32 v22, v22;
	v10 =	vadd.f32 v10, v10;
	v63 =	vmul.f32 v26, v27  }
0x1bd: {  	v14 =	vsub.f32 $1.000000000e+00, v14;
	v38 =	vmul.f32 v31, v60;
	v62 =	vmul.f32 v18, v58;
	[tilespmem:v37+s20+$0x0] =	vst.idx.msk $0xffff, v18  }
0x1be: {  	v49 =	vor.u32 $0x407, v3;
	v47 =	vmul.f32 v19, v58;
	v25 =	vmul.f32 v44, v58;
	[tilespmem:v39+s20+$0x0] =	vst.idx.msk $0xffff, v26  }
0x1bf: {  	v54 =	vor.u32 $0x408, v3;
	v48 =	vmul.f32 v14, v27;
	v15 =	vadd.f32 v62, v63;
	[tilespmem:v40+s20+$0x0] =	vst.idx.msk $0xffff, v31  }
0x1c0: {  	v11 =	vsub.f32 $1.000000000e+00, v11;
	v50 =	vmul.f32 v10, v27;
	v55 =	vmul.f32 v32, v60;
	[tilespmem:v41+s20+$0x0] =	vst.idx.msk $0xffff, v19  }
0x1c1: {  	v56 =	vor.u32 $0x409, v3;
	v23 =	vadd.f32 v48, v47;
	v15 =	vadd.f32 v15, v38;
	[tilespmem:v43+s20+$0x0] =	vst.idx.msk $0xffff, v14  }
0x1c2: {  	v16 =	vadd.f32 v50, v25;
	v57 =	vmul.f32 v11, v60;
	v58 =	vor.u32 $0x40A, v3;
	[tilespmem:v45+s20+$0x0] =	vst.idx.msk $0xffff, v32  }
0x1c3: {  	v59 =	vor.u32 $0x40B, v3;
	v14 =	vadd.f32 v23, v55;
	v12 =	vsub.f32 v12, v15;
	[tilespmem:v46+s20+$0x0] =	vst.idx.msk $0xffff, v44  }
0x1c4: {  	v61 =	vor.u32 $0x40C, v3;
	[tilespmem:v49+s20+$0x0] =	vst.idx.msk $0xffff, v10;
	v10 =	vadd.f32 v42, v60;
	v60 =	vadd.f32 v57, v16  }
0x1c5: {  	v62 =	vor.u32 $0x40D, v3;
	[tilespmem:v54+s20+$0x0] =	vst.idx.msk $0xffff, v11;
	v11 =	vsub.f32 v17, v14  }
0x1c6: {  	v63 =	vor.u32 $0x40E, v3;
	[tilespmem:v56+s20+$0x0] =	vst.idx.msk $0xffff, v12;
	v10 =	vsub.f32 v10, v60  }
0x1c7: {  	[tilespmem:v58+s20+$0x0] =	vst.idx.msk $0xffff, v11;
	v11 =	vor.u32 $0x40F, v3  }
0x1c8: {  	[tilespmem:v59+s20+$0x0] =	vst.idx.msk $0xffff, v10  }
0x1c9: {  	[tilespmem:v61+s20+$0x0] =	vst.idx.msk $0xffff, v5  }
0x1ca: {  	[tilespmem:v62+s20+$0x0] =	vst.idx.msk $0xffff, v6  }
0x1cb: {  	[tilespmem:v63+s20+$0x0] =	vst.idx.msk $0xffff, v4  }
0x1cc: {  	s24 =	simm.s32 $0x0;
	[tilespmem:v11+s20+$0x0] =	vst.idx.msk $0xffff, v9  }
.LBB2_2:
0x1cd: {  	v4 =	vor.u32 s24, v0  }
0x1ce: {  	v5 =	vmul.u32 $0xA, v4;
	_ =	sdelay $0x5  }
0x1cf: {  	v6 =	vld.idx.msk [tilespmem:v5+s2+$0x0], $0xffff;
	_ =	sdelay $0x1  }
0x1d0: {  	v18 =	vor.u32 $0x1, v5;
	_ =	sdelay $0x1  }
0x1d1: {  	v58 =	vadd.s32 $0x3, v5  }
0x1d2: {  	v6 =	vshll.u32 v6, $0x4  }
0x1d3: {  	v12 =	vld.idx.msk [tilespmem:v5+s14+$0x0], $0xffff;
	v9 =	vor.u32 $0x1, v6  }
0x1d4: {  	v24 =	vld.idx.msk [tilespmem:v18+s2+$0x0], $0xffff;
	v10 =	vor.u32 $0x2, v6  }
0x1d5: {  	v18 =	vld.idx.msk [tilespmem:v18+s14+$0x0], $0xffff;
	v11 =	vor.u32 $0x3, v6  }
0x1d6: {  	v7 =	vld.idx.msk [tilespmem:v58+s2+$0x0], $0xffff;
	v13 =	vor.u32 $0x4, v6  }
0x1d7: {  	v15 =	vor.u32 $0x5, v6;
	v14 =	vld.idx.msk [tilespmem:v6+s20+$0x0], $0xffff  }
0x1d8: {  	v16 =	vor.u32 $0x6, v6;
	v9 =	vld.idx.msk [tilespmem:v9+s20+$0x0], $0xffff  }
0x1d9: {  	v17 =	vor.u32 $0x7, v6;
	v10 =	vld.idx.msk [tilespmem:v10+s20+$0x0], $0xffff  }
0x1da: {  	v19 =	vor.u32 $0x8, v6;
	v11 =	vld.idx.msk [tilespmem:v11+s20+$0x0], $0xffff  }
0x1db: {  	v20 =	vor.u32 $0x9, v6;
	v13 =	vld.idx.msk [tilespmem:v13+s20+$0x0], $0xffff  }
0x1dc: {  	v21 =	vor.u32 $0xA, v6;
	v15 =	vld.idx.msk [tilespmem:v15+s20+$0x0], $0xffff  }
0x1dd: {  	v22 =	vor.u32 $0xB, v6;
	v16 =	vld.idx.msk [tilespmem:v16+s20+$0x0], $0xffff  }
0x1de: {  	v23 =	vor.u32 $0xC, v6;
	v17 =	vld.idx.msk [tilespmem:v17+s20+$0x0], $0xffff  }
0x1df: {  	v25 =	vor.u32 $0xD, v6;
	v19 =	vld.idx.msk [tilespmem:v19+s20+$0x0], $0xffff  }
0x1e0: {  	v26 =	vor.u32 $0xE, v6;
	v20 =	vld.idx.msk [tilespmem:v20+s20+$0x0], $0xffff  }
0x1e1: {  	v24 =	vshll.u32 v24, $0x4;
	v21 =	vld.idx.msk [tilespmem:v21+s20+$0x0], $0xffff  }
0x1e2: {  	v27 =	vor.u32 $0x1, v24;
	v22 =	vld.idx.msk [tilespmem:v22+s20+$0x0], $0xffff  }
0x1e3: {  	v31 =	vor.u32 $0x2, v24;
	v23 =	vld.idx.msk [tilespmem:v23+s20+$0x0], $0xffff  }
0x1e4: {  	v33 =	vor.u32 $0x4, v24;
	v25 =	vld.idx.msk [tilespmem:v25+s20+$0x0], $0xffff  }
0x1e5: {  	v6 =	vor.u32 $0xF, v6;
	v26 =	vld.idx.msk [tilespmem:v26+s20+$0x0], $0xffff  }
0x1e6: {  	v35 =	vor.u32 $0x5, v24;
	v34 =	vld.idx.msk [tilespmem:v24+s20+$0x0], $0xffff  }
0x1e7: {  	v36 =	vor.u32 $0x6, v24;
	v27 =	vld.idx.msk [tilespmem:v27+s20+$0x0], $0xffff  }
0x1e8: {  	v37 =	vor.u32 $0x7, v24;
	v31 =	vld.idx.msk [tilespmem:v31+s20+$0x0], $0xffff  }
0x1e9: {  	v39 =	vor.u32 $0x8, v24;
	v33 =	vld.idx.msk [tilespmem:v33+s20+$0x0], $0xffff  }
0x1ea: {  	v32 =	vld.idx.msk [tilespmem:v6+s20+$0x0], $0xffff;
	v6 =	vor.u32 $0x3, v24  }
0x1eb: {  	v40 =	vor.u32 $0x9, v24;
	v35 =	vld.idx.msk [tilespmem:v35+s20+$0x0], $0xffff  }
0x1ec: {  	v41 =	vor.u32 $0xA, v24;
	v36 =	vld.idx.msk [tilespmem:v36+s20+$0x0], $0xffff  }
0x1ed: {  	v42 =	vor.u32 $0xB, v24;
	v37 =	vld.idx.msk [tilespmem:v37+s20+$0x0], $0xffff  }
0x1ee: {  	v43 =	vor.u32 $0xC, v24;
	v39 =	vld.idx.msk [tilespmem:v39+s20+$0x0], $0xffff  }
0x1ef: {  	v38 =	vld.idx.msk [tilespmem:v6+s20+$0x0], $0xffff;
	v6 =	vadd.s32 $0x2, v5  }
0x1f0: {  	v45 =	vor.u32 $0xD, v24;
	v40 =	vld.idx.msk [tilespmem:v40+s20+$0x0], $0xffff  }
0x1f1: {  	v46 =	vor.u32 $0xE, v24;
	v41 =	vld.idx.msk [tilespmem:v41+s20+$0x0], $0xffff  }
0x1f2: {  	v7 =	vshll.u32 v7, $0x4;
	v42 =	vld.idx.msk [tilespmem:v42+s20+$0x0], $0xffff;
	v9 =	vmul.f32 v9, v12;
	v27 =	vmul.f32 v27, v18  }
0x1f3: {  	v43 =	vld.idx.msk [tilespmem:v43+s20+$0x0], $0xffff;
	v24 =	vor.u32 $0xF, v24;
	v15 =	vmul.f32 v15, v12;
	v16 =	vmul.f32 v16, v12  }
0x1f4: {  	v17 =	vmul.f32 v17, v12;
	v27 =	vadd.f32 v27, v9;
	v9 =	vmul.f32 v35, v18;
	v44 =	vld.idx.msk [tilespmem:v6+s2+$0x0], $0xffff  }
0x1f5: {  	v45 =	vld.idx.msk [tilespmem:v45+s20+$0x0], $0xffff;
	v20 =	vmul.f32 v20, v12;
	v40 =	vmul.f32 v40, v18;
	v35 =	vor.u32 $0x1, v7  }
0x1f6: {  	v46 =	vld.idx.msk [tilespmem:v46+s20+$0x0], $0xffff;
	v15 =	vadd.f32 v9, v15;
	v9 =	vmul.f32 v36, v18;
	v36 =	vmul.f32 v37, v18  }
0x1f7: {  	v20 =	vadd.f32 v40, v20;
	v40 =	vld.idx.msk [tilespmem:v7+s20+$0x0], $0xffff;
	v37 =	vmul.f32 v39, v18;
	v39 =	vor.u32 $0x2, v7  }
0x1f8: {  	v24 =	vld.idx.msk [tilespmem:v24+s20+$0x0], $0xffff;
	v17 =	vadd.f32 v36, v17;
	v36 =	vor.u32 $0x4, v7  }
0x1f9: {  	v16 =	vadd.f32 v9, v16;
	v9 =	vld.idx.msk [tilespmem:v58+s14+$0x0], $0xffff;
	v44 =	vshll.u32 v44, $0x4  }
0x1fa: {  	v35 =	vld.idx.msk [tilespmem:v35+s20+$0x0], $0xffff;
	v47 =	vor.u32 $0x1, v44  }
0x1fb: {  	v6 =	vld.idx.msk [tilespmem:v6+s14+$0x0], $0xffff;
	v48 =	vor.u32 $0x2, v44  }
0x1fc: {  	v14 =	vmul.f32 v14, v12;
	v10 =	vmul.f32 v10, v12;
	v39 =	vld.idx.msk [tilespmem:v39+s20+$0x0], $0xffff;
	v49 =	vor.u32 $0x3, v44  }
0x1fd: {  	v11 =	vmul.f32 v11, v12;
	v13 =	vmul.f32 v13, v12;
	v36 =	vld.idx.msk [tilespmem:v36+s20+$0x0], $0xffff;
	v50 =	vor.u32 $0x4, v44  }
0x1fe: {  	v19 =	vmul.f32 v19, v12;
	v21 =	vmul.f32 v21, v12;
	v55 =	vor.u32 $0x5, v44;
	v54 =	vld.idx.msk [tilespmem:v44+s20+$0x0], $0xffff  }
0x1ff: {  	v22 =	vmul.f32 v22, v12;
	v23 =	vmul.f32 v23, v12;
	v56 =	vor.u32 $0x6, v44;
	v47 =	vld.idx.msk [tilespmem:v47+s20+$0x0], $0xffff  }
0x200: {  	v34 =	vmul.f32 v34, v18;
	v25 =	vmul.f32 v25, v12;
	v57 =	vor.u32 $0x7, v44;
	v48 =	vld.idx.msk [tilespmem:v48+s20+$0x0], $0xffff  }
0x201: {  	v26 =	vmul.f32 v26, v12;
	v31 =	vmul.f32 v31, v18;
	v59 =	vor.u32 $0x8, v44;
	v49 =	vld.idx.msk [tilespmem:v49+s20+$0x0], $0xffff  }
0x202: {  	v33 =	vmul.f32 v33, v18;
	v42 =	vmul.f32 v42, v18;
	v60 =	vor.u32 $0x9, v44;
	v50 =	vld.idx.msk [tilespmem:v50+s20+$0x0], $0xffff  }
0x203: {  	v43 =	vmul.f32 v43, v18;
	v14 =	vadd.f32 v34, v14;
	v62 =	vor.u32 $0xB, v44;
	v55 =	vld.idx.msk [tilespmem:v55+s20+$0x0], $0xffff  }
0x204: {  	v10 =	vadd.f32 v31, v10;
	v13 =	vadd.f32 v33, v13;
	v63 =	vor.u32 $0xC, v44;
	v56 =	vld.idx.msk [tilespmem:v56+s20+$0x0], $0xffff  }
0x205: {  	v22 =	vadd.f32 v42, v22;
	v23 =	vadd.f32 v43, v23;
	v34 =	vor.u32 $0xD, v44;
	v57 =	vld.idx.msk [tilespmem:v57+s20+$0x0], $0xffff  }
0x206: {  	v43 =	vadd.s32 $0x4, v5;
	v12 =	vmul.f32 v32, v12;
	v61 =	vor.u32 $0xA, v44;
	v32 =	vld.idx.msk [tilespmem:v59+s20+$0x0], $0xffff  }
0x207: {  	v19 =	vadd.f32 v37, v19;
	v38 =	vmul.f32 v38, v18;
	v59 =	vld.idx.msk [tilespmem:v60+s20+$0x0], $0xffff;
	v60 =	vor.u32 $0xE, v44  }
0x208: {  	v58 =	vor.u32 $0x6, v7;
	v44 =	vor.u32 $0xF, v44;
	v31 =	vld.idx.msk [tilespmem:v62+s20+$0x0], $0xffff;
	v62 =	vmul.f32 v41, v18  }
0x209: {  	v11 =	vadd.f32 v38, v11;
	v40 =	vmul.f32 v40, v9;
	v33 =	vld.idx.msk [tilespmem:v63+s20+$0x0], $0xffff;
	v63 =	vmul.f32 v45, v18  }
0x20a: {  	v39 =	vmul.f32 v39, v9;
	v34 =	vld.idx.msk [tilespmem:v34+s20+$0x0], $0xffff;
	v41 =	vor.u32 $0x5, v7;
	v21 =	vadd.f32 v62, v21  }
0x20b: {  	v61 =	vld.idx.msk [tilespmem:v61+s20+$0x0], $0xffff;
	v25 =	vadd.f32 v63, v25;
	v63 =	vmul.f32 v54, v6;
	v54 =	vor.u32 $0x9, v7  }
0x20c: {  	v38 =	vld.idx.msk [tilespmem:v60+s20+$0x0], $0xffff;
	v60 =	vor.u32 $0x3, v7;
	v37 =	vmul.f32 v48, v6;
	v49 =	vmul.f32 v49, v6  }
0x20d: {  	v62 =	vor.u32 $0x8, v7;
	v44 =	vld.idx.msk [tilespmem:v44+s20+$0x0], $0xffff;
	v50 =	vmul.f32 v50, v6;
	v32 =	vmul.f32 v32, v6  }
0x20e: {  	v45 =	vor.u32 $0x7, v7;
	v48 =	vld.idx.msk [tilespmem:v43+s2+$0x0], $0xffff;
	v31 =	vmul.f32 v31, v6;
	v33 =	vmul.f32 v33, v6  }
0x20f: {  	v41 =	vld.idx.msk [tilespmem:v41+s20+$0x0], $0xffff;
	v34 =	vmul.f32 v34, v6;
	v37 =	vadd.f32 v37, v10;
	v10 =	vmul.f32 v55, v6  }
0x210: {  	v14 =	vadd.f32 v63, v14;
	v63 =	vmul.f32 v59, v6;
	v55 =	vor.u32 $0xE, v7;
	v54 =	vld.idx.msk [tilespmem:v54+s20+$0x0], $0xffff  }
0x211: {  	v19 =	vadd.f32 v32, v19;
	v15 =	vadd.f32 v10, v15;
	v10 =	vmul.f32 v56, v6;
	v42 =	vld.idx.msk [tilespmem:v60+s20+$0x0], $0xffff  }
0x212: {  	v60 =	vmul.f32 v46, v18;
	v18 =	vmul.f32 v24, v18;
	v24 =	vor.u32 $0xB, v7;
	v46 =	vld.idx.msk [tilespmem:v62+s20+$0x0], $0xffff  }
0x213: {  	v62 =	vmul.f32 v57, v6;
	v48 =	vshll.u32 v48, $0x4;
	v16 =	vadd.f32 v10, v16;
	v10 =	vld.idx.msk [tilespmem:v43+s14+$0x0], $0xffff  }
0x214: {  	v57 =	vor.u32 $0x1, v48;
	v26 =	vadd.f32 v60, v26;
	v60 =	vmul.f32 v47, v6;
	v47 =	vld.idx.msk [tilespmem:v58+s20+$0x0], $0xffff  }
0x215: {  	v22 =	vadd.f32 v31, v22;
	v58 =	vor.u32 $0xA, v7;
	v12 =	vadd.f32 v18, v12;
	v18 =	vld.idx.msk [tilespmem:v45+s20+$0x0], $0xffff  }
0x216: {  	v23 =	vadd.f32 v33, v23;
	v20 =	vadd.f32 v63, v20;
	v63 =	vor.u32 $0x4, v48;
	v32 =	vld.idx.msk [tilespmem:v55+s20+$0x0], $0xffff  }
0x217: {  	v14 =	vadd.f32 v40, v14;
	v37 =	vadd.f32 v39, v37;
	v40 =	vor.u32 $0x9, v48;
	v24 =	vld.idx.msk [tilespmem:v24+s20+$0x0], $0xffff  }
0x218: {  	v38 =	vmul.f32 v38, v6;
	v56 =	vor.u32 $0xB, v48;
	v39 =	vor.u32 $0xC, v48;
	v31 =	vld.idx.msk [tilespmem:v48+s20+$0x0], $0xffff  }
0x219: {  	v17 =	vadd.f32 v62, v17;
	v62 =	vmul.f32 v61, v6;
	v6 =	vmul.f32 v44, v6;
	v33 =	vld.idx.msk [tilespmem:v57+s20+$0x0], $0xffff  }
0x21a: {  	v11 =	vadd.f32 v49, v11;
	v49 =	vld.idx.msk [tilespmem:v58+s20+$0x0], $0xffff;
	v58 =	vor.u32 $0x3, v48  }
0x21b: {  	v41 =	vmul.f32 v41, v9;
	v45 =	vor.u32 $0xC, v7;
	v6 =	vadd.f32 v6, v12;
	v12 =	vld.idx.msk [tilespmem:v63+s20+$0x0], $0xffff  }
0x21c: {  	v27 =	vadd.f32 v60, v27;
	v60 =	vor.u32 $0xD, v7;
	v40 =	vld.idx.msk [tilespmem:v40+s20+$0x0], $0xffff  }
0x21d: {  	v55 =	vor.u32 $0x2, v48;
	v15 =	vadd.f32 v41, v15;
	v41 =	vld.idx.msk [tilespmem:v56+s20+$0x0], $0xffff  }
0x21e: {  	v61 =	vor.u32 $0x6, v48;
	v39 =	vld.idx.msk [tilespmem:v39+s20+$0x0], $0xffff  }
0x21f: {  	v36 =	vmul.f32 v36, v9;
	v57 =	vld.idx.msk [tilespmem:v58+s20+$0x0], $0xffff;
	v58 =	vadd.s32 $0x5, v5  }
0x220: {  	v13 =	vadd.f32 v50, v13;
	v21 =	vadd.f32 v62, v21;
	v62 =	vor.u32 $0x7, v48;
	v45 =	vld.idx.msk [tilespmem:v45+s20+$0x0], $0xffff  }
0x221: {  	v35 =	vmul.f32 v35, v9;
	v50 =	vld.idx.msk [tilespmem:v60+s20+$0x0], $0xffff;
	v60 =	vor.u32 $0x5, v48  }
0x222: {  	v25 =	vadd.f32 v34, v25;
	v13 =	vadd.f32 v36, v13;
	v7 =	vor.u32 $0xF, v7;
	v44 =	vld.idx.msk [tilespmem:v55+s20+$0x0], $0xffff  }
0x223: {  	v59 =	vor.u32 $0xE, v48;
	v54 =	vmul.f32 v54, v9;
	v63 =	vor.u32 $0x8, v48;
	v34 =	vld.idx.msk [tilespmem:v61+s20+$0x0], $0xffff  }
0x224: {  	v26 =	vadd.f32 v38, v26;
	v42 =	vmul.f32 v42, v9;
	v46 =	vmul.f32 v46, v9;
	v61 =	vld.idx.msk [tilespmem:v58+s2+$0x0], $0xffff  }
0x225: {  	v27 =	vadd.f32 v35, v27;
	v18 =	vmul.f32 v18, v9;
	v55 =	vld.idx.msk [tilespmem:v62+s20+$0x0], $0xffff;
	v62 =	vor.u32 $0xD, v48  }
0x226: {  	v20 =	vadd.f32 v54, v20;
	v11 =	vadd.f32 v42, v11;
	v35 =	vld.idx.msk [tilespmem:v60+s20+$0x0], $0xffff;
	v60 =	vor.u32 $0xA, v48  }
0x227: {  	v56 =	vmul.f32 v32, v9;
	v7 =	vld.idx.msk [tilespmem:v7+s20+$0x0], $0xffff;
	v17 =	vadd.f32 v18, v17;
	v31 =	vmul.f32 v31, v10  }
0x228: {  	v36 =	vld.idx.msk [tilespmem:v63+s20+$0x0], $0xffff;
	v63 =	vmul.f32 v47, v9;
	v33 =	vmul.f32 v33, v10;
	v48 =	vor.u32 $0xF, v48  }
0x229: {  	v47 =	vld.idx.msk [tilespmem:v59+s20+$0x0], $0xffff;
	v12 =	vmul.f32 v12, v10;
	v45 =	vmul.f32 v45, v9;
	v42 =	vshll.u32 v61, $0x4  }
0x22a: {  	v16 =	vadd.f32 v63, v16;
	v61 =	vmul.f32 v24, v9;
	v24 =	vld.idx.msk [tilespmem:v62+s20+$0x0], $0xffff;
	v62 =	vor.u32 $0x1, v42  }
0x22b: {  	v63 =	vmul.f32 v50, v9;
	v43 =	vld.idx.msk [tilespmem:v60+s20+$0x0], $0xffff;
	v60 =	vmul.f32 v49, v9;
	v54 =	vor.u32 $0x2, v42  }
0x22c: {  	v23 =	vadd.f32 v45, v23;
	v7 =	vmul.f32 v7, v9;
	v45 =	vld.idx.msk [tilespmem:v58+s14+$0x0], $0xffff;
	v59 =	vor.u32 $0x3, v42  }
0x22d: {  	v32 =	vld.idx.msk [tilespmem:v48+s20+$0x0], $0xffff;
	v35 =	vmul.f32 v35, v10;
	v18 =	vadd.f32 v60, v21;
	v60 =	vor.u32 $0x4, v42  }
0x22e: {  	v12 =	vadd.f32 v12, v13;
	v25 =	vadd.f32 v63, v25;
	v63 =	vor.u32 $0x7, v42;
	v9 =	vld.idx.msk [tilespmem:v42+s20+$0x0], $0xffff  }
0x22f: {  	v6 =	vadd.f32 v7, v6;
	v13 =	vadd.f32 v35, v15;
	v35 =	vor.u32 $0xB, v42;
	v38 =	vld.idx.msk [tilespmem:v62+s20+$0x0], $0xffff  }
0x230: {  	v7 =	vmul.f32 v44, v10;
	v21 =	vadd.f32 v61, v22;
	v61 =	vor.u32 $0x5, v42;
	v44 =	vld.idx.msk [tilespmem:v54+s20+$0x0], $0xffff  }
0x231: {  	v14 =	vadd.f32 v31, v14;
	v62 =	vor.u32 $0x6, v42;
	v31 =	vld.idx.msk [tilespmem:v59+s20+$0x0], $0xffff  }
0x232: {  	v19 =	vadd.f32 v46, v19;
	v27 =	vadd.f32 v33, v27;
	v33 =	vadd.s32 $0x6, v5;
	v46 =	vld.idx.msk [tilespmem:v60+s20+$0x0], $0xffff  }
0x233: {  	v59 =	vor.u32 $0x8, v42;
	v15 =	vld.idx.msk [tilespmem:v63+s20+$0x0], $0xffff  }
0x234: {  	v40 =	vmul.f32 v40, v10;
	v39 =	vmul.f32 v39, v10;
	v60 =	vor.u32 $0x9, v42;
	v35 =	vld.idx.msk [tilespmem:v35+s20+$0x0], $0xffff  }
0x235: {  	v34 =	vmul.f32 v34, v10;
	v49 =	vor.u32 $0xC, v42;
	v22 =	vadd.f32 v56, v26;
	v26 =	vld.idx.msk [tilespmem:v61+s20+$0x0], $0xffff  }
0x236: {  	v20 =	vadd.f32 v40, v20;
	v7 =	vadd.f32 v7, v37;
	v63 =	vor.u32 $0xD, v42;
	v37 =	vld.idx.msk [tilespmem:v62+s20+$0x0], $0xffff  }
0x237: {  	v50 =	vadd.s32 $0x7, v5;
	v58 =	vmul.f32 v57, v10;
	v62 =	vmul.f32 v55, v10;
	v55 =	vld.idx.msk [tilespmem:v33+s2+$0x0], $0xffff  }
0x238: {  	v16 =	vadd.f32 v34, v16;
	v36 =	vmul.f32 v36, v10;
	v61 =	vor.u32 $0xA, v42;
	v48 =	vld.idx.msk [tilespmem:v59+s20+$0x0], $0xffff  }
0x239: {  	v23 =	vadd.f32 v39, v23;
	v11 =	vadd.f32 v58, v11;
	v58 =	vmul.f32 v43, v10;
	v43 =	vld.idx.msk [tilespmem:v60+s20+$0x0], $0xffff  }
0x23a: {  	v19 =	vadd.f32 v36, v19;
	v59 =	vor.u32 $0xE, v42;
	v60 =	vor.u32 $0xF, v42;
	v42 =	vld.idx.msk [tilespmem:v49+s20+$0x0], $0xffff  }
0x23b: {  	v18 =	vadd.f32 v58, v18;
	v24 =	vmul.f32 v24, v10;
	v9 =	vmul.f32 v9, v45;
	v34 =	vld.idx.msk [tilespmem:v63+s20+$0x0], $0xffff  }
0x23c: {  	v33 =	vld.idx.msk [tilespmem:v33+s14+$0x0], $0xffff;
	v17 =	vadd.f32 v62, v17;
	v62 =	vmul.f32 v47, v10;
	v47 =	vshll.u32 v55, $0x4  }
0x23d: {  	v24 =	vadd.f32 v24, v25;
	v38 =	vmul.f32 v38, v45;
	v36 =	vld.idx.msk [tilespmem:v61+s20+$0x0], $0xffff;
	v63 =	vor.u32 $0x1, v47  }
0x23e: {  	v44 =	vmul.f32 v44, v45;
	v9 =	vadd.f32 v9, v14;
	v14 =	vld.idx.msk [tilespmem:v50+s14+$0x0], $0xffff;
	v55 =	vor.u32 $0x2, v47  }
0x23f: {  	v61 =	vmul.f32 v41, v10;
	v10 =	vmul.f32 v32, v10;
	v25 =	vld.idx.msk [tilespmem:v59+s20+$0x0], $0xffff;
	v56 =	vor.u32 $0x3, v47  }
0x240: {  	v31 =	vmul.f32 v31, v45;
	v15 =	vmul.f32 v15, v45;
	v32 =	vld.idx.msk [tilespmem:v60+s20+$0x0], $0xffff;
	v57 =	vor.u32 $0x4, v47  }
0x241: {  	v35 =	vmul.f32 v35, v45;
	v6 =	vadd.f32 v10, v6;
	v58 =	vor.u32 $0x5, v47;
	v10 =	vld.idx.msk [tilespmem:v47+s20+$0x0], $0xffff  }
0x242: {  	v26 =	vmul.f32 v26, v45;
	v27 =	vadd.f32 v38, v27;
	v59 =	vor.u32 $0x6, v47;
	v38 =	vld.idx.msk [tilespmem:v63+s20+$0x0], $0xffff  }
0x243: {  	v7 =	vadd.f32 v44, v7;
	v21 =	vadd.f32 v61, v21;
	v61 =	vor.u32 $0x7, v47;
	v41 =	vld.idx.msk [tilespmem:v55+s20+$0x0], $0xffff  }
0x244: {  	v11 =	vadd.f32 v31, v11;
	v13 =	vadd.f32 v26, v13;
	v60 =	vmul.f32 v46, v45;
	v40 =	vld.idx.msk [tilespmem:v56+s20+$0x0], $0xffff  }
0x245: {  	v22 =	vadd.f32 v62, v22;
	v15 =	vadd.f32 v15, v17;
	v62 =	vor.u32 $0x8, v47;
	v31 =	vld.idx.msk [tilespmem:v57+s20+$0x0], $0xffff  }
0x246: {  	v37 =	vmul.f32 v37, v45;
	v12 =	vadd.f32 v60, v12;
	v60 =	vor.u32 $0xD, v47;
	v26 =	vld.idx.msk [tilespmem:v58+s20+$0x0], $0xffff  }
0x247: {  	v54 =	vmul.f32 v48, v45;
	v43 =	vmul.f32 v43, v45;
	v63 =	vor.u32 $0x9, v47;
	v39 =	vld.idx.msk [tilespmem:v59+s20+$0x0], $0xffff  }
0x248: {  	v42 =	vmul.f32 v42, v45;
	v34 =	vmul.f32 v34, v45;
	v55 =	vor.u32 $0xA, v47;
	v46 =	vld.idx.msk [tilespmem:v61+s20+$0x0], $0xffff  }
0x249: {  	v21 =	vadd.f32 v35, v21;
	v32 =	vmul.f32 v32, v45;
	v56 =	vor.u32 $0xB, v47;
	v58 =	vld.idx.msk [tilespmem:v50+s2+$0x0], $0xffff  }
0x24a: {  	v36 =	vmul.f32 v36, v45;
	v16 =	vadd.f32 v37, v16;
	v57 =	vor.u32 $0xC, v47;
	v59 =	vld.idx.msk [tilespmem:v62+s20+$0x0], $0xffff  }
0x24b: {  	v17 =	vadd.f32 v54, v19;
	v61 =	vor.u32 $0xE, v47;
	v6 =	vadd.f32 v32, v6;
	v32 =	vld.idx.msk [tilespmem:v60+s20+$0x0], $0xffff  }
0x24c: {  	v20 =	vadd.f32 v43, v20;
	v37 =	vadd.s32 $0x8, v5;
	v25 =	vmul.f32 v25, v45;
	v44 =	vld.idx.msk [tilespmem:v63+s20+$0x0], $0xffff  }
0x24d: {  	v23 =	vadd.f32 v42, v23;
	v24 =	vadd.f32 v34, v24;
	v47 =	vor.u32 $0xF, v47;
	v48 =	vld.idx.msk [tilespmem:v55+s20+$0x0], $0xffff  }
0x24e: {  	v5 =	vadd.s32 $0x9, v5;
	v18 =	vadd.f32 v36, v18;
	v22 =	vadd.f32 v25, v22;
	v35 =	vld.idx.msk [tilespmem:v56+s20+$0x0], $0xffff  }
0x24f: {  	v10 =	vmul.f32 v10, v33;
	v19 =	vld.idx.msk [tilespmem:v57+s20+$0x0], $0xffff;
	v25 =	vshll.u32 v58, $0x4;
	v63 =	vmul.f32 v38, v33  }
0x250: {  	v45 =	vmul.f32 v41, v33;
	v41 =	vld.idx.msk [tilespmem:v61+s20+$0x0], $0xffff;
	v26 =	vmul.f32 v26, v33;
	v62 =	vor.u32 $0x1, v25  }
0x251: {  	v39 =	vmul.f32 v39, v33;
	v57 =	vmul.f32 v46, v33;
	v61 =	vld.idx.msk [tilespmem:v37+s2+$0x0], $0xffff;
	v49 =	vor.u32 $0x2, v25  }
0x252: {  	v9 =	vadd.f32 v10, v9;
	v10 =	vmul.f32 v40, v33;
	v40 =	vld.idx.msk [tilespmem:v47+s20+$0x0], $0xffff;
	v54 =	vor.u32 $0x3, v25  }
0x253: {  	v59 =	vmul.f32 v59, v33;
	v55 =	vor.u32 $0x4, v25;
	v15 =	vadd.f32 v57, v15;
	v57 =	vld.idx.msk [tilespmem:v5+s2+$0x0], $0xffff  }
0x254: {  	v56 =	vor.u32 $0x5, v25;
	v10 =	vadd.f32 v10, v11;
	v11 =	vmul.f32 v31, v33;
	v31 =	vld.idx.msk [tilespmem:v25+s20+$0x0], $0xffff  }
0x255: {  	v58 =	vor.u32 $0x6, v25;
	v60 =	vor.u32 $0x7, v25;
	v27 =	vadd.f32 v63, v27;
	v34 =	vld.idx.msk [tilespmem:v62+s20+$0x0], $0xffff  }
0x256: {  	v32 =	vmul.f32 v32, v33;
	v7 =	vadd.f32 v45, v7;
	v26 =	vadd.f32 v26, v13;
	v42 =	vld.idx.msk [tilespmem:v49+s20+$0x0], $0xffff  }
0x257: {  	v50 =	vor.u32 $0xD, v25;
	v16 =	vadd.f32 v39, v16;
	v17 =	vadd.f32 v59, v17;
	v13 =	vld.idx.msk [tilespmem:v54+s20+$0x0], $0xffff  }
0x258: {  	v24 =	vadd.f32 v32, v24;
	v11 =	vadd.f32 v11, v12;
	v63 =	vmul.f32 v48, v33;
	v38 =	vld.idx.msk [tilespmem:v55+s20+$0x0], $0xffff  }
0x259: {  	v48 =	vor.u32 $0xC, v25;
	v41 =	vmul.f32 v41, v33;
	v49 =	vmul.f32 v35, v33;
	v35 =	vld.idx.msk [tilespmem:v56+s20+$0x0], $0xffff  }
0x25a: {  	v39 =	vshll.u32 v61, $0x4;
	v62 =	vmul.f32 v44, v33;
	v43 =	vld.idx.msk [tilespmem:v58+s20+$0x0], $0xffff;
	v54 =	vor.u32 $0xE, v25  }
0x25b: {  	v55 =	vmul.f32 v19, v33;
	v56 =	vor.u32 $0xF, v25;
	v36 =	vld.idx.msk [tilespmem:v60+s20+$0x0], $0xffff;
	v58 =	vmul.f32 v40, v33  }
0x25c: {  	v60 =	vor.u32 $0xC, v39;
	v32 =	vld.idx.msk [tilespmem:v50+s20+$0x0], $0xffff;
	v61 =	vor.u32 $0xD, v39;
	v50 =	vor.u32 $0xF, v39  }
0x25d: {  	v47 =	vor.u32 $0x1, v39;
	v18 =	vadd.f32 v63, v18;
	v22 =	vadd.f32 v41, v22  }
0x25e: {  	v12 =	vshll.u32 v57, $0x4;
	v20 =	vadd.f32 v62, v20;
	v62 =	vor.u32 $0xE, v39;
	v59 =	vld.idx.msk [tilespmem:v48+s20+$0x0], $0xffff  }
0x25f: {  	v21 =	vadd.f32 v49, v21;
	v23 =	vadd.f32 v55, v23;
	v63 =	vor.u32 $0xC, v12;
	v44 =	vld.idx.msk [tilespmem:v54+s20+$0x0], $0xffff  }
0x260: {  	v6 =	vadd.f32 v58, v6;
	v49 =	vor.u32 $0xD, v12;
	v31 =	vmul.f32 v31, v14;
	v19 =	vld.idx.msk [tilespmem:v56+s20+$0x0], $0xffff  }
0x261: {  	v58 =	vor.u32 $0x8, v25;
	v34 =	vmul.f32 v34, v14;
	v42 =	vmul.f32 v42, v14;
	v48 =	vld.idx.msk [tilespmem:v60+s20+$0x0], $0xffff  }
0x262: {  	v35 =	vmul.f32 v35, v14;
	v31 =	vadd.f32 v31, v9;
	v9 =	vmul.f32 v13, v14;
	v13 =	vld.idx.msk [tilespmem:v37+s14+$0x0], $0xffff  }
0x263: {  	v54 =	vmul.f32 v43, v14;
	v56 =	vor.u32 $0xE, v12;
	v33 =	vmul.f32 v36, v14;
	v55 =	vld.idx.msk [tilespmem:v62+s20+$0x0], $0xffff  }
0x264: {  	v7 =	vadd.f32 v42, v7;
	v57 =	vld.idx.msk [tilespmem:v63+s20+$0x0], $0xffff;
	v42 =	vadd.f32 v9, v10;
	v9 =	vmul.f32 v38, v14  }
0x265: {  	v32 =	vmul.f32 v32, v14;
	v27 =	vadd.f32 v34, v27;
	v26 =	vadd.f32 v35, v26;
	v10 =	vld.idx.msk [tilespmem:v61+s20+$0x0], $0xffff  }
0x266: {  	v16 =	vadd.f32 v54, v16;
	v46 =	vadd.f32 v9, v11;
	v9 =	vld.idx.msk [tilespmem:v5+s14+$0x0], $0xffff;
	v5 =	vor.u32 $0xF, v12  }
0x267: {  	v60 =	vld.idx.msk [tilespmem:v49+s20+$0x0], $0xffff;
	v24 =	vadd.f32 v32, v24;
	v61 =	vor.u32 $0xA, v25;
	v11 =	vmul.f32 v59, v14  }
0x268: {  	v38 =	vld.idx.msk [tilespmem:v50+s20+$0x0], $0xffff;
	v59 =	vor.u32 $0x9, v25;
	v62 =	vmul.f32 v44, v14;
	v19 =	vmul.f32 v19, v14  }
0x269: {  	v25 =	vor.u32 $0xB, v25;
	v63 =	vld.idx.msk [tilespmem:v56+s20+$0x0], $0xffff;
	v34 =	vmul.f32 v48, v13;
	v11 =	vadd.f32 v11, v23  }
0x26a: {  	v40 =	vld.idx.msk [tilespmem:v47+s20+$0x0], $0xffff;
	v22 =	vadd.f32 v62, v22;
	v19 =	vadd.f32 v19, v6;
	v10 =	vmul.f32 v10, v13  }
0x26b: {  	v6 =	vmul.f32 v55, v13;
	v41 =	vld.idx.msk [tilespmem:v5+s20+$0x0], $0xffff;
	v5 =	vadd.f32 v34, v11;
	v43 =	vmul.f32 v57, v9  }
0x26c: {  	v50 =	vor.u32 $0x2, v39;
	v11 =	vld.idx.msk [tilespmem:v58+s20+$0x0], $0xffff;
	v10 =	vadd.f32 v10, v24;
	v23 =	vmul.f32 v60, v9  }
0x26d: {  	v48 =	vmul.f32 v38, v13;
	v49 =	vld.idx.msk [tilespmem:v61+s20+$0x0], $0xffff;
	v22 =	vadd.f32 v6, v22;
	v6 =	vadd.f32 v43, v5  }
0x26e: {  	v15 =	vadd.f32 v33, v15;
	v45 =	vld.idx.msk [tilespmem:v59+s20+$0x0], $0xffff;
	v5 =	vadd.f32 v23, v10;
	v10 =	vmul.f32 v63, v9  }
0x26f: {  	v19 =	vadd.f32 v48, v19;
	v25 =	vld.idx.msk [tilespmem:v25+s20+$0x0], $0xffff;
	v58 =	vor.u32 $0x3, v39;
	v55 =	vmul.f32 v6, v6  }
0x270: {  	v59 =	vld.idx.msk [tilespmem:v39+s20+$0x0], $0xffff;
	v10 =	vadd.f32 v10, v22;
	v56 =	vmul.f32 v5, v5;
	v54 =	vmul.f32 v41, v9  }
0x271: {  	v43 =	vor.u32 $0x5, v39;
	v23 =	vld.idx.msk [tilespmem:v50+s20+$0x0], $0xffff;
	v50 =	vmul.f32 v40, v13;
	v57 =	vmul.f32 v11, v14  }
0x272: {  	v60 =	vadd.f32 v56, v55;
	v61 =	vmul.f32 v10, v10;
	v11 =	vadd.f32 v54, v19  }
0x273: {  	v63 =	vmul.f32 v49, v14;
	v49 =	vor.u32 $0x7, v39;
	v62 =	vmul.f32 v45, v14  }
0x274: {  	v41 =	vor.u32 $0x4, v39;
	v19 =	vadd.f32 v61, v60;
	v44 =	vmul.f32 v11, v11  }
0x275: {  	v14 =	vmul.f32 v25, v14;
	v45 =	vor.u32 $0x6, v39;
	v47 =	vmul.f32 v59, v13  }
0x276: {  	v48 =	vld.idx.msk [tilespmem:v58+s20+$0x0], $0xffff;
	v58 =	vor.u32 $0x9, v39;
	v17 =	vadd.f32 v57, v17;
	v19 =	vadd.f32 v44, v19  }
0x277: {  	v55 =	vor.u32 $0x8, v39;
	v20 =	vadd.f32 v62, v20;
	v14 =	vadd.f32 v14, v21;
	v57 =	vld.idx.msk [tilespmem:v43+s20+$0x0], $0xffff  }
0x278: {  	v21 =	vadd.f32 v47, v31;
	v31 =	vor.u32 $0xB, v39;
	v62 =	vld.idx.msk [tilespmem:v49+s20+$0x0], $0xffff;
	v56 =	vmax.f32 v19, $1.000000000e-30  }
0x279: {  	v60 =	vor.u32 $0xA, v39;
	v54 =	vld.idx.msk [tilespmem:v41+s20+$0x0], $0xffff;
	v59 =	vshra.s32 v56, $0x1;
	v35 =	vmul.f32 $5.000000000e-01, v56  }
0x27a: {  	v23 =	vmul.f32 v23, v13;
	v49 =	vor.u32 $0x3, v12;
	v24 =	vld.idx.msk [tilespmem:v45+s20+$0x0], $0xffff;
	v38 =	vsub.s32 $0x5F3759DF, v59  }
0x27b: {  	v27 =	vadd.f32 v50, v27;
	v50 =	vor.u32 $0x4, v12;
	v37 =	vld.idx.msk [tilespmem:v58+s20+$0x0], $0xffff;
	v61 =	vmul.f32 v38, v35  }
0x27c: {  	v18 =	vadd.f32 v63, v18;
	v7 =	vadd.f32 v23, v7;
	v22 =	vmul.f32 v48, v13;
	v63 =	vld.idx.msk [tilespmem:v55+s20+$0x0], $0xffff  }
0x27d: {  	v45 =	vor.u32 $0x1, v12;
	v48 =	vor.u32 $0x2, v12;
	v31 =	vld.idx.msk [tilespmem:v31+s20+$0x0], $0xffff;
	v47 =	vmul.f32 v38, v61  }
0x27e: {  	v58 =	vor.u32 $0x7, v12;
	v55 =	vor.u32 $0x5, v12;
	v36 =	vmul.f32 v57, v13;
	v40 =	vld.idx.msk [tilespmem:v60+s20+$0x0], $0xffff  }
0x27f: {  	v22 =	vadd.f32 v22, v42;
	v23 =	vmul.f32 v62, v13;
	v60 =	vld.idx.msk [tilespmem:v49+s20+$0x0], $0xffff;
	v34 =	vsub.f32 $1.500000000e+00, v47  }
0x280: {  	v62 =	vor.u32 $0x9, v12;
	v26 =	vadd.f32 v36, v26;
	v36 =	vld.idx.msk [tilespmem:v50+s20+$0x0], $0xffff;
	v33 =	vmul.f32 v54, v13  }
0x281: {  	v56 =	vor.u32 $0x6, v12;
	v24 =	vmul.f32 v24, v13;
	v54 =	vld.idx.msk [tilespmem:v12+s20+$0x0], $0xffff;
	v34 =	vmul.f32 v38, v34  }
0x282: {  	v32 =	vld.idx.msk [tilespmem:v45+s20+$0x0], $0xffff;
	v45 =	vmul.u32 $0x3, v4;
	v25 =	vmul.f32 v63, v13;
	v63 =	vor.u32 $0xA, v12  }
0x283: {  	v57 =	vld.idx.msk [tilespmem:v48+s20+$0x0], $0xffff;
	v15 =	vadd.f32 v23, v15;
	v37 =	vmul.f32 v37, v13;
	v59 =	vmul.f32 v34, v35  }
0x284: {  	v39 =	vld.idx.msk [tilespmem:v58+s20+$0x0], $0xffff;
	v33 =	vadd.f32 v33, v46;
	v16 =	vadd.f32 v24, v16;
	v40 =	vmul.f32 v40, v13  }
0x285: {  	v61 =	vor.u32 $0x8, v12;
	v13 =	vmul.f32 v31, v13;
	v31 =	vld.idx.msk [tilespmem:v55+s20+$0x0], $0xffff;
	v44 =	vmul.f32 v59, v34  }
0x286: {  	v20 =	vadd.f32 v37, v20;
	v49 =	vadd.s32 $0x1, v45;
	v50 =	vld.idx.msk [tilespmem:v62+s20+$0x0], $0xffff;
	v55 =	vadd.s32 $0x2, v45  }
0x287: {  	v12 =	vor.u32 $0xB, v12;
	v46 =	vmul.f32 v54, v9;
	v54 =	vld.idx.msk [tilespmem:v63+s20+$0x0], $0xffff;
	v44 =	vsub.f32 $1.500000000e+00, v44  }
0x288: {  	v17 =	vadd.f32 v25, v17;
	v23 =	vmul.f32 v60, v9;
	v24 =	vmul.f32 v57, v9;
	v57 =	vld.idx.msk [tilespmem:v45+s15+$0x0], $0xffff  }
0x289: {  	v18 =	vadd.f32 v40, v18;
	v13 =	vadd.f32 v13, v14;
	v38 =	vld.idx.msk [tilespmem:v56+s20+$0x0], $0xffff;
	v48 =	vmul.f32 v44, v34  }
0x28a: {  	v32 =	vmul.f32 v32, v9;
	v22 =	vadd.f32 v23, v22;
	v60 =	vmul.f32 v39, v9;
	v47 =	vld.idx.msk [tilespmem:v61+s20+$0x0], $0xffff  }
0x28b: {  	v21 =	vadd.f32 v46, v21;
	v56 =	vmul.f32 v36, v9;
	v62 =	vld.idx.msk [tilespmem:v55+s15+$0x0], $0xffff;
	v35 =	vmul.f32 v48, v35  }
0x28c: {  	v27 =	vadd.f32 v32, v27;
	v7 =	vadd.f32 v24, v7;
	v31 =	vmul.f32 v31, v9;
	v12 =	vld.idx.msk [tilespmem:v12+s20+$0x0], $0xffff  }
0x28d: {  	v15 =	vadd.f32 v60, v15;
	v32 =	vadd.f32 v56, v33;
	v59 =	vld.idx.msk [tilespmem:v49+s15+$0x0], $0xffff;
	v58 =	vmul.f32 v35, v48  }
0x28e: {  	v26 =	vadd.f32 v31, v26;
	v61 =	vmul.f32 v54, v9;
	v31 =	vmul.f32 v38, v9  }
0x28f: {  	v25 =	vmul.f32 v57, v22;
	v14 =	vmul.f32 v47, v9;
	v24 =	vsub.f32 $1.500000000e+00, v58  }
0x290: {  	v7 =	vmul.f32 v62, v7;
	v16 =	vadd.f32 v31, v16;
	v31 =	vmul.f32 v50, v9  }
0x291: {  	v18 =	vadd.f32 v61, v18;
	v9 =	vmul.f32 v12, v9;
	v63 =	vmul.f32 v24, v48  }
0x292: {  	v14 =	vadd.f32 v14, v17;
	v35 =	vmul.f32 v59, v27;
	v24 =	vmul.f32 v57, v21  }
0x293: {  	v20 =	vadd.f32 v31, v20;
	v38 =	vmul.f32 v59, v32;
	v12 =	vmul.f32 v63, v19  }
0x294: {  	v16 =	vmul.f32 v57, v16;
	v15 =	vmul.f32 v59, v15;
	v17 =	vadd.f32 v35, v24  }
0x295: {  	v39 =	vmul.f32 v62, v26;
	v19 =	vadd.f32 v38, v25;
	v12 =	vadd.f32 $9.999999930e-09, v12  }
0x296: {  	v14 =	vmul.f32 v62, v14;
	v15 =	vadd.f32 v15, v16;
	v7 =	vadd.f32 v7, v17  }
0x297: {  	v9 =	vadd.f32 v9, v13;
	v40 =	vadd.f32 v39, v19;
	(erf) = vrcp.f32 v12  }
0x298: {  	v4 =	vshll.u32 v4, $0x2;
	v42 =	vadd.f32 v14, v15;
	v7 =	vadd.f32 v7, v20  }
0x299: {  	v43 =	vor.u32 $0x1, v4;
	v13 =	vadd.f32 v40, v18  }
0x29a: {  	v9 =	vadd.f32 v42, v9;
	[tilespmem:v45+s21+$0x0] =	vst.idx.msk $0xffff, v7;
	v7 =	vor.u32 $0x2, v4  }
0x29b: {  	[tilespmem:v49+s21+$0x0] =	vst.idx.msk $0xffff, v13  }
0x29c: {  	[tilespmem:v55+s21+$0x0] =	vst.idx.msk $0xffff, v9  }
0x29d: {  	v9 =	vor.u32 $0x3, v4;
	v44 =	vld.idx.msk [tilespmem:v4+s16+$0x0], $0xffff  }
0x29e: {  	v13 =	vld.idx.msk [tilespmem:v43+s16+$0x0], $0xffff  }
0x29f: {  	v45 =	vld.idx.msk [tilespmem:v7+s16+$0x0], $0xffff  }
0x2a0: {  	v46 =	vpop (erf)  }
0x2a1: {  	v6 =	vmul.f32 v46, v6;
	v5 =	vmul.f32 v46, v5  }
0x2a2: {  	v47 =	vld.idx.msk [tilespmem:v9+s16+$0x0], $0xffff;
	v10 =	vmul.f32 v46, v10;
	v11 =	vmul.f32 v46, v11  }
0x2a3: {  	v48 =	vmul.f32 v6, v44;
	v49 =	vmul.f32 v5, v13  }
0x2a4: {  	v50 =	vmul.f32 v10, v45;
	v54 =	vmul.f32 v6, v13  }
0x2a5: {  	v55 =	vmul.f32 v5, v44;
	v58 =	vmul.f32 v6, v45  }
0x2a6: {  	v62 =	vmul.f32 v10, v44;
	v15 =	vmul.f32 v11, v45  }
0x2a7: {  	v16 =	vsub.f32 v48, v49;
	v57 =	vmul.f32 v10, v47;
	v59 =	vmul.f32 v5, v47  }
0x2a8: {  	v20 =	vadd.f32 v55, v54;
	v6 =	vmul.f32 v6, v47;
	v5 =	vmul.f32 v5, v45  }
0x2a9: {  	v56 =	vmul.f32 v11, v47;
	v16 =	vsub.f32 v16, v50;
	v61 =	vsub.f32 v58, v59  }
0x2aa: {  	v60 =	vadd.f32 v20, v57;
	v5 =	vadd.f32 v5, v6;
	v6 =	vmul.f32 v10, v13  }
0x2ab: {  	p0 =	sne.s32 s24, $0xC30;
	v13 =	vmul.f32 v11, v13;
	v10 =	vsub.f32 v16, v56;
	v63 =	vadd.f32 v61, v62  }
.Ltmp0:
0x2ac: {  	v15 =	vsub.f32 v60, v15;
	v5 =	vsub.f32 v5, v6;
	v6 =	vmul.f32 v11, v44;
	(pc) =	sbr.rel @p0 .LBB2_2-.Ltmp0, $4  }
0x2ad: {  	v11 =	vadd.f32 v63, v13;
	[tilespmem:v4+s22+$0x0] =	vst.idx.msk $0xffff, v10  }
0x2ae: {  	v4 =	vadd.f32 v5, v6;
	[tilespmem:v43+s22+$0x0] =	vst.idx.msk $0xffff, v15  }
0x2af: {  	[tilespmem:v7+s22+$0x0] =	vst.idx.msk $0xffff, v11  }
0x2b0: {  	s24 =	sadd.s32 $0x10, s24;
	[tilespmem:v9+s22+$0x0] =	vst.idx.msk $0xffff, v4  }
0x2b1: {  	[hbm4b:s10+s2] =	stream.linear.scatter [tilespmem:s21], [sflag:$0x1], $0x24C0, $0x38;
	[tilespmem:$0x1A980] =	vst v63  }
0x2b2: {  	s23 =	sadd.s32 $0x1, s23;
	_ =	swait.ge [sflag:s13], $0x24C0  }
0x2b3: {  	p0 =	sne.s32 s23, s12;
	[sflag:s13] =	ssyncset.done $0x0  }
.Ltmp1:
0x2b4: {  	[sflag:s13] =	ssyncadd.s32 $0xFFFFDB40;
	(pc) =	sbr.rel @p0 .LBB2_1-.Ltmp1, $4  }
0x2b5: {  	[hbm4b:s11+s2] =	stream.linear.scatter [tilespmem:s22], [sflag:$0x1], $0x3100, $0x38;
	[tilespmem:$0x1A980] =	vst v63  }
0x2b6: {  	_ =	swait.ge [sflag:s13], $0x3100  }
0x2b7: {  	[sflag:s13] =	ssyncset.done $0x0  }
0x2b8: {  	[sflag:s13] =	ssyncadd.s32 $0xFFFFCF00  }
0x2b9: {  	_ =	sfence.sel $0x180000  }
0x2ba: {  	[bflag:$0x0] =	sbarrier.arrive $0xFFFF  }
0x2bb: {  	p0 =	sne.s32 s0, $0x0;
	_ =	strace $0x90000047  }
0x2bc: {  	s0 =	sadd.s32 @!p0 $0x100000, s1;
	[bflag:$0x2] =	sbarrier.arrive $0xFFFF  }
0x2bd: {  	[sflag:s0] =	ssyncadd.tile.s32 @!p0 $0x1;
	_ =	shalt  }
.Lfunc_end2:
_tile_overlayer_lowered:
.L_overlay_start_2:
0x2be: {  	(tag) =	ssettag $0x2  }
0x2bf: {  	s0 =	rddreg [dreg:$0x0];
	s2 =	stileid.u32  }
0x2c0: {  	s1 =	rddreg [dreg:$0x1];
	p0 =	sne.s32 s2, $0x0  }
0x2c1: {  	s3 =	rddreg [dreg:$0x2];
	[bflag:$0x3] =	sbarrier.arrive $0xFFFF;
	s2 =	simm.s32 @!p0 $0x1C01  }
0x2c2: {  	[timem:s3], [sflag:s2] =	dma.local @!p0 [hbm:s0], s1  }
0x2c3: {  	s0 =	simm.s32 @!p0 $0x1  }
0x2c4: {  	_ =	swait.ge @!p0 [sflag:s0], s1  }
0x2c5: {  	s1 =	ssub.s32 @!p0 $0x0, s1;
	[sflag:s0] =	ssyncset.done @!p0 $0x0  }
0x2c6: {  	[sflag:s0] =	ssyncadd.s32 @!p0 s1  }
0x2c7: {  	[bflag:$0x3] =	sbarrier.arrive $0xFFFF  }
0x2c8: {  	_ =	shalt  }

</sc_bundles>
